<compile_context>
chip_gen: v7x
topology: tpu7x:2x2x1
jax: 0.10.2.dev20260603
libtpu: 0.0.44.dev20260713+nightly
codegen_flags: <defaults>
</compile_context>

<pallas_src>
import functools

import jax
import jax.numpy as jnp
from jax import lax
from jax.experimental import pallas as pl
from jax.experimental.pallas import tpu as pltpu
from jax.experimental.pallas import tpu_sc as plsc

N_NODES_ = 10000
N_EDGES_ = 320000
D_ = 128

_NC = 2
_NS = 16
_NW = _NC * _NS

_CHUNK = 64
_CHUNKS_PER_W = 160
_EPW = _CHUNK * _CHUNKS_PER_W


def _sc_body(h_hbm, ei_hbm, out_hbm,
             sidx, didx, srows, drows, scb, h_sh,
             ssem0, ssem1, dsem0, dsem1,
             is0, is1, id0, id1, ws0, ws1):
  wid = lax.axis_index("s") * _NC + lax.axis_index("c")
  base = wid * _EPW
  nchunks = jnp.minimum(_CHUNKS_PER_W, (N_EDGES_ - base) // _CHUNK)

  ssem = (ssem0, ssem1)
  dsem = (dsem0, dsem1)
  isem = (is0, is1)
  idsem = (id0, id1)
  wsem = (ws0, ws1)

  @pl.when(lax.axis_index("s") == 0)
  def _():
    pltpu.sync_copy(h_hbm, h_sh)

  def idx_copies(b, cur):
    iv = pl.ds(base + cur * _CHUNK, _CHUNK)
    return (pltpu.make_async_copy(ei_hbm.at[0, iv], sidx.at[b], isem[b]),
            pltpu.make_async_copy(ei_hbm.at[1, iv], didx.at[b], idsem[b]))

  def start_idx(b, cur):
    for c in idx_copies(b, cur):
      c.start()

  def wait_idx(b, cur):
    for c in idx_copies(b, cur):
      c.wait()

  def gather_copies(b):
    return (pltpu.make_async_copy(h_sh.at[sidx.at[b]], srows.at[b], ssem[b]),
            pltpu.make_async_copy(h_sh.at[didx.at[b]], drows.at[b], dsem[b]))

  def start_gathers(b):
    for c in gather_copies(b):
      c.start()

  def wait_gathers(b):
    for c in gather_copies(b):
      c.wait()

  for b in range(2):
    start_idx(b, b)

  plsc.subcore_barrier()

  wait_idx(0, 0)
  start_gathers(0)

  lane = lax.iota(jnp.int32, 16)

  def compute_chunk(b, cur):
    sr = srows.at[b]
    dr = drows.at[b]

    def group_body(g, _):
      rowv = g * 16 + lane

      def dblk_body(dblk, carry):
        accs = list(carry)
        colv = (lane + dblk * 16) & 127
        for d2 in range(16):
          sv = plsc.load_gather(sr, [rowv, colv])
          dv = plsc.load_gather(dr, [rowv, colv])
          accs[d2 % 4] = accs[d2 % 4] + sv * dv
          if d2 < 15:
            colv = (colv + 1) & 127
        return tuple(accs)

      z = jnp.zeros((16,), jnp.float32)
      a0, a1, a2, a3 = lax.fori_loop(0, D_ // 16, dblk_body, (z, z, z, z))
      scb[b, pl.ds(g * 16, 16)] = (a0 + a1) + (a2 + a3)
      return 0

    lax.fori_loop(0, _CHUNK // 16, group_body, 0)

  def score_copy(b, cur):
    return pltpu.make_async_copy(
        scb.at[b], out_hbm.at[pl.ds(base + cur * _CHUNK, _CHUNK)], wsem[b])

  def loop_body(i, _):
    for b in range(2):
      cur = 2 * i + b

      @pl.when(cur + 1 < nchunks)
      def _():
        wait_idx(1 - b, cur + 1)
        start_gathers(1 - b)

      wait_gathers(b)

      @pl.when(cur + 2 < nchunks)
      def _():
        start_idx(b, cur + 2)

      @pl.when(cur >= 2)
      def _():
        score_copy(b, cur - 2).wait()

      compute_chunk(b, cur)
      score_copy(b, cur).start()
    return 0

  lax.fori_loop(0, nchunks // 2, loop_body, 0)

  for b in range(2):
    score_copy(b, nchunks - 2 + b).wait()


@jax.jit
def _dot_predictor(h, edge_index):
  mesh = plsc.VectorSubcoreMesh(core_axis_name="c", subcore_axis_name="s")
  f = pl.kernel(
      _sc_body,
      out_type=jax.ShapeDtypeStruct((N_EDGES_,), jnp.float32),
      mesh=mesh,
      compiler_params=pltpu.CompilerParams(needs_layout_passes=False),
      scratch_types=[
          pltpu.VMEM((2, _CHUNK), jnp.int32),
          pltpu.VMEM((2, _CHUNK), jnp.int32),
          pltpu.VMEM((2, _CHUNK, D_), jnp.float32),
          pltpu.VMEM((2, _CHUNK, D_), jnp.float32),
          pltpu.VMEM((2, _CHUNK), jnp.float32),
          pltpu.VMEM_SHARED((N_NODES_, D_), jnp.float32),
          pltpu.SemaphoreType.DMA,
          pltpu.SemaphoreType.DMA,
          pltpu.SemaphoreType.DMA,
          pltpu.SemaphoreType.DMA,
          pltpu.SemaphoreType.DMA,
          pltpu.SemaphoreType.DMA,
          pltpu.SemaphoreType.DMA,
          pltpu.SemaphoreType.DMA,
          pltpu.SemaphoreType.DMA,
          pltpu.SemaphoreType.DMA,
      ],
  )
  return f(h, edge_index)


def kernel(h, edge_index):
  return _dot_predictor(h, edge_index.astype(jnp.int32))

# --- scband reference (transcript-rebuilt; emitter-appended) ---
"""Pipeline reference for scband-dot-predictor-30691836297942 (READ-ONLY COPY).

The authoritative reference and input builder live on the scoring server;
editing this copy changes nothing except your own understanding.
"""

import jax, jax.numpy as jnp
import numpy as np

N_NODES = 10000
N_EDGES = 320000
D_FEAT = 128


def setup_inputs(seed: int = 0) -> dict:
    key = jax.random.key(seed)
    k1, k2 = jax.random.split(key)
    h = jax.random.normal(k1, (N_NODES, D_FEAT), dtype=jnp.float32)
    edge_index = jax.random.randint(k2, (2, N_EDGES), 0, N_NODES, dtype=jnp.int64)
    return {"h": h, "edge_index": edge_index}


def reference(h, edge_index):
    # DGL DotPredictor: for each edge (u, v), score = <h_u, h_v>
    # g.apply_edges(fn.u_dot_v('h', 'h', 'score')) produces edata['score'] of shape [E, 1];
    # the module returns edata['score'][:, 0] -> shape [E].
    src = edge_index[0]
    dst = edge_index[1]
    h_src = jnp.take(h, src, axis=0)
    h_dst = jnp.take(h, dst, axis=0)
    score = jnp.sum(h_src * h_dst, axis=-1)
    return score

if __name__ == "__main__":
    import jax
    _d = setup_inputs()
    print(jax.jit(kernel)(*tuple(_d.values())))

</pallas_src>

<mosaic_0001>
#map = affine_map<(d0, d1) -> (0, 0)>
#map1 = affine_map<(d0, d1) -> (0)>
module attributes {stable_mosaic.version = 14 : i64} {
  func.func @_sc_body(%arg0: i32, %arg1: i32, %arg2: memref<10000x128xf32, #tpu.memory_space<hbm>>, %arg3: memref<2x320000xi32, #tpu.memory_space<hbm>>, %arg4: memref<320000xf32, #tpu.memory_space<hbm>>, %arg5: memref<2x64xi32, #tpu.memory_space<vmem>>, %arg6: memref<2x64xi32, #tpu.memory_space<vmem>>, %arg7: memref<2x64x128xf32, #tpu.memory_space<vmem>>, %arg8: memref<2x64x128xf32, #tpu.memory_space<vmem>>, %arg9: memref<2x64xf32, #tpu.memory_space<vmem>>, %arg10: memref<10000x128xf32, #tpu.memory_space<vmem_shared>>, %arg11: memref<!tpu.dma_semaphore, #tpu.memory_space<semaphore_mem>>, %arg12: memref<!tpu.dma_semaphore, #tpu.memory_space<semaphore_mem>>, %arg13: memref<!tpu.dma_semaphore, #tpu.memory_space<semaphore_mem>>, %arg14: memref<!tpu.dma_semaphore, #tpu.memory_space<semaphore_mem>>, %arg15: memref<!tpu.dma_semaphore, #tpu.memory_space<semaphore_mem>>, %arg16: memref<!tpu.dma_semaphore, #tpu.memory_space<semaphore_mem>>, %arg17: memref<!tpu.dma_semaphore, #tpu.memory_space<semaphore_mem>>, %arg18: memref<!tpu.dma_semaphore, #tpu.memory_space<semaphore_mem>>, %arg19: memref<!tpu.dma_semaphore, #tpu.memory_space<semaphore_mem>>, %arg20: memref<!tpu.dma_semaphore, #tpu.memory_space<semaphore_mem>>) attributes {dimension_semantics = [#tpu.dimension_semantics<core_parallel>, #tpu.dimension_semantics<subcore_parallel>], iteration_bounds = array<i64: 2, 16>, scalar_prefetch = 0 : i64, scratch_operands = 16 : i64, tpu.core_type = #tpu.core_type<sc_vector_subcore>, window_params = [{transform_indices = #map}, {transform_indices = #map}, {transform_indices = #map1}]} {
    %mul3A = arith.constant 2 : i32
    %mul3A_0 = arith.muli %arg1, %mul3A : i32
    %add3A = arith.addi %mul3A_0, %arg0 : i32
    %mul3A_1 = arith.constant 10240 : i32
    %mul3A_2 = arith.muli %add3A, %mul3A_1 : i32
    %sub3A = arith.constant 320000 : i32
    %sub3A_3 = arith.subi %sub3A, %mul3A_2 : i32
    %jit3A = arith.constant 64 : i32
    %div3A = arith.divsi %sub3A_3, %jit3A : i32
    %sign3A = arith.constant 0 : i32
    %sign3A_4 = arith.cmpi sgt, %sub3A_3, %sign3A : i32
    %sign3A_5 = arith.extui %sign3A_4 : i1 to i32
    %sign3A_6 = arith.constant 0 : i32
    %sign3A_7 = arith.cmpi slt, %sub3A_3, %sign3A_6 : i32
    %sign3A_8 = arith.extui %sign3A_7 : i1 to i32
    %sign3A_9 = arith.subi %sign3A_5, %sign3A_8 : i32
    %sign3A_10 = arith.constant 0 : i32
    %sign3A_11 = arith.cmpi sgt, %jit3A, %sign3A_10 : i32
    %sign3A_12 = arith.extui %sign3A_11 : i1 to i32
    %sign3A_13 = arith.constant 0 : i32
    %sign3A_14 = arith.cmpi slt, %jit3A, %sign3A_13 : i32
    %sign3A_15 = arith.extui %sign3A_14 : i1 to i32
    %sign3A_16 = arith.subi %sign3A_12, %sign3A_15 : i32
    %ne3A = arith.cmpi ne, %sign3A_9, %sign3A_16 : i32
    %rem3A = arith.remsi %sub3A_3, %jit3A : i32
    %ne3A_17 = arith.constant 0 : i32
    %ne3A_18 = arith.cmpi ne, %rem3A, %ne3A_17 : i32
    %and3A = arith.andi %ne3A, %ne3A_18 : i1
    %sub3A_19 = arith.constant 1 : i32
    %sub3A_20 = arith.subi %div3A, %sub3A_19 : i32
    %select_n3A = arith.select %and3A, %sub3A_20, %div3A : i32
    %min3A = arith.constant 160 : i32
    %min3A_21 = arith.minsi %min3A, %select_n3A : i32
    %eq3A = arith.constant 0 : i32
    %eq3A_22 = arith.cmpi eq, %arg1, %eq3A : i32
    %convert_element_type3A = arith.extui %eq3A_22 : i1 to i32
    %cond3A = arith.constant 0 : i32
    %cond3A_23 = arith.cmpi ne, %convert_element_type3A, %cond3A : i32
    scf.if %cond3A_23 {
      "tpu.region"() ({
        %run_scoped3A = tpu.sem_alloc : memref<!tpu.dma_semaphore, #tpu.memory_space<semaphore_mem>>
        tpu.enqueue_dma source(%arg2 : memref<10000x128xf32, #tpu.memory_space<hbm>>) target(%arg10 : memref<10000x128xf32, #tpu.memory_space<vmem_shared>>) target_semaphore(%run_scoped3A : memref<!tpu.dma_semaphore, #tpu.memory_space<semaphore_mem>>)
        tpu.wait_dma2 semaphore(%run_scoped3A : memref<!tpu.dma_semaphore, #tpu.memory_space<semaphore_mem>>) src(%arg2 : memref<10000x128xf32, #tpu.memory_space<hbm>>) dst(%arg10 : memref<10000x128xf32, #tpu.memory_space<vmem_shared>>)
        tpu.yield
      }) : () -> ()
    } else {
    }
    %add3A_24 = arith.constant 0 : i32
    %add3A_25 = arith.addi %mul3A_2, %add3A_24 : i32
    %dma_start3A = arith.constant 0 : i32
    %dma_start3A_26 = arith.constant 0 : i32
    %dma_start3A_27 = arith.constant 0 : i32
    %dma_start3A_28 = tpu.memref_slice %arg5[%dma_start3A_26, %dma_start3A_27] : memref<2x64xi32, #tpu.memory_space<vmem>> -> memref<1x64xi32, #tpu.memory_space<vmem>>
    %dma_start3A_29 = tpu.memref_squeeze %dma_start3A_28 : memref<1x64xi32, #tpu.memory_space<vmem>> -> memref<64xi32, #tpu.memory_space<vmem>>
    %dma_start3A_30 = tpu.memref_slice %arg3[%dma_start3A, %add3A_25] : memref<2x320000xi32, #tpu.memory_space<hbm>> -> memref<1x64xi32, #tpu.memory_space<hbm>>
    %dma_start3A_31 = tpu.memref_squeeze %dma_start3A_30 : memref<1x64xi32, #tpu.memory_space<hbm>> -> memref<64xi32, #tpu.memory_space<hbm>>
    %dma_start3A_32 = arith.constant 0 : i32
    %dma_start3A_33 = tpu.memref_slice %arg5[%dma_start3A_26, %dma_start3A_32] : memref<2x64xi32, #tpu.memory_space<vmem>> -> memref<1x64xi32, #tpu.memory_space<vmem>>
    %dma_start3A_34 = tpu.memref_squeeze %dma_start3A_33 : memref<1x64xi32, #tpu.memory_space<vmem>> -> memref<64xi32, #tpu.memory_space<vmem>>
    %dma_start3A_35 = tpu.memref_slice %arg3[%dma_start3A, %add3A_25] : memref<2x320000xi32, #tpu.memory_space<hbm>> -> memref<1x64xi32, #tpu.memory_space<hbm>>
    %dma_start3A_36 = tpu.memref_squeeze %dma_start3A_35 : memref<1x64xi32, #tpu.memory_space<hbm>> -> memref<64xi32, #tpu.memory_space<hbm>>
    tpu.enqueue_dma source(%dma_start3A_36 : memref<64xi32, #tpu.memory_space<hbm>>) target(%dma_start3A_34 : memref<64xi32, #tpu.memory_space<vmem>>) target_semaphore(%arg15 : memref<!tpu.dma_semaphore, #tpu.memory_space<semaphore_mem>>)
    %dma_start3A_37 = arith.constant 1 : i32
    %dma_start3A_38 = arith.constant 0 : i32
    %dma_start3A_39 = arith.constant 0 : i32
    %dma_start3A_40 = tpu.memref_slice %arg6[%dma_start3A_38, %dma_start3A_39] : memref<2x64xi32, #tpu.memory_space<vmem>> -> memref<1x64xi32, #tpu.memory_space<vmem>>
    %dma_start3A_41 = tpu.memref_squeeze %dma_start3A_40 : memref<1x64xi32, #tpu.memory_space<vmem>> -> memref<64xi32, #tpu.memory_space<vmem>>
    %dma_start3A_42 = tpu.memref_slice %arg3[%dma_start3A_37, %add3A_25] : memref<2x320000xi32, #tpu.memory_space<hbm>> -> memref<1x64xi32, #tpu.memory_space<hbm>>
    %dma_start3A_43 = tpu.memref_squeeze %dma_start3A_42 : memref<1x64xi32, #tpu.memory_space<hbm>> -> memref<64xi32, #tpu.memory_space<hbm>>
    %dma_start3A_44 = arith.constant 0 : i32
    %dma_start3A_45 = tpu.memref_slice %arg6[%dma_start3A_38, %dma_start3A_44] : memref<2x64xi32, #tpu.memory_space<vmem>> -> memref<1x64xi32, #tpu.memory_space<vmem>>
    %dma_start3A_46 = tpu.memref_squeeze %dma_start3A_45 : memref<1x64xi32, #tpu.memory_space<vmem>> -> memref<64xi32, #tpu.memory_space<vmem>>
    %dma_start3A_47 = tpu.memref_slice %arg3[%dma_start3A_37, %add3A_25] : memref<2x320000xi32, #tpu.memory_space<hbm>> -> memref<1x64xi32, #tpu.memory_space<hbm>>
    %dma_start3A_48 = tpu.memref_squeeze %dma_start3A_47 : memref<1x64xi32, #tpu.memory_space<hbm>> -> memref<64xi32, #tpu.memory_space<hbm>>
    tpu.enqueue_dma source(%dma_start3A_48 : memref<64xi32, #tpu.memory_space<hbm>>) target(%dma_start3A_46 : memref<64xi32, #tpu.memory_space<vmem>>) target_semaphore(%arg17 : memref<!tpu.dma_semaphore, #tpu.memory_space<semaphore_mem>>)
    %add3A_49 = arith.constant 64 : i32
    %add3A_50 = arith.addi %mul3A_2, %add3A_49 : i32
    %dma_start3A_51 = arith.constant 0 : i32
    %dma_start3A_52 = arith.constant 1 : i32
    %dma_start3A_53 = arith.constant 0 : i32
    %dma_start3A_54 = tpu.memref_slice %arg5[%dma_start3A_52, %dma_start3A_53] : memref<2x64xi32, #tpu.memory_space<vmem>> -> memref<1x64xi32, #tpu.memory_space<vmem>>
    %dma_start3A_55 = tpu.memref_squeeze %dma_start3A_54 : memref<1x64xi32, #tpu.memory_space<vmem>> -> memref<64xi32, #tpu.memory_space<vmem>>
    %dma_start3A_56 = tpu.memref_slice %arg3[%dma_start3A_51, %add3A_50] : memref<2x320000xi32, #tpu.memory_space<hbm>> -> memref<1x64xi32, #tpu.memory_space<hbm>>
    %dma_start3A_57 = tpu.memref_squeeze %dma_start3A_56 : memref<1x64xi32, #tpu.memory_space<hbm>> -> memref<64xi32, #tpu.memory_space<hbm>>
    %dma_start3A_58 = arith.constant 0 : i32
    %dma_start3A_59 = tpu.memref_slice %arg5[%dma_start3A_52, %dma_start3A_58] : memref<2x64xi32, #tpu.memory_space<vmem>> -> memref<1x64xi32, #tpu.memory_space<vmem>>
    %dma_start3A_60 = tpu.memref_squeeze %dma_start3A_59 : memref<1x64xi32, #tpu.memory_space<vmem>> -> memref<64xi32, #tpu.memory_space<vmem>>
    %dma_start3A_61 = tpu.memref_slice %arg3[%dma_start3A_51, %add3A_50] : memref<2x320000xi32, #tpu.memory_space<hbm>> -> memref<1x64xi32, #tpu.memory_space<hbm>>
    %dma_start3A_62 = tpu.memref_squeeze %dma_start3A_61 : memref<1x64xi32, #tpu.memory_space<hbm>> -> memref<64xi32, #tpu.memory_space<hbm>>
    tpu.enqueue_dma source(%dma_start3A_62 : memref<64xi32, #tpu.memory_space<hbm>>) target(%dma_start3A_60 : memref<64xi32, #tpu.memory_space<vmem>>) target_semaphore(%arg16 : memref<!tpu.dma_semaphore, #tpu.memory_space<semaphore_mem>>)
    %dma_start3A_63 = arith.constant 1 : i32
    %dma_start3A_64 = arith.constant 1 : i32
    %dma_start3A_65 = arith.constant 0 : i32
    %dma_start3A_66 = tpu.memref_slice %arg6[%dma_start3A_64, %dma_start3A_65] : memref<2x64xi32, #tpu.memory_space<vmem>> -> memref<1x64xi32, #tpu.memory_space<vmem>>
    %dma_start3A_67 = tpu.memref_squeeze %dma_start3A_66 : memref<1x64xi32, #tpu.memory_space<vmem>> -> memref<64xi32, #tpu.memory_space<vmem>>
    %dma_start3A_68 = tpu.memref_slice %arg3[%dma_start3A_63, %add3A_50] : memref<2x320000xi32, #tpu.memory_space<hbm>> -> memref<1x64xi32, #tpu.memory_space<hbm>>
    %dma_start3A_69 = tpu.memref_squeeze %dma_start3A_68 : memref<1x64xi32, #tpu.memory_space<hbm>> -> memref<64xi32, #tpu.memory_space<hbm>>
    %dma_start3A_70 = arith.constant 0 : i32
    %dma_start3A_71 = tpu.memref_slice %arg6[%dma_start3A_64, %dma_start3A_70] : memref<2x64xi32, #tpu.memory_space<vmem>> -> memref<1x64xi32, #tpu.memory_space<vmem>>
    %dma_start3A_72 = tpu.memref_squeeze %dma_start3A_71 : memref<1x64xi32, #tpu.memory_space<vmem>> -> memref<64xi32, #tpu.memory_space<vmem>>
    %dma_start3A_73 = tpu.memref_slice %arg3[%dma_start3A_63, %add3A_50] : memref<2x320000xi32, #tpu.memory_space<hbm>> -> memref<1x64xi32, #tpu.memory_space<hbm>>
    %dma_start3A_74 = tpu.memref_squeeze %dma_start3A_73 : memref<1x64xi32, #tpu.memory_space<hbm>> -> memref<64xi32, #tpu.memory_space<hbm>>
    tpu.enqueue_dma source(%dma_start3A_74 : memref<64xi32, #tpu.memory_space<hbm>>) target(%dma_start3A_72 : memref<64xi32, #tpu.memory_space<vmem>>) target_semaphore(%arg18 : memref<!tpu.dma_semaphore, #tpu.memory_space<semaphore_mem>>)
    %barrier3A = arith.constant 0 : index
    tpu.barrier barrier_id(%barrier3A)
    %add3A_75 = arith.constant 0 : i32
    %add3A_76 = arith.addi %mul3A_2, %add3A_75 : i32
    %dma_wait3A = arith.constant 0 : i32
    %dma_wait3A_77 = arith.constant 0 : i32
    %dma_wait3A_78 = arith.constant 0 : i32
    %dma_wait3A_79 = tpu.memref_slice %arg5[%dma_wait3A_77, %dma_wait3A_78] : memref<2x64xi32, #tpu.memory_space<vmem>> -> memref<1x64xi32, #tpu.memory_space<vmem>>
    %dma_wait3A_80 = tpu.memref_squeeze %dma_wait3A_79 : memref<1x64xi32, #tpu.memory_space<vmem>> -> memref<64xi32, #tpu.memory_space<vmem>>
    %dma_wait3A_81 = tpu.memref_slice %arg3[%dma_wait3A, %add3A_76] : memref<2x320000xi32, #tpu.memory_space<hbm>> -> memref<1x64xi32, #tpu.memory_space<hbm>>
    %dma_wait3A_82 = tpu.memref_squeeze %dma_wait3A_81 : memref<1x64xi32, #tpu.memory_space<hbm>> -> memref<64xi32, #tpu.memory_space<hbm>>
    %dma_wait3A_83 = arith.constant 0 : i32
    %dma_wait3A_84 = tpu.memref_slice %arg5[%dma_wait3A_77, %dma_wait3A_83] : memref<2x64xi32, #tpu.memory_space<vmem>> -> memref<1x64xi32, #tpu.memory_space<vmem>>
    %dma_wait3A_85 = tpu.memref_squeeze %dma_wait3A_84 : memref<1x64xi32, #tpu.memory_space<vmem>> -> memref<64xi32, #tpu.memory_space<vmem>>
    %dma_wait3A_86 = tpu.memref_slice %arg3[%dma_wait3A, %add3A_76] : memref<2x320000xi32, #tpu.memory_space<hbm>> -> memref<1x64xi32, #tpu.memory_space<hbm>>
    %dma_wait3A_87 = tpu.memref_squeeze %dma_wait3A_86 : memref<1x64xi32, #tpu.memory_space<hbm>> -> memref<64xi32, #tpu.memory_space<hbm>>
    tpu.wait_dma2 semaphore(%arg15 : memref<!tpu.dma_semaphore, #tpu.memory_space<semaphore_mem>>) src(%dma_wait3A_87 : memref<64xi32, #tpu.memory_space<hbm>>) dst(%dma_wait3A_85 : memref<64xi32, #tpu.memory_space<vmem>>)
    %dma_wait3A_88 = arith.constant 1 : i32
    %dma_wait3A_89 = arith.constant 0 : i32
    %dma_wait3A_90 = arith.constant 0 : i32
    %dma_wait3A_91 = tpu.memref_slice %arg6[%dma_wait3A_89, %dma_wait3A_90] : memref<2x64xi32, #tpu.memory_space<vmem>> -> memref<1x64xi32, #tpu.memory_space<vmem>>
    %dma_wait3A_92 = tpu.memref_squeeze %dma_wait3A_91 : memref<1x64xi32, #tpu.memory_space<vmem>> -> memref<64xi32, #tpu.memory_space<vmem>>
    %dma_wait3A_93 = tpu.memref_slice %arg3[%dma_wait3A_88, %add3A_76] : memref<2x320000xi32, #tpu.memory_space<hbm>> -> memref<1x64xi32, #tpu.memory_space<hbm>>
    %dma_wait3A_94 = tpu.memref_squeeze %dma_wait3A_93 : memref<1x64xi32, #tpu.memory_space<hbm>> -> memref<64xi32, #tpu.memory_space<hbm>>
    %dma_wait3A_95 = arith.constant 0 : i32
    %dma_wait3A_96 = tpu.memref_slice %arg6[%dma_wait3A_89, %dma_wait3A_95] : memref<2x64xi32, #tpu.memory_space<vmem>> -> memref<1x64xi32, #tpu.memory_space<vmem>>
    %dma_wait3A_97 = tpu.memref_squeeze %dma_wait3A_96 : memref<1x64xi32, #tpu.memory_space<vmem>> -> memref<64xi32, #tpu.memory_space<vmem>>
    %dma_wait3A_98 = tpu.memref_slice %arg3[%dma_wait3A_88, %add3A_76] : memref<2x320000xi32, #tpu.memory_space<hbm>> -> memref<1x64xi32, #tpu.memory_space<hbm>>
    %dma_wait3A_99 = tpu.memref_squeeze %dma_wait3A_98 : memref<1x64xi32, #tpu.memory_space<hbm>> -> memref<64xi32, #tpu.memory_space<hbm>>
    tpu.wait_dma2 semaphore(%arg17 : memref<!tpu.dma_semaphore, #tpu.memory_space<semaphore_mem>>) src(%dma_wait3A_99 : memref<64xi32, #tpu.memory_space<hbm>>) dst(%dma_wait3A_97 : memref<64xi32, #tpu.memory_space<vmem>>)
    %dma_start3A_100 = arith.constant 0 : i32
    %dma_start3A_101 = arith.constant 0 : i32
    %dma_start3A_102 = arith.constant 0 : i32
    %dma_start3A_103 = arith.constant 0 : i32
    %dma_start3A_104 = tpu.memref_slice %arg7[%dma_start3A_101, %dma_start3A_102, %dma_start3A_103] : memref<2x64x128xf32, #tpu.memory_space<vmem>> -> memref<1x64x128xf32, #tpu.memory_space<vmem>>
    %dma_start3A_105 = tpu.memref_squeeze %dma_start3A_104 : memref<1x64x128xf32, #tpu.memory_space<vmem>> -> memref<64x128xf32, #tpu.memory_space<vmem>>
    %dma_start3A_106 = arith.constant 0 : i32
    %dma_start3A_107 = tpu.memref_slice %arg5[%dma_start3A_100, %dma_start3A_106] : memref<2x64xi32, #tpu.memory_space<vmem>> -> memref<1x64xi32, #tpu.memory_space<vmem>>
    %dma_start3A_108 = tpu.memref_squeeze %dma_start3A_107 : memref<1x64xi32, #tpu.memory_space<vmem>> -> memref<64xi32, #tpu.memory_space<vmem>>
    %dma_start3A_109 = arith.constant 0 : i32
    %dma_start3A_110 = arith.constant 0 : i32
    %dma_start3A_111 = tpu.memref_slice %arg10[%dma_start3A_109, %dma_start3A_110] : memref<10000x128xf32, #tpu.memory_space<vmem_shared>> -> memref<10000x128xf32, #tpu.memory_space<vmem_shared>>
    tpu.enqueue_indirect_dma source(%dma_start3A_111 : memref<10000x128xf32, #tpu.memory_space<vmem_shared>>) target(%dma_start3A_105 : memref<64x128xf32, #tpu.memory_space<vmem>>) offsets(%dma_start3A_108 : memref<64xi32, #tpu.memory_space<vmem>>) semaphore(%arg11 : memref<!tpu.dma_semaphore, #tpu.memory_space<semaphore_mem>>)
    %dma_start3A_112 = arith.constant 0 : i32
    %dma_start3A_113 = arith.constant 0 : i32
    %dma_start3A_114 = arith.constant 0 : i32
    %dma_start3A_115 = arith.constant 0 : i32
    %dma_start3A_116 = tpu.memref_slice %arg8[%dma_start3A_113, %dma_start3A_114, %dma_start3A_115] : memref<2x64x128xf32, #tpu.memory_space<vmem>> -> memref<1x64x128xf32, #tpu.memory_space<vmem>>
    %dma_start3A_117 = tpu.memref_squeeze %dma_start3A_116 : memref<1x64x128xf32, #tpu.memory_space<vmem>> -> memref<64x128xf32, #tpu.memory_space<vmem>>
    %dma_start3A_118 = arith.constant 0 : i32
    %dma_start3A_119 = tpu.memref_slice %arg6[%dma_start3A_112, %dma_start3A_118] : memref<2x64xi32, #tpu.memory_space<vmem>> -> memref<1x64xi32, #tpu.memory_space<vmem>>
    %dma_start3A_120 = tpu.memref_squeeze %dma_start3A_119 : memref<1x64xi32, #tpu.memory_space<vmem>> -> memref<64xi32, #tpu.memory_space<vmem>>
    %dma_start3A_121 = arith.constant 0 : i32
    %dma_start3A_122 = arith.constant 0 : i32
    %dma_start3A_123 = tpu.memref_slice %arg10[%dma_start3A_121, %dma_start3A_122] : memref<10000x128xf32, #tpu.memory_space<vmem_shared>> -> memref<10000x128xf32, #tpu.memory_space<vmem_shared>>
    tpu.enqueue_indirect_dma source(%dma_start3A_123 : memref<10000x128xf32, #tpu.memory_space<vmem_shared>>) target(%dma_start3A_117 : memref<64x128xf32, #tpu.memory_space<vmem>>) offsets(%dma_start3A_120 : memref<64xi32, #tpu.memory_space<vmem>>) semaphore(%arg13 : memref<!tpu.dma_semaphore, #tpu.memory_space<semaphore_mem>>)
    %iota3A = tpu.iota {dimensions = array<i32: 0>} : vector<16xi32>
    %jit3A_124 = arith.constant 2 : i32
    %div3A_125 = arith.divsi %min3A_21, %jit3A_124 : i32
    %sign3A_126 = arith.constant 0 : i32
    %sign3A_127 = arith.cmpi sgt, %min3A_21, %sign3A_126 : i32
    %sign3A_128 = arith.extui %sign3A_127 : i1 to i32
    %sign3A_129 = arith.constant 0 : i32
    %sign3A_130 = arith.cmpi slt, %min3A_21, %sign3A_129 : i32
    %sign3A_131 = arith.extui %sign3A_130 : i1 to i32
    %sign3A_132 = arith.subi %sign3A_128, %sign3A_131 : i32
    %sign3A_133 = arith.constant 0 : i32
    %sign3A_134 = arith.cmpi sgt, %jit3A_124, %sign3A_133 : i32
    %sign3A_135 = arith.extui %sign3A_134 : i1 to i32
    %sign3A_136 = arith.constant 0 : i32
    %sign3A_137 = arith.cmpi slt, %jit3A_124, %sign3A_136 : i32
    %sign3A_138 = arith.extui %sign3A_137 : i1 to i32
    %sign3A_139 = arith.subi %sign3A_135, %sign3A_138 : i32
    %ne3A_140 = arith.cmpi ne, %sign3A_132, %sign3A_139 : i32
    %rem3A_141 = arith.remsi %min3A_21, %jit3A_124 : i32
    %ne3A_142 = arith.constant 0 : i32
    %ne3A_143 = arith.cmpi ne, %rem3A_141, %ne3A_142 : i32
    %and3A_144 = arith.andi %ne3A_140, %ne3A_143 : i1
    %sub3A_145 = arith.constant 1 : i32
    %sub3A_146 = arith.subi %div3A_125, %sub3A_145 : i32
    %select_n3A_147 = arith.select %and3A_144, %sub3A_146, %div3A_125 : i32
    %while3A = arith.constant 0 : i32
    %while3A_148 = arith.constant 0 : i32
    %while3A_149 = arith.subi %select_n3A_147, %while3A : i32
    %while3A_150 = arith.addi %while3A, %while3A_149 : i32
    %while3A_151 = arith.constant 1 : i32
    %while3A_152 = arith.divsi %while3A_149, %while3A_151 : i32
    %while3A_153 = arith.muli %while3A_152, %while3A_151 : i32
    %while3A_154 = arith.addi %while3A, %while3A_153 : i32
    %while3A_155 = arith.constant 1 : i32
    %while3A_156 = scf.for %while3A_191 = %while3A to %while3A_154 step %while3A_155 iter_args(%while3A_192 = %while3A_148) -> (i32)  : i32 {
      %mul3A_193 = arith.constant 2 : i32
      %mul3A_194 = arith.muli %mul3A_193, %while3A_191 : i32
      %add3A_195 = arith.constant 0 : i32
      %add3A_196 = arith.addi %mul3A_194, %add3A_195 : i32
      %add3A_197 = arith.constant 1 : i32
      %add3A_198 = arith.addi %add3A_196, %add3A_197 : i32
      %lt3A = arith.cmpi slt, %add3A_198, %min3A_21 : i32
      %convert_element_type3A_199 = arith.extui %lt3A : i1 to i32
      %cond3A_200 = arith.constant 0 : i32
      %cond3A_201 = arith.cmpi ne, %convert_element_type3A_199, %cond3A_200 : i32
      scf.if %cond3A_201 {
        %add3A_323 = arith.constant 1 : i32
        %add3A_324 = arith.addi %add3A_196, %add3A_323 : i32
        %mul3A_325 = arith.constant 64 : i32
        %mul3A_326 = arith.muli %add3A_324, %mul3A_325 : i32
        %add3A_327 = arith.addi %mul3A_2, %mul3A_326 : i32
        %dma_wait3A_328 = arith.constant 0 : i32
        %dma_wait3A_329 = arith.constant 1 : i32
        %dma_wait3A_330 = arith.constant 0 : i32
        %dma_wait3A_331 = tpu.memref_slice %arg5[%dma_wait3A_329, %dma_wait3A_330] : memref<2x64xi32, #tpu.memory_space<vmem>> -> memref<1x64xi32, #tpu.memory_space<vmem>>
        %dma_wait3A_332 = tpu.memref_squeeze %dma_wait3A_331 : memref<1x64xi32, #tpu.memory_space<vmem>> -> memref<64xi32, #tpu.memory_space<vmem>>
        %dma_wait3A_333 = tpu.memref_slice %arg3[%dma_wait3A_328, %add3A_327] : memref<2x320000xi32, #tpu.memory_space<hbm>> -> memref<1x64xi32, #tpu.memory_space<hbm>>
        %dma_wait3A_334 = tpu.memref_squeeze %dma_wait3A_333 : memref<1x64xi32, #tpu.memory_space<hbm>> -> memref<64xi32, #tpu.memory_space<hbm>>
        %dma_wait3A_335 = arith.constant 0 : i32
        %dma_wait3A_336 = tpu.memref_slice %arg5[%dma_wait3A_329, %dma_wait3A_335] : memref<2x64xi32, #tpu.memory_space<vmem>> -> memref<1x64xi32, #tpu.memory_space<vmem>>
        %dma_wait3A_337 = tpu.memref_squeeze %dma_wait3A_336 : memref<1x64xi32, #tpu.memory_space<vmem>> -> memref<64xi32, #tpu.memory_space<vmem>>
        %dma_wait3A_338 = tpu.memref_slice %arg3[%dma_wait3A_328, %add3A_327] : memref<2x320000xi32, #tpu.memory_space<hbm>> -> memref<1x64xi32, #tpu.memory_space<hbm>>
        %dma_wait3A_339 = tpu.memref_squeeze %dma_wait3A_338 : memref<1x64xi32, #tpu.memory_space<hbm>> -> memref<64xi32, #tpu.memory_space<hbm>>
        tpu.wait_dma2 semaphore(%arg16 : memref<!tpu.dma_semaphore, #tpu.memory_space<semaphore_mem>>) src(%dma_wait3A_339 : memref<64xi32, #tpu.memory_space<hbm>>) dst(%dma_wait3A_337 : memref<64xi32, #tpu.memory_space<vmem>>)
        %dma_wait3A_340 = arith.constant 1 : i32
        %dma_wait3A_341 = arith.constant 1 : i32
        %dma_wait3A_342 = arith.constant 0 : i32
        %dma_wait3A_343 = tpu.memref_slice %arg6[%dma_wait3A_341, %dma_wait3A_342] : memref<2x64xi32, #tpu.memory_space<vmem>> -> memref<1x64xi32, #tpu.memory_space<vmem>>
        %dma_wait3A_344 = tpu.memref_squeeze %dma_wait3A_343 : memref<1x64xi32, #tpu.memory_space<vmem>> -> memref<64xi32, #tpu.memory_space<vmem>>
        %dma_wait3A_345 = tpu.memref_slice %arg3[%dma_wait3A_340, %add3A_327] : memref<2x320000xi32, #tpu.memory_space<hbm>> -> memref<1x64xi32, #tpu.memory_space<hbm>>
        %dma_wait3A_346 = tpu.memref_squeeze %dma_wait3A_345 : memref<1x64xi32, #tpu.memory_space<hbm>> -> memref<64xi32, #tpu.memory_space<hbm>>
        %dma_wait3A_347 = arith.constant 0 : i32
        %dma_wait3A_348 = tpu.memref_slice %arg6[%dma_wait3A_341, %dma_wait3A_347] : memref<2x64xi32, #tpu.memory_space<vmem>> -> memref<1x64xi32, #tpu.memory_space<vmem>>
        %dma_wait3A_349 = tpu.memref_squeeze %dma_wait3A_348 : memref<1x64xi32, #tpu.memory_space<vmem>> -> memref<64xi32, #tpu.memory_space<vmem>>
        %dma_wait3A_350 = tpu.memref_slice %arg3[%dma_wait3A_340, %add3A_327] : memref<2x320000xi32, #tpu.memory_space<hbm>> -> memref<1x64xi32, #tpu.memory_space<hbm>>
        %dma_wait3A_351 = tpu.memref_squeeze %dma_wait3A_350 : memref<1x64xi32, #tpu.memory_space<hbm>> -> memref<64xi32, #tpu.memory_space<hbm>>
        tpu.wait_dma2 semaphore(%arg18 : memref<!tpu.dma_semaphore, #tpu.memory_space<semaphore_mem>>) src(%dma_wait3A_351 : memref<64xi32, #tpu.memory_space<hbm>>) dst(%dma_wait3A_349 : memref<64xi32, #tpu.memory_space<vmem>>)
        %dma_start3A_352 = arith.constant 1 : i32
        %dma_start3A_353 = arith.constant 1 : i32
        %dma_start3A_354 = arith.constant 0 : i32
        %dma_start3A_355 = arith.constant 0 : i32
        %dma_start3A_356 = tpu.memref_slice %arg7[%dma_start3A_353, %dma_start3A_354, %dma_start3A_355] : memref<2x64x128xf32, #tpu.memory_space<vmem>> -> memref<1x64x128xf32, #tpu.memory_space<vmem>>
        %dma_start3A_357 = tpu.memref_squeeze %dma_start3A_356 : memref<1x64x128xf32, #tpu.memory_space<vmem>> -> memref<64x128xf32, #tpu.memory_space<vmem>>
        %dma_start3A_358 = arith.constant 0 : i32
        %dma_start3A_359 = tpu.memref_slice %arg5[%dma_start3A_352, %dma_start3A_358] : memref<2x64xi32, #tpu.memory_space<vmem>> -> memref<1x64xi32, #tpu.memory_space<vmem>>
        %dma_start3A_360 = tpu.memref_squeeze %dma_start3A_359 : memref<1x64xi32, #tpu.memory_space<vmem>> -> memref<64xi32, #tpu.memory_space<vmem>>
        %dma_start3A_361 = arith.constant 0 : i32
        %dma_start3A_362 = arith.constant 0 : i32
        %dma_start3A_363 = tpu.memref_slice %arg10[%dma_start3A_361, %dma_start3A_362] : memref<10000x128xf32, #tpu.memory_space<vmem_shared>> -> memref<10000x128xf32, #tpu.memory_space<vmem_shared>>
        tpu.enqueue_indirect_dma source(%dma_start3A_363 : memref<10000x128xf32, #tpu.memory_space<vmem_shared>>) target(%dma_start3A_357 : memref<64x128xf32, #tpu.memory_space<vmem>>) offsets(%dma_start3A_360 : memref<64xi32, #tpu.memory_space<vmem>>) semaphore(%arg12 : memref<!tpu.dma_semaphore, #tpu.memory_space<semaphore_mem>>)
        %dma_start3A_364 = arith.constant 1 : i32
        %dma_start3A_365 = arith.constant 1 : i32
        %dma_start3A_366 = arith.constant 0 : i32
        %dma_start3A_367 = arith.constant 0 : i32
        %dma_start3A_368 = tpu.memref_slice %arg8[%dma_start3A_365, %dma_start3A_366, %dma_start3A_367] : memref<2x64x128xf32, #tpu.memory_space<vmem>> -> memref<1x64x128xf32, #tpu.memory_space<vmem>>
        %dma_start3A_369 = tpu.memref_squeeze %dma_start3A_368 : memref<1x64x128xf32, #tpu.memory_space<vmem>> -> memref<64x128xf32, #tpu.memory_space<vmem>>
        %dma_start3A_370 = arith.constant 0 : i32
        %dma_start3A_371 = tpu.memref_slice %arg6[%dma_start3A_364, %dma_start3A_370] : memref<2x64xi32, #tpu.memory_space<vmem>> -> memref<1x64xi32, #tpu.memory_space<vmem>>
        %dma_start3A_372 = tpu.memref_squeeze %dma_start3A_371 : memref<1x64xi32, #tpu.memory_space<vmem>> -> memref<64xi32, #tpu.memory_space<vmem>>
        %dma_start3A_373 = arith.constant 0 : i32
        %dma_start3A_374 = arith.constant 0 : i32
        %dma_start3A_375 = tpu.memref_slice %arg10[%dma_start3A_373, %dma_start3A_374] : memref<10000x128xf32, #tpu.memory_space<vmem_shared>> -> memref<10000x128xf32, #tpu.memory_space<vmem_shared>>
        tpu.enqueue_indirect_dma source(%dma_start3A_375 : memref<10000x128xf32, #tpu.memory_space<vmem_shared>>) target(%dma_start3A_369 : memref<64x128xf32, #tpu.memory_space<vmem>>) offsets(%dma_start3A_372 : memref<64xi32, #tpu.memory_space<vmem>>) semaphore(%arg14 : memref<!tpu.dma_semaphore, #tpu.memory_space<semaphore_mem>>)
      } else {
      }
      %dma_wait3A_202 = arith.constant 0 : i32
      %dma_wait3A_203 = arith.constant 0 : i32
      %dma_wait3A_204 = arith.constant 0 : i32
      %dma_wait3A_205 = arith.constant 0 : i32
      %dma_wait3A_206 = tpu.memref_slice %arg7[%dma_wait3A_203, %dma_wait3A_204, %dma_wait3A_205] : memref<2x64x128xf32, #tpu.memory_space<vmem>> -> memref<1x64x128xf32, #tpu.memory_space<vmem>>
      %dma_wait3A_207 = tpu.memref_squeeze %dma_wait3A_206 : memref<1x64x128xf32, #tpu.memory_space<vmem>> -> memref<64x128xf32, #tpu.memory_space<vmem>>
      %dma_wait3A_208 = arith.constant 0 : i32
      %dma_wait3A_209 = tpu.memref_slice %arg5[%dma_wait3A_202, %dma_wait3A_208] : memref<2x64xi32, #tpu.memory_space<vmem>> -> memref<1x64xi32, #tpu.memory_space<vmem>>
      %dma_wait3A_210 = tpu.memref_squeeze %dma_wait3A_209 : memref<1x64xi32, #tpu.memory_space<vmem>> -> memref<64xi32, #tpu.memory_space<vmem>>
      %dma_wait3A_211 = arith.constant 0 : i32
      %dma_wait3A_212 = arith.constant 0 : i32
      %dma_wait3A_213 = tpu.memref_slice %arg10[%dma_wait3A_211, %dma_wait3A_212] : memref<10000x128xf32, #tpu.memory_space<vmem_shared>> -> memref<10000x128xf32, #tpu.memory_space<vmem_shared>>
      tpu.wait_indirect_dma semaphore(%arg11 : memref<!tpu.dma_semaphore, #tpu.memory_space<semaphore_mem>>) src(%dma_wait3A_213 : memref<10000x128xf32, #tpu.memory_space<vmem_shared>>) dst(%dma_wait3A_207 : memref<64x128xf32, #tpu.memory_space<vmem>>)
      %dma_wait3A_214 = arith.constant 0 : i32
      %dma_wait3A_215 = arith.constant 0 : i32
      %dma_wait3A_216 = arith.constant 0 : i32
      %dma_wait3A_217 = arith.constant 0 : i32
      %dma_wait3A_218 = tpu.memref_slice %arg8[%dma_wait3A_215, %dma_wait3A_216, %dma_wait3A_217] : memref<2x64x128xf32, #tpu.memory_space<vmem>> -> memref<1x64x128xf32, #tpu.memory_space<vmem>>
      %dma_wait3A_219 = tpu.memref_squeeze %dma_wait3A_218 : memref<1x64x128xf32, #tpu.memory_space<vmem>> -> memref<64x128xf32, #tpu.memory_space<vmem>>
      %dma_wait3A_220 = arith.constant 0 : i32
      %dma_wait3A_221 = tpu.memref_slice %arg6[%dma_wait3A_214, %dma_wait3A_220] : memref<2x64xi32, #tpu.memory_space<vmem>> -> memref<1x64xi32, #tpu.memory_space<vmem>>
      %dma_wait3A_222 = tpu.memref_squeeze %dma_wait3A_221 : memref<1x64xi32, #tpu.memory_space<vmem>> -> memref<64xi32, #tpu.memory_space<vmem>>
      %dma_wait3A_223 = arith.constant 0 : i32
      %dma_wait3A_224 = arith.constant 0 : i32
      %dma_wait3A_225 = tpu.memref_slice %arg10[%dma_wait3A_223, %dma_wait3A_224] : memref<10000x128xf32, #tpu.memory_space<vmem_shared>> -> memref<10000x128xf32, #tpu.memory_space<vmem_shared>>
      tpu.wait_indirect_dma semaphore(%arg13 : memref<!tpu.dma_semaphore, #tpu.memory_space<semaphore_mem>>) src(%dma_wait3A_225 : memref<10000x128xf32, #tpu.memory_space<vmem_shared>>) dst(%dma_wait3A_219 : memref<64x128xf32, #tpu.memory_space<vmem>>)
      %add3A_226 = arith.constant 2 : i32
      %add3A_227 = arith.addi %add3A_196, %add3A_226 : i32
      %lt3A_228 = arith.cmpi slt, %add3A_227, %min3A_21 : i32
      %convert_element_type3A_229 = arith.extui %lt3A_228 : i1 to i32
      %cond3A_230 = arith.constant 0 : i32
      %cond3A_231 = arith.cmpi ne, %convert_element_type3A_229, %cond3A_230 : i32
      scf.if %cond3A_231 {
        %add3A_323 = arith.constant 2 : i32
        %add3A_324 = arith.addi %add3A_196, %add3A_323 : i32
        %mul3A_325 = arith.constant 64 : i32
        %mul3A_326 = arith.muli %add3A_324, %mul3A_325 : i32
        %add3A_327 = arith.addi %mul3A_2, %mul3A_326 : i32
        %dma_start3A_328 = arith.constant 0 : i32
        %dma_start3A_329 = arith.constant 0 : i32
        %dma_start3A_330 = arith.constant 0 : i32
        %dma_start3A_331 = tpu.memref_slice %arg5[%dma_start3A_329, %dma_start3A_330] : memref<2x64xi32, #tpu.memory_space<vmem>> -> memref<1x64xi32, #tpu.memory_space<vmem>>
        %dma_start3A_332 = tpu.memref_squeeze %dma_start3A_331 : memref<1x64xi32, #tpu.memory_space<vmem>> -> memref<64xi32, #tpu.memory_space<vmem>>
        %dma_start3A_333 = tpu.memref_slice %arg3[%dma_start3A_328, %add3A_327] : memref<2x320000xi32, #tpu.memory_space<hbm>> -> memref<1x64xi32, #tpu.memory_space<hbm>>
        %dma_start3A_334 = tpu.memref_squeeze %dma_start3A_333 : memref<1x64xi32, #tpu.memory_space<hbm>> -> memref<64xi32, #tpu.memory_space<hbm>>
        %dma_start3A_335 = arith.constant 0 : i32
        %dma_start3A_336 = tpu.memref_slice %arg5[%dma_start3A_329, %dma_start3A_335] : memref<2x64xi32, #tpu.memory_space<vmem>> -> memref<1x64xi32, #tpu.memory_space<vmem>>
        %dma_start3A_337 = tpu.memref_squeeze %dma_start3A_336 : memref<1x64xi32, #tpu.memory_space<vmem>> -> memref<64xi32, #tpu.memory_space<vmem>>
        %dma_start3A_338 = tpu.memref_slice %arg3[%dma_start3A_328, %add3A_327] : memref<2x320000xi32, #tpu.memory_space<hbm>> -> memref<1x64xi32, #tpu.memory_space<hbm>>
        %dma_start3A_339 = tpu.memref_squeeze %dma_start3A_338 : memref<1x64xi32, #tpu.memory_space<hbm>> -> memref<64xi32, #tpu.memory_space<hbm>>
        tpu.enqueue_dma source(%dma_start3A_339 : memref<64xi32, #tpu.memory_space<hbm>>) target(%dma_start3A_337 : memref<64xi32, #tpu.memory_space<vmem>>) target_semaphore(%arg15 : memref<!tpu.dma_semaphore, #tpu.memory_space<semaphore_mem>>)
        %dma_start3A_340 = arith.constant 1 : i32
        %dma_start3A_341 = arith.constant 0 : i32
        %dma_start3A_342 = arith.constant 0 : i32
        %dma_start3A_343 = tpu.memref_slice %arg6[%dma_start3A_341, %dma_start3A_342] : memref<2x64xi32, #tpu.memory_space<vmem>> -> memref<1x64xi32, #tpu.memory_space<vmem>>
        %dma_start3A_344 = tpu.memref_squeeze %dma_start3A_343 : memref<1x64xi32, #tpu.memory_space<vmem>> -> memref<64xi32, #tpu.memory_space<vmem>>
        %dma_start3A_345 = tpu.memref_slice %arg3[%dma_start3A_340, %add3A_327] : memref<2x320000xi32, #tpu.memory_space<hbm>> -> memref<1x64xi32, #tpu.memory_space<hbm>>
        %dma_start3A_346 = tpu.memref_squeeze %dma_start3A_345 : memref<1x64xi32, #tpu.memory_space<hbm>> -> memref<64xi32, #tpu.memory_space<hbm>>
        %dma_start3A_347 = arith.constant 0 : i32
        %dma_start3A_348 = tpu.memref_slice %arg6[%dma_start3A_341, %dma_start3A_347] : memref<2x64xi32, #tpu.memory_space<vmem>> -> memref<1x64xi32, #tpu.memory_space<vmem>>
        %dma_start3A_349 = tpu.memref_squeeze %dma_start3A_348 : memref<1x64xi32, #tpu.memory_space<vmem>> -> memref<64xi32, #tpu.memory_space<vmem>>
        %dma_start3A_350 = tpu.memref_slice %arg3[%dma_start3A_340, %add3A_327] : memref<2x320000xi32, #tpu.memory_space<hbm>> -> memref<1x64xi32, #tpu.memory_space<hbm>>
        %dma_start3A_351 = tpu.memref_squeeze %dma_start3A_350 : memref<1x64xi32, #tpu.memory_space<hbm>> -> memref<64xi32, #tpu.memory_space<hbm>>
        tpu.enqueue_dma source(%dma_start3A_351 : memref<64xi32, #tpu.memory_space<hbm>>) target(%dma_start3A_349 : memref<64xi32, #tpu.memory_space<vmem>>) target_semaphore(%arg17 : memref<!tpu.dma_semaphore, #tpu.memory_space<semaphore_mem>>)
      } else {
      }
      %ge3A = arith.constant 2 : i32
      %ge3A_232 = arith.cmpi sge, %add3A_196, %ge3A : i32
      %convert_element_type3A_233 = arith.extui %ge3A_232 : i1 to i32
      %cond3A_234 = arith.constant 0 : i32
      %cond3A_235 = arith.cmpi ne, %convert_element_type3A_233, %cond3A_234 : i32
      scf.if %cond3A_235 {
        %sub3A_323 = arith.constant 2 : i32
        %sub3A_324 = arith.subi %add3A_196, %sub3A_323 : i32
        %mul3A_325 = arith.constant 64 : i32
        %mul3A_326 = arith.muli %sub3A_324, %mul3A_325 : i32
        %add3A_327 = arith.addi %mul3A_2, %mul3A_326 : i32
        %dma_wait3A_328 = arith.constant 0 : i32
        %dma_wait3A_329 = arith.constant 0 : i32
        %dma_wait3A_330 = tpu.memref_slice %arg9[%dma_wait3A_328, %dma_wait3A_329] : memref<2x64xf32, #tpu.memory_space<vmem>> -> memref<1x64xf32, #tpu.memory_space<vmem>>
        %dma_wait3A_331 = tpu.memref_squeeze %dma_wait3A_330 : memref<1x64xf32, #tpu.memory_space<vmem>> -> memref<64xf32, #tpu.memory_space<vmem>>
        %dma_wait3A_332 = tpu.memref_slice %arg4[%add3A_327] : memref<320000xf32, #tpu.memory_space<hbm>> -> memref<64xf32, #tpu.memory_space<hbm>>
        %dma_wait3A_333 = tpu.memref_slice %arg4[%add3A_327] : memref<320000xf32, #tpu.memory_space<hbm>> -> memref<64xf32, #tpu.memory_space<hbm>>
        %dma_wait3A_334 = arith.constant 0 : i32
        %dma_wait3A_335 = tpu.memref_slice %arg9[%dma_wait3A_328, %dma_wait3A_334] : memref<2x64xf32, #tpu.memory_space<vmem>> -> memref<1x64xf32, #tpu.memory_space<vmem>>
        %dma_wait3A_336 = tpu.memref_squeeze %dma_wait3A_335 : memref<1x64xf32, #tpu.memory_space<vmem>> -> memref<64xf32, #tpu.memory_space<vmem>>
        tpu.wait_dma2 semaphore(%arg19 : memref<!tpu.dma_semaphore, #tpu.memory_space<semaphore_mem>>) src(%dma_wait3A_336 : memref<64xf32, #tpu.memory_space<vmem>>) dst(%dma_wait3A_333 : memref<64xf32, #tpu.memory_space<hbm>>)
      } else {
      }
      %scan3A = arith.constant 0 : i32
      %scan3A_236 = arith.constant 0 : i32
      %scan3A_237 = arith.constant 0 : i32
      %scan3A_238 = arith.constant 0 : i32
      %scan3A_239 = arith.constant 4 : i32
      %scan3A_240 = arith.addi %scan3A_238, %scan3A_239 : i32
      %scan3A_241 = arith.constant 1 : i32
      %scan3A_242 = scf.for %scan3A_323 = %scan3A_238 to %scan3A_240 step %scan3A_241 iter_args(%scan3A_324 = %scan3A_237) -> (i32)  : i32 {
        %mul3A_325 = arith.constant 16 : i32
        %mul3A_326 = arith.muli %scan3A_323, %mul3A_325 : i32
        %add3A_327 = vector.broadcast %mul3A_326 : i32 to vector<16xi32>
        %add3A_328 = arith.addi %add3A_327, %iota3A : vector<16xi32>
        %broadcast_in_dim3A = arith.constant 0.000000e+00 : f32
        %broadcast_in_dim3A_329 = vector.broadcast %broadcast_in_dim3A : f32 to vector<16xf32>
        %scan3A_330 = arith.constant 0 : i32
        %scan3A_331 = arith.constant 8 : i32
        %scan3A_332 = arith.addi %scan3A_330, %scan3A_331 : i32
        %scan3A_333 = arith.constant 1 : i32
        %scan3A_334:4 = scf.for %scan3A_345 = %scan3A_330 to %scan3A_332 step %scan3A_333 iter_args(%scan3A_346 = %broadcast_in_dim3A_329, %scan3A_347 = %broadcast_in_dim3A_329, %scan3A_348 = %broadcast_in_dim3A_329, %scan3A_349 = %broadcast_in_dim3A_329) -> (vector<16xf32>, vector<16xf32>, vector<16xf32>, vector<16xf32>)  : i32 {
          %mul3A_350 = arith.constant 16 : i32
          %mul3A_351 = arith.muli %scan3A_345, %mul3A_350 : i32
          %add3A_352 = vector.broadcast %mul3A_351 : i32 to vector<16xi32>
          %add3A_353 = arith.addi %iota3A, %add3A_352 : vector<16xi32>
          %and3A_354 = arith.constant 127 : i32
          %and3A_355 = vector.broadcast %and3A_354 : i32 to vector<16xi32>
          %and3A_356 = arith.andi %add3A_353, %and3A_355 : vector<16xi32>
          %gather3A = arith.constant 0 : i32
          %gather3A_357 = arith.constant 0 : i32
          %gather3A_358 = tpu.memref_slice %arg7[%scan3A, %gather3A, %gather3A_357] : memref<2x64x128xf32, #tpu.memory_space<vmem>> -> memref<1x64x128xf32, #tpu.memory_space<vmem>>
          %gather3A_359 = tpu.memref_squeeze %gather3A_358 : memref<1x64x128xf32, #tpu.memory_space<vmem>> -> memref<64x128xf32, #tpu.memory_space<vmem>>
          %gather3A_360 = tpu.vector_load_idx %gather3A_359[%add3A_328, %and3A_356] : memref<64x128xf32, #tpu.memory_space<vmem>>[vector<16xi32>, vector<16xi32>], vector<16xf32>,
          %gather3A_361 = arith.constant 0 : i32
          %gather3A_362 = arith.constant 0 : i32
          %gather3A_363 = tpu.memref_slice %arg8[%scan3A_236, %gather3A_361, %gather3A_362] : memref<2x64x128xf32, #tpu.memory_space<vmem>> -> memref<1x64x128xf32, #tpu.memory_space<vmem>>
          %gather3A_364 = tpu.memref_squeeze %gather3A_363 : memref<1x64x128xf32, #tpu.memory_space<vmem>> -> memref<64x128xf32, #tpu.memory_space<vmem>>
          %gather3A_365 = tpu.vector_load_idx %gather3A_364[%add3A_328, %and3A_356] : memref<64x128xf32, #tpu.memory_space<vmem>>[vector<16xi32>, vector<16xi32>], vector<16xf32>,
          %mul3A_366 = arith.mulf %gather3A_360, %gather3A_365 : vector<16xf32>
          %add3A_367 = arith.addf %scan3A_346, %mul3A_366 : vector<16xf32>
          %add3A_368 = arith.constant 1 : i32
          %add3A_369 = vector.broadcast %add3A_368 : i32 to vector<16xi32>
          %add3A_370 = arith.addi %and3A_356, %add3A_369 : vector<16xi32>
          %and3A_371 = arith.constant 127 : i32
          %and3A_372 = vector.broadcast %and3A_371 : i32 to vector<16xi32>
          %and3A_373 = arith.andi %add3A_370, %and3A_372 : vector<16xi32>
          %gather3A_374 = arith.constant 0 : i32
          %gather3A_375 = arith.constant 0 : i32
          %gather3A_376 = tpu.memref_slice %arg7[%scan3A, %gather3A_374, %gather3A_375] : memref<2x64x128xf32, #tpu.memory_space<vmem>> -> memref<1x64x128xf32, #tpu.memory_space<vmem>>
          %gather3A_377 = tpu.memref_squeeze %gather3A_376 : memref<1x64x128xf32, #tpu.memory_space<vmem>> -> memref<64x128xf32, #tpu.memory_space<vmem>>
          %gather3A_378 = tpu.vector_load_idx %gather3A_377[%add3A_328, %and3A_373] : memref<64x128xf32, #tpu.memory_space<vmem>>[vector<16xi32>, vector<16xi32>], vector<16xf32>,
          %gather3A_379 = arith.constant 0 : i32
          %gather3A_380 = arith.constant 0 : i32
          %gather3A_381 = tpu.memref_slice %arg8[%scan3A_236, %gather3A_379, %gather3A_380] : memref<2x64x128xf32, #tpu.memory_space<vmem>> -> memref<1x64x128xf32, #tpu.memory_space<vmem>>
          %gather3A_382 = tpu.memref_squeeze %gather3A_381 : memref<1x64x128xf32, #tpu.memory_space<vmem>> -> memref<64x128xf32, #tpu.memory_space<vmem>>
          %gather3A_383 = tpu.vector_load_idx %gather3A_382[%add3A_328, %and3A_373] : memref<64x128xf32, #tpu.memory_space<vmem>>[vector<16xi32>, vector<16xi32>], vector<16xf32>,
          %mul3A_384 = arith.mulf %gather3A_378, %gather3A_383 : vector<16xf32>
          %add3A_385 = arith.addf %scan3A_347, %mul3A_384 : vector<16xf32>
          %add3A_386 = arith.constant 1 : i32
          %add3A_387 = vector.broadcast %add3A_386 : i32 to vector<16xi32>
          %add3A_388 = arith.addi %and3A_373, %add3A_387 : vector<16xi32>
          %and3A_389 = arith.constant 127 : i32
          %and3A_390 = vector.broadcast %and3A_389 : i32 to vector<16xi32>
          %and3A_391 = arith.andi %add3A_388, %and3A_390 : vector<16xi32>
          %gather3A_392 = arith.constant 0 : i32
          %gather3A_393 = arith.constant 0 : i32
          %gather3A_394 = tpu.memref_slice %arg7[%scan3A, %gather3A_392, %gather3A_393] : memref<2x64x128xf32, #tpu.memory_space<vmem>> -> memref<1x64x128xf32, #tpu.memory_space<vmem>>
          %gather3A_395 = tpu.memref_squeeze %gather3A_394 : memref<1x64x128xf32, #tpu.memory_space<vmem>> -> memref<64x128xf32, #tpu.memory_space<vmem>>
          %gather3A_396 = tpu.vector_load_idx %gather3A_395[%add3A_328, %and3A_391] : memref<64x128xf32, #tpu.memory_space<vmem>>[vector<16xi32>, vector<16xi32>], vector<16xf32>,
          %gather3A_397 = arith.constant 0 : i32
          %gather3A_398 = arith.constant 0 : i32
          %gather3A_399 = tpu.memref_slice %arg8[%scan3A_236, %gather3A_397, %gather3A_398] : memref<2x64x128xf32, #tpu.memory_space<vmem>> -> memref<1x64x128xf32, #tpu.memory_space<vmem>>
          %gather3A_400 = tpu.memref_squeeze %gather3A_399 : memref<1x64x128xf32, #tpu.memory_space<vmem>> -> memref<64x128xf32, #tpu.memory_space<vmem>>
          %gather3A_401 = tpu.vector_load_idx %gather3A_400[%add3A_328, %and3A_391] : memref<64x128xf32, #tpu.memory_space<vmem>>[vector<16xi32>, vector<16xi32>], vector<16xf32>,
          %mul3A_402 = arith.mulf %gather3A_396, %gather3A_401 : vector<16xf32>
          %add3A_403 = arith.addf %scan3A_348, %mul3A_402 : vector<16xf32>
          %add3A_404 = arith.constant 1 : i32
          %add3A_405 = vector.broadcast %add3A_404 : i32 to vector<16xi32>
          %add3A_406 = arith.addi %and3A_391, %add3A_405 : vector<16xi32>
          %and3A_407 = arith.constant 127 : i32
          %and3A_408 = vector.broadcast %and3A_407 : i32 to vector<16xi32>
          %and3A_409 = arith.andi %add3A_406, %and3A_408 : vector<16xi32>
          %gather3A_410 = arith.constant 0 : i32
          %gather3A_411 = arith.constant 0 : i32
          %gather3A_412 = tpu.memref_slice %arg7[%scan3A, %gather3A_410, %gather3A_411] : memref<2x64x128xf32, #tpu.memory_space<vmem>> -> memref<1x64x128xf32, #tpu.memory_space<vmem>>
          %gather3A_413 = tpu.memref_squeeze %gather3A_412 : memref<1x64x128xf32, #tpu.memory_space<vmem>> -> memref<64x128xf32, #tpu.memory_space<vmem>>
          %gather3A_414 = tpu.vector_load_idx %gather3A_413[%add3A_328, %and3A_409] : memref<64x128xf32, #tpu.memory_space<vmem>>[vector<16xi32>, vector<16xi32>], vector<16xf32>,
          %gather3A_415 = arith.constant 0 : i32
          %gather3A_416 = arith.constant 0 : i32
          %gather3A_417 = tpu.memref_slice %arg8[%scan3A_236, %gather3A_415, %gather3A_416] : memref<2x64x128xf32, #tpu.memory_space<vmem>> -> memref<1x64x128xf32, #tpu.memory_space<vmem>>
          %gather3A_418 = tpu.memref_squeeze %gather3A_417 : memref<1x64x128xf32, #tpu.memory_space<vmem>> -> memref<64x128xf32, #tpu.memory_space<vmem>>
          %gather3A_419 = tpu.vector_load_idx %gather3A_418[%add3A_328, %and3A_409] : memref<64x128xf32, #tpu.memory_space<vmem>>[vector<16xi32>, vector<16xi32>], vector<16xf32>,
          %mul3A_420 = arith.mulf %gather3A_414, %gather3A_419 : vector<16xf32>
          %add3A_421 = arith.addf %scan3A_349, %mul3A_420 : vector<16xf32>
          %add3A_422 = arith.constant 1 : i32
          %add3A_423 = vector.broadcast %add3A_422 : i32 to vector<16xi32>
          %add3A_424 = arith.addi %and3A_409, %add3A_423 : vector<16xi32>
          %and3A_425 = arith.constant 127 : i32
          %and3A_426 = vector.broadcast %and3A_425 : i32 to vector<16xi32>
          %and3A_427 = arith.andi %add3A_424, %and3A_426 : vector<16xi32>
          %gather3A_428 = arith.constant 0 : i32
          %gather3A_429 = arith.constant 0 : i32
          %gather3A_430 = tpu.memref_slice %arg7[%scan3A, %gather3A_428, %gather3A_429] : memref<2x64x128xf32, #tpu.memory_space<vmem>> -> memref<1x64x128xf32, #tpu.memory_space<vmem>>
          %gather3A_431 = tpu.memref_squeeze %gather3A_430 : memref<1x64x128xf32, #tpu.memory_space<vmem>> -> memref<64x128xf32, #tpu.memory_space<vmem>>
          %gather3A_432 = tpu.vector_load_idx %gather3A_431[%add3A_328, %and3A_427] : memref<64x128xf32, #tpu.memory_space<vmem>>[vector<16xi32>, vector<16xi32>], vector<16xf32>,
          %gather3A_433 = arith.constant 0 : i32
          %gather3A_434 = arith.constant 0 : i32
          %gather3A_435 = tpu.memref_slice %arg8[%scan3A_236, %gather3A_433, %gather3A_434] : memref<2x64x128xf32, #tpu.memory_space<vmem>> -> memref<1x64x128xf32, #tpu.memory_space<vmem>>
          %gather3A_436 = tpu.memref_squeeze %gather3A_435 : memref<1x64x128xf32, #tpu.memory_space<vmem>> -> memref<64x128xf32, #tpu.memory_space<vmem>>
          %gather3A_437 = tpu.vector_load_idx %gather3A_436[%add3A_328, %and3A_427] : memref<64x128xf32, #tpu.memory_space<vmem>>[vector<16xi32>, vector<16xi32>], vector<16xf32>,
          %mul3A_438 = arith.mulf %gather3A_432, %gather3A_437 : vector<16xf32>
          %add3A_439 = arith.addf %add3A_367, %mul3A_438 : vector<16xf32>
          %add3A_440 = arith.constant 1 : i32
          %add3A_441 = vector.broadcast %add3A_440 : i32 to vector<16xi32>
          %add3A_442 = arith.addi %and3A_427, %add3A_441 : vector<16xi32>
          %and3A_443 = arith.constant 127 : i32
          %and3A_444 = vector.broadcast %and3A_443 : i32 to vector<16xi32>
          %and3A_445 = arith.andi %add3A_442, %and3A_444 : vector<16xi32>
          %gather3A_446 = arith.constant 0 : i32
          %gather3A_447 = arith.constant 0 : i32
          %gather3A_448 = tpu.memref_slice %arg7[%scan3A, %gather3A_446, %gather3A_447] : memref<2x64x128xf32, #tpu.memory_space<vmem>> -> memref<1x64x128xf32, #tpu.memory_space<vmem>>
          %gather3A_449 = tpu.memref_squeeze %gather3A_448 : memref<1x64x128xf32, #tpu.memory_space<vmem>> -> memref<64x128xf32, #tpu.memory_space<vmem>>
          %gather3A_450 = tpu.vector_load_idx %gather3A_449[%add3A_328, %and3A_445] : memref<64x128xf32, #tpu.memory_space<vmem>>[vector<16xi32>, vector<16xi32>], vector<16xf32>,
          %gather3A_451 = arith.constant 0 : i32
          %gather3A_452 = arith.constant 0 : i32
          %gather3A_453 = tpu.memref_slice %arg8[%scan3A_236, %gather3A_451, %gather3A_452] : memref<2x64x128xf32, #tpu.memory_space<vmem>> -> memref<1x64x128xf32, #tpu.memory_space<vmem>>
          %gather3A_454 = tpu.memref_squeeze %gather3A_453 : memref<1x64x128xf32, #tpu.memory_space<vmem>> -> memref<64x128xf32, #tpu.memory_space<vmem>>
          %gather3A_455 = tpu.vector_load_idx %gather3A_454[%add3A_328, %and3A_445] : memref<64x128xf32, #tpu.memory_space<vmem>>[vector<16xi32>, vector<16xi32>], vector<16xf32>,
          %mul3A_456 = arith.mulf %gather3A_450, %gather3A_455 : vector<16xf32>
          %add3A_457 = arith.addf %add3A_385, %mul3A_456 : vector<16xf32>
          %add3A_458 = arith.constant 1 : i32
          %add3A_459 = vector.broadcast %add3A_458 : i32 to vector<16xi32>
          %add3A_460 = arith.addi %and3A_445, %add3A_459 : vector<16xi32>
          %and3A_461 = arith.constant 127 : i32
          %and3A_462 = vector.broadcast %and3A_461 : i32 to vector<16xi32>
          %and3A_463 = arith.andi %add3A_460, %and3A_462 : vector<16xi32>
          %gather3A_464 = arith.constant 0 : i32
          %gather3A_465 = arith.constant 0 : i32
          %gather3A_466 = tpu.memref_slice %arg7[%scan3A, %gather3A_464, %gather3A_465] : memref<2x64x128xf32, #tpu.memory_space<vmem>> -> memref<1x64x128xf32, #tpu.memory_space<vmem>>
          %gather3A_467 = tpu.memref_squeeze %gather3A_466 : memref<1x64x128xf32, #tpu.memory_space<vmem>> -> memref<64x128xf32, #tpu.memory_space<vmem>>
          %gather3A_468 = tpu.vector_load_idx %gather3A_467[%add3A_328, %and3A_463] : memref<64x128xf32, #tpu.memory_space<vmem>>[vector<16xi32>, vector<16xi32>], vector<16xf32>,
          %gather3A_469 = arith.constant 0 : i32
          %gather3A_470 = arith.constant 0 : i32
          %gather3A_471 = tpu.memref_slice %arg8[%scan3A_236, %gather3A_469, %gather3A_470] : memref<2x64x128xf32, #tpu.memory_space<vmem>> -> memref<1x64x128xf32, #tpu.memory_space<vmem>>
          %gather3A_472 = tpu.memref_squeeze %gather3A_471 : memref<1x64x128xf32, #tpu.memory_space<vmem>> -> memref<64x128xf32, #tpu.memory_space<vmem>>
          %gather3A_473 = tpu.vector_load_idx %gather3A_472[%add3A_328, %and3A_463] : memref<64x128xf32, #tpu.memory_space<vmem>>[vector<16xi32>, vector<16xi32>], vector<16xf32>,
          %mul3A_474 = arith.mulf %gather3A_468, %gather3A_473 : vector<16xf32>
          %add3A_475 = arith.addf %add3A_403, %mul3A_474 : vector<16xf32>
          %add3A_476 = arith.constant 1 : i32
          %add3A_477 = vector.broadcast %add3A_476 : i32 to vector<16xi32>
          %add3A_478 = arith.addi %and3A_463, %add3A_477 : vector<16xi32>
          %and3A_479 = arith.constant 127 : i32
          %and3A_480 = vector.broadcast %and3A_479 : i32 to vector<16xi32>
          %and3A_481 = arith.andi %add3A_478, %and3A_480 : vector<16xi32>
          %gather3A_482 = arith.constant 0 : i32
          %gather3A_483 = arith.constant 0 : i32
          %gather3A_484 = tpu.memref_slice %arg7[%scan3A, %gather3A_482, %gather3A_483] : memref<2x64x128xf32, #tpu.memory_space<vmem>> -> memref<1x64x128xf32, #tpu.memory_space<vmem>>
          %gather3A_485 = tpu.memref_squeeze %gather3A_484 : memref<1x64x128xf32, #tpu.memory_space<vmem>> -> memref<64x128xf32, #tpu.memory_space<vmem>>
          %gather3A_486 = tpu.vector_load_idx %gather3A_485[%add3A_328, %and3A_481] : memref<64x128xf32, #tpu.memory_space<vmem>>[vector<16xi32>, vector<16xi32>], vector<16xf32>,
          %gather3A_487 = arith.constant 0 : i32
          %gather3A_488 = arith.constant 0 : i32
          %gather3A_489 = tpu.memref_slice %arg8[%scan3A_236, %gather3A_487, %gather3A_488] : memref<2x64x128xf32, #tpu.memory_space<vmem>> -> memref<1x64x128xf32, #tpu.memory_space<vmem>>
          %gather3A_490 = tpu.memref_squeeze %gather3A_489 : memref<1x64x128xf32, #tpu.memory_space<vmem>> -> memref<64x128xf32, #tpu.memory_space<vmem>>
          %gather3A_491 = tpu.vector_load_idx %gather3A_490[%add3A_328, %and3A_481] : memref<64x128xf32, #tpu.memory_space<vmem>>[vector<16xi32>, vector<16xi32>], vector<16xf32>,
          %mul3A_492 = arith.mulf %gather3A_486, %gather3A_491 : vector<16xf32>
          %add3A_493 = arith.addf %add3A_421, %mul3A_492 : vector<16xf32>
          %add3A_494 = arith.constant 1 : i32
          %add3A_495 = vector.broadcast %add3A_494 : i32 to vector<16xi32>
          %add3A_496 = arith.addi %and3A_481, %add3A_495 : vector<16xi32>
          %and3A_497 = arith.constant 127 : i32
          %and3A_498 = vector.broadcast %and3A_497 : i32 to vector<16xi32>
          %and3A_499 = arith.andi %add3A_496, %and3A_498 : vector<16xi32>
          %gather3A_500 = arith.constant 0 : i32
          %gather3A_501 = arith.constant 0 : i32
          %gather3A_502 = tpu.memref_slice %arg7[%scan3A, %gather3A_500, %gather3A_501] : memref<2x64x128xf32, #tpu.memory_space<vmem>> -> memref<1x64x128xf32, #tpu.memory_space<vmem>>
          %gather3A_503 = tpu.memref_squeeze %gather3A_502 : memref<1x64x128xf32, #tpu.memory_space<vmem>> -> memref<64x128xf32, #tpu.memory_space<vmem>>
          %gather3A_504 = tpu.vector_load_idx %gather3A_503[%add3A_328, %and3A_499] : memref<64x128xf32, #tpu.memory_space<vmem>>[vector<16xi32>, vector<16xi32>], vector<16xf32>,
          %gather3A_505 = arith.constant 0 : i32
          %gather3A_506 = arith.constant 0 : i32
          %gather3A_507 = tpu.memref_slice %arg8[%scan3A_236, %gather3A_505, %gather3A_506] : memref<2x64x128xf32, #tpu.memory_space<vmem>> -> memref<1x64x128xf32, #tpu.memory_space<vmem>>
          %gather3A_508 = tpu.memref_squeeze %gather3A_507 : memref<1x64x128xf32, #tpu.memory_space<vmem>> -> memref<64x128xf32, #tpu.memory_space<vmem>>
          %gather3A_509 = tpu.vector_load_idx %gather3A_508[%add3A_328, %and3A_499] : memref<64x128xf32, #tpu.memory_space<vmem>>[vector<16xi32>, vector<16xi32>], vector<16xf32>,
          %mul3A_510 = arith.mulf %gather3A_504, %gather3A_509 : vector<16xf32>
          %add3A_511 = arith.addf %add3A_439, %mul3A_510 : vector<16xf32>
          %add3A_512 = arith.constant 1 : i32
          %add3A_513 = vector.broadcast %add3A_512 : i32 to vector<16xi32>
          %add3A_514 = arith.addi %and3A_499, %add3A_513 : vector<16xi32>
          %and3A_515 = arith.constant 127 : i32
          %and3A_516 = vector.broadcast %and3A_515 : i32 to vector<16xi32>
          %and3A_517 = arith.andi %add3A_514, %and3A_516 : vector<16xi32>
          %gather3A_518 = arith.constant 0 : i32
          %gather3A_519 = arith.constant 0 : i32
          %gather3A_520 = tpu.memref_slice %arg7[%scan3A, %gather3A_518, %gather3A_519] : memref<2x64x128xf32, #tpu.memory_space<vmem>> -> memref<1x64x128xf32, #tpu.memory_space<vmem>>
          %gather3A_521 = tpu.memref_squeeze %gather3A_520 : memref<1x64x128xf32, #tpu.memory_space<vmem>> -> memref<64x128xf32, #tpu.memory_space<vmem>>
          %gather3A_522 = tpu.vector_load_idx %gather3A_521[%add3A_328, %and3A_517] : memref<64x128xf32, #tpu.memory_space<vmem>>[vector<16xi32>, vector<16xi32>], vector<16xf32>,
          %gather3A_523 = arith.constant 0 : i32
          %gather3A_524 = arith.constant 0 : i32
          %gather3A_525 = tpu.memref_slice %arg8[%scan3A_236, %gather3A_523, %gather3A_524] : memref<2x64x128xf32, #tpu.memory_space<vmem>> -> memref<1x64x128xf32, #tpu.memory_space<vmem>>
          %gather3A_526 = tpu.memref_squeeze %gather3A_525 : memref<1x64x128xf32, #tpu.memory_space<vmem>> -> memref<64x128xf32, #tpu.memory_space<vmem>>
          %gather3A_527 = tpu.vector_load_idx %gather3A_526[%add3A_328, %and3A_517] : memref<64x128xf32, #tpu.memory_space<vmem>>[vector<16xi32>, vector<16xi32>], vector<16xf32>,
          %mul3A_528 = arith.mulf %gather3A_522, %gather3A_527 : vector<16xf32>
          %add3A_529 = arith.addf %add3A_457, %mul3A_528 : vector<16xf32>
          %add3A_530 = arith.constant 1 : i32
          %add3A_531 = vector.broadcast %add3A_530 : i32 to vector<16xi32>
          %add3A_532 = arith.addi %and3A_517, %add3A_531 : vector<16xi32>
          %and3A_533 = arith.constant 127 : i32
          %and3A_534 = vector.broadcast %and3A_533 : i32 to vector<16xi32>
          %and3A_535 = arith.andi %add3A_532, %and3A_534 : vector<16xi32>
          %gather3A_536 = arith.constant 0 : i32
          %gather3A_537 = arith.constant 0 : i32
          %gather3A_538 = tpu.memref_slice %arg7[%scan3A, %gather3A_536, %gather3A_537] : memref<2x64x128xf32, #tpu.memory_space<vmem>> -> memref<1x64x128xf32, #tpu.memory_space<vmem>>
          %gather3A_539 = tpu.memref_squeeze %gather3A_538 : memref<1x64x128xf32, #tpu.memory_space<vmem>> -> memref<64x128xf32, #tpu.memory_space<vmem>>
          %gather3A_540 = tpu.vector_load_idx %gather3A_539[%add3A_328, %and3A_535] : memref<64x128xf32, #tpu.memory_space<vmem>>[vector<16xi32>, vector<16xi32>], vector<16xf32>,
          %gather3A_541 = arith.constant 0 : i32
          %gather3A_542 = arith.constant 0 : i32
          %gather3A_543 = tpu.memref_slice %arg8[%scan3A_236, %gather3A_541, %gather3A_542] : memref<2x64x128xf32, #tpu.memory_space<vmem>> -> memref<1x64x128xf32, #tpu.memory_space<vmem>>
          %gather3A_544 = tpu.memref_squeeze %gather3A_543 : memref<1x64x128xf32, #tpu.memory_space<vmem>> -> memref<64x128xf32, #tpu.memory_space<vmem>>
          %gather3A_545 = tpu.vector_load_idx %gather3A_544[%add3A_328, %and3A_535] : memref<64x128xf32, #tpu.memory_space<vmem>>[vector<16xi32>, vector<16xi32>], vector<16xf32>,
          %mul3A_546 = arith.mulf %gather3A_540, %gather3A_545 : vector<16xf32>
          %add3A_547 = arith.addf %add3A_475, %mul3A_546 : vector<16xf32>
          %add3A_548 = arith.constant 1 : i32
          %add3A_549 = vector.broadcast %add3A_548 : i32 to vector<16xi32>
          %add3A_550 = arith.addi %and3A_535, %add3A_549 : vector<16xi32>
          %and3A_551 = arith.constant 127 : i32
          %and3A_552 = vector.broadcast %and3A_551 : i32 to vector<16xi32>
          %and3A_553 = arith.andi %add3A_550, %and3A_552 : vector<16xi32>
          %gather3A_554 = arith.constant 0 : i32
          %gather3A_555 = arith.constant 0 : i32
          %gather3A_556 = tpu.memref_slice %arg7[%scan3A, %gather3A_554, %gather3A_555] : memref<2x64x128xf32, #tpu.memory_space<vmem>> -> memref<1x64x128xf32, #tpu.memory_space<vmem>>
          %gather3A_557 = tpu.memref_squeeze %gather3A_556 : memref<1x64x128xf32, #tpu.memory_space<vmem>> -> memref<64x128xf32, #tpu.memory_space<vmem>>
          %gather3A_558 = tpu.vector_load_idx %gather3A_557[%add3A_328, %and3A_553] : memref<64x128xf32, #tpu.memory_space<vmem>>[vector<16xi32>, vector<16xi32>], vector<16xf32>,
          %gather3A_559 = arith.constant 0 : i32
          %gather3A_560 = arith.constant 0 : i32
          %gather3A_561 = tpu.memref_slice %arg8[%scan3A_236, %gather3A_559, %gather3A_560] : memref<2x64x128xf32, #tpu.memory_space<vmem>> -> memref<1x64x128xf32, #tpu.memory_space<vmem>>
          %gather3A_562 = tpu.memref_squeeze %gather3A_561 : memref<1x64x128xf32, #tpu.memory_space<vmem>> -> memref<64x128xf32, #tpu.memory_space<vmem>>
          %gather3A_563 = tpu.vector_load_idx %gather3A_562[%add3A_328, %and3A_553] : memref<64x128xf32, #tpu.memory_space<vmem>>[vector<16xi32>, vector<16xi32>], vector<16xf32>,
          %mul3A_564 = arith.mulf %gather3A_558, %gather3A_563 : vector<16xf32>
          %add3A_565 = arith.addf %add3A_493, %mul3A_564 : vector<16xf32>
          %add3A_566 = arith.constant 1 : i32
          %add3A_567 = vector.broadcast %add3A_566 : i32 to vector<16xi32>
          %add3A_568 = arith.addi %and3A_553, %add3A_567 : vector<16xi32>
          %and3A_569 = arith.constant 127 : i32
          %and3A_570 = vector.broadcast %and3A_569 : i32 to vector<16xi32>
          %and3A_571 = arith.andi %add3A_568, %and3A_570 : vector<16xi32>
          %gather3A_572 = arith.constant 0 : i32
          %gather3A_573 = arith.constant 0 : i32
          %gather3A_574 = tpu.memref_slice %arg7[%scan3A, %gather3A_572, %gather3A_573] : memref<2x64x128xf32, #tpu.memory_space<vmem>> -> memref<1x64x128xf32, #tpu.memory_space<vmem>>
          %gather3A_575 = tpu.memref_squeeze %gather3A_574 : memref<1x64x128xf32, #tpu.memory_space<vmem>> -> memref<64x128xf32, #tpu.memory_space<vmem>>
          %gather3A_576 = tpu.vector_load_idx %gather3A_575[%add3A_328, %and3A_571] : memref<64x128xf32, #tpu.memory_space<vmem>>[vector<16xi32>, vector<16xi32>], vector<16xf32>,
          %gather3A_577 = arith.constant 0 : i32
          %gather3A_578 = arith.constant 0 : i32
          %gather3A_579 = tpu.memref_slice %arg8[%scan3A_236, %gather3A_577, %gather3A_578] : memref<2x64x128xf32, #tpu.memory_space<vmem>> -> memref<1x64x128xf32, #tpu.memory_space<vmem>>
          %gather3A_580 = tpu.memref_squeeze %gather3A_579 : memref<1x64x128xf32, #tpu.memory_space<vmem>> -> memref<64x128xf32, #tpu.memory_space<vmem>>
          %gather3A_581 = tpu.vector_load_idx %gather3A_580[%add3A_328, %and3A_571] : memref<64x128xf32, #tpu.memory_space<vmem>>[vector<16xi32>, vector<16xi32>], vector<16xf32>,
          %mul3A_582 = arith.mulf %gather3A_576, %gather3A_581 : vector<16xf32>
          %add3A_583 = arith.addf %add3A_511, %mul3A_582 : vector<16xf32>
          %add3A_584 = arith.constant 1 : i32
          %add3A_585 = vector.broadcast %add3A_584 : i32 to vector<16xi32>
          %add3A_586 = arith.addi %and3A_571, %add3A_585 : vector<16xi32>
          %and3A_587 = arith.constant 127 : i32
          %and3A_588 = vector.broadcast %and3A_587 : i32 to vector<16xi32>
          %and3A_589 = arith.andi %add3A_586, %and3A_588 : vector<16xi32>
          %gather3A_590 = arith.constant 0 : i32
          %gather3A_591 = arith.constant 0 : i32
          %gather3A_592 = tpu.memref_slice %arg7[%scan3A, %gather3A_590, %gather3A_591] : memref<2x64x128xf32, #tpu.memory_space<vmem>> -> memref<1x64x128xf32, #tpu.memory_space<vmem>>
          %gather3A_593 = tpu.memref_squeeze %gather3A_592 : memref<1x64x128xf32, #tpu.memory_space<vmem>> -> memref<64x128xf32, #tpu.memory_space<vmem>>
          %gather3A_594 = tpu.vector_load_idx %gather3A_593[%add3A_328, %and3A_589] : memref<64x128xf32, #tpu.memory_space<vmem>>[vector<16xi32>, vector<16xi32>], vector<16xf32>,
          %gather3A_595 = arith.constant 0 : i32
          %gather3A_596 = arith.constant 0 : i32
          %gather3A_597 = tpu.memref_slice %arg8[%scan3A_236, %gather3A_595, %gather3A_596] : memref<2x64x128xf32, #tpu.memory_space<vmem>> -> memref<1x64x128xf32, #tpu.memory_space<vmem>>
          %gather3A_598 = tpu.memref_squeeze %gather3A_597 : memref<1x64x128xf32, #tpu.memory_space<vmem>> -> memref<64x128xf32, #tpu.memory_space<vmem>>
          %gather3A_599 = tpu.vector_load_idx %gather3A_598[%add3A_328, %and3A_589] : memref<64x128xf32, #tpu.memory_space<vmem>>[vector<16xi32>, vector<16xi32>], vector<16xf32>,
          %mul3A_600 = arith.mulf %gather3A_594, %gather3A_599 : vector<16xf32>
          %add3A_601 = arith.addf %add3A_529, %mul3A_600 : vector<16xf32>
          %add3A_602 = arith.constant 1 : i32
          %add3A_603 = vector.broadcast %add3A_602 : i32 to vector<16xi32>
          %add3A_604 = arith.addi %and3A_589, %add3A_603 : vector<16xi32>
          %and3A_605 = arith.constant 127 : i32
          %and3A_606 = vector.broadcast %and3A_605 : i32 to vector<16xi32>
          %and3A_607 = arith.andi %add3A_604, %and3A_606 : vector<16xi32>
          %gather3A_608 = arith.constant 0 : i32
          %gather3A_609 = arith.constant 0 : i32
          %gather3A_610 = tpu.memref_slice %arg7[%scan3A, %gather3A_608, %gather3A_609] : memref<2x64x128xf32, #tpu.memory_space<vmem>> -> memref<1x64x128xf32, #tpu.memory_space<vmem>>
          %gather3A_611 = tpu.memref_squeeze %gather3A_610 : memref<1x64x128xf32, #tpu.memory_space<vmem>> -> memref<64x128xf32, #tpu.memory_space<vmem>>
          %gather3A_612 = tpu.vector_load_idx %gather3A_611[%add3A_328, %and3A_607] : memref<64x128xf32, #tpu.memory_space<vmem>>[vector<16xi32>, vector<16xi32>], vector<16xf32>,
          %gather3A_613 = arith.constant 0 : i32
          %gather3A_614 = arith.constant 0 : i32
          %gather3A_615 = tpu.memref_slice %arg8[%scan3A_236, %gather3A_613, %gather3A_614] : memref<2x64x128xf32, #tpu.memory_space<vmem>> -> memref<1x64x128xf32, #tpu.memory_space<vmem>>
          %gather3A_616 = tpu.memref_squeeze %gather3A_615 : memref<1x64x128xf32, #tpu.memory_space<vmem>> -> memref<64x128xf32, #tpu.memory_space<vmem>>
          %gather3A_617 = tpu.vector_load_idx %gather3A_616[%add3A_328, %and3A_607] : memref<64x128xf32, #tpu.memory_space<vmem>>[vector<16xi32>, vector<16xi32>], vector<16xf32>,
          %mul3A_618 = arith.mulf %gather3A_612, %gather3A_617 : vector<16xf32>
          %add3A_619 = arith.addf %add3A_547, %mul3A_618 : vector<16xf32>
          %add3A_620 = arith.constant 1 : i32
          %add3A_621 = vector.broadcast %add3A_620 : i32 to vector<16xi32>
          %add3A_622 = arith.addi %and3A_607, %add3A_621 : vector<16xi32>
          %and3A_623 = arith.constant 127 : i32
          %and3A_624 = vector.broadcast %and3A_623 : i32 to vector<16xi32>
          %and3A_625 = arith.andi %add3A_622, %and3A_624 : vector<16xi32>
          %gather3A_626 = arith.constant 0 : i32
          %gather3A_627 = arith.constant 0 : i32
          %gather3A_628 = tpu.memref_slice %arg7[%scan3A, %gather3A_626, %gather3A_627] : memref<2x64x128xf32, #tpu.memory_space<vmem>> -> memref<1x64x128xf32, #tpu.memory_space<vmem>>
          %gather3A_629 = tpu.memref_squeeze %gather3A_628 : memref<1x64x128xf32, #tpu.memory_space<vmem>> -> memref<64x128xf32, #tpu.memory_space<vmem>>
          %gather3A_630 = tpu.vector_load_idx %gather3A_629[%add3A_328, %and3A_625] : memref<64x128xf32, #tpu.memory_space<vmem>>[vector<16xi32>, vector<16xi32>], vector<16xf32>,
          %gather3A_631 = arith.constant 0 : i32
          %gather3A_632 = arith.constant 0 : i32
          %gather3A_633 = tpu.memref_slice %arg8[%scan3A_236, %gather3A_631, %gather3A_632] : memref<2x64x128xf32, #tpu.memory_space<vmem>> -> memref<1x64x128xf32, #tpu.memory_space<vmem>>
          %gather3A_634 = tpu.memref_squeeze %gather3A_633 : memref<1x64x128xf32, #tpu.memory_space<vmem>> -> memref<64x128xf32, #tpu.memory_space<vmem>>
          %gather3A_635 = tpu.vector_load_idx %gather3A_634[%add3A_328, %and3A_625] : memref<64x128xf32, #tpu.memory_space<vmem>>[vector<16xi32>, vector<16xi32>], vector<16xf32>,
          %mul3A_636 = arith.mulf %gather3A_630, %gather3A_635 : vector<16xf32>
          %add3A_637 = arith.addf %add3A_565, %mul3A_636 : vector<16xf32>
          scf.yield %add3A_583, %add3A_601, %add3A_619, %add3A_637 : vector<16xf32>, vector<16xf32>, vector<16xf32>, vector<16xf32>
        }
        %scan3A_335 = arith.constant 8 : i32
        %add3A_336 = arith.addf %scan3A_334#0, %scan3A_334#1 : vector<16xf32>
        %add3A_337 = arith.addf %scan3A_334#2, %scan3A_334#3 : vector<16xf32>
        %add3A_338 = arith.addf %add3A_336, %add3A_337 : vector<16xf32>
        %mul3A_339 = arith.constant 16 : i32
        %mul3A_340 = arith.muli %scan3A_323, %mul3A_339 : i32
        %swap3A = arith.constant 0 : i32
        %swap3A_341 = arith.index_cast %swap3A : i32 to index
        %swap3A_342 = arith.index_cast %mul3A_340 : i32 to index
        %swap3A_343 = tpu.vector_load %arg9[%swap3A_341, %swap3A_342] {strides = array<i32>} : memref<2x64xf32, #tpu.memory_space<vmem>>, vector<16xf32>,
        tpu.vector_store %arg9[%swap3A_341, %swap3A_342], %add3A_338 {strides = array<i32>} : memref<2x64xf32, #tpu.memory_space<vmem>>, vector<16xf32>,
        %scan3A_344 = arith.constant 0 : i32
        scf.yield %scan3A_344 : i32
      }
      %scan3A_243 = arith.constant 4 : i32
      %mul3A_244 = arith.constant 64 : i32
      %mul3A_245 = arith.muli %add3A_196, %mul3A_244 : i32
      %add3A_246 = arith.addi %mul3A_2, %mul3A_245 : i32
      %dma_start3A_247 = arith.constant 0 : i32
      %dma_start3A_248 = arith.constant 0 : i32
      %dma_start3A_249 = tpu.memref_slice %arg9[%dma_start3A_247, %dma_start3A_248] : memref<2x64xf32, #tpu.memory_space<vmem>> -> memref<1x64xf32, #tpu.memory_space<vmem>>
      %dma_start3A_250 = tpu.memref_squeeze %dma_start3A_249 : memref<1x64xf32, #tpu.memory_space<vmem>> -> memref<64xf32, #tpu.memory_space<vmem>>
      %dma_start3A_251 = tpu.memref_slice %arg4[%add3A_246] : memref<320000xf32, #tpu.memory_space<hbm>> -> memref<64xf32, #tpu.memory_space<hbm>>
      %dma_start3A_252 = tpu.memref_slice %arg4[%add3A_246] : memref<320000xf32, #tpu.memory_space<hbm>> -> memref<64xf32, #tpu.memory_space<hbm>>
      %dma_start3A_253 = arith.constant 0 : i32
      %dma_start3A_254 = tpu.memref_slice %arg9[%dma_start3A_247, %dma_start3A_253] : memref<2x64xf32, #tpu.memory_space<vmem>> -> memref<1x64xf32, #tpu.memory_space<vmem>>
      %dma_start3A_255 = tpu.memref_squeeze %dma_start3A_254 : memref<1x64xf32, #tpu.memory_space<vmem>> -> memref<64xf32, #tpu.memory_space<vmem>>
      tpu.enqueue_dma source(%dma_start3A_255 : memref<64xf32, #tpu.memory_space<vmem>>) target(%dma_start3A_252 : memref<64xf32, #tpu.memory_space<hbm>>) target_semaphore(%arg19 : memref<!tpu.dma_semaphore, #tpu.memory_space<semaphore_mem>>)
      %mul3A_256 = arith.constant 2 : i32
      %mul3A_257 = arith.muli %mul3A_256, %while3A_191 : i32
      %add3A_258 = arith.constant 1 : i32
      %add3A_259 = arith.addi %mul3A_257, %add3A_258 : i32
      %add3A_260 = arith.constant 1 : i32
      %add3A_261 = arith.addi %add3A_259, %add3A_260 : i32
      %lt3A_262 = arith.cmpi slt, %add3A_261, %min3A_21 : i32
      %convert_element_type3A_263 = arith.extui %lt3A_262 : i1 to i32
      %cond3A_264 = arith.constant 0 : i32
      %cond3A_265 = arith.cmpi ne, %convert_element_type3A_263, %cond3A_264 : i32
      scf.if %cond3A_265 {
        %add3A_323 = arith.constant 1 : i32
        %add3A_324 = arith.addi %add3A_259, %add3A_323 : i32
        %mul3A_325 = arith.constant 64 : i32
        %mul3A_326 = arith.muli %add3A_324, %mul3A_325 : i32
        %add3A_327 = arith.addi %mul3A_2, %mul3A_326 : i32
        %dma_wait3A_328 = arith.constant 0 : i32
        %dma_wait3A_329 = arith.constant 0 : i32
        %dma_wait3A_330 = arith.constant 0 : i32
        %dma_wait3A_331 = tpu.memref_slice %arg5[%dma_wait3A_329, %dma_wait3A_330] : memref<2x64xi32, #tpu.memory_space<vmem>> -> memref<1x64xi32, #tpu.memory_space<vmem>>
        %dma_wait3A_332 = tpu.memref_squeeze %dma_wait3A_331 : memref<1x64xi32, #tpu.memory_space<vmem>> -> memref<64xi32, #tpu.memory_space<vmem>>
        %dma_wait3A_333 = tpu.memref_slice %arg3[%dma_wait3A_328, %add3A_327] : memref<2x320000xi32, #tpu.memory_space<hbm>> -> memref<1x64xi32, #tpu.memory_space<hbm>>
        %dma_wait3A_334 = tpu.memref_squeeze %dma_wait3A_333 : memref<1x64xi32, #tpu.memory_space<hbm>> -> memref<64xi32, #tpu.memory_space<hbm>>
        %dma_wait3A_335 = arith.constant 0 : i32
        %dma_wait3A_336 = tpu.memref_slice %arg5[%dma_wait3A_329, %dma_wait3A_335] : memref<2x64xi32, #tpu.memory_space<vmem>> -> memref<1x64xi32, #tpu.memory_space<vmem>>
        %dma_wait3A_337 = tpu.memref_squeeze %dma_wait3A_336 : memref<1x64xi32, #tpu.memory_space<vmem>> -> memref<64xi32, #tpu.memory_space<vmem>>
        %dma_wait3A_338 = tpu.memref_slice %arg3[%dma_wait3A_328, %add3A_327] : memref<2x320000xi32, #tpu.memory_space<hbm>> -> memref<1x64xi32, #tpu.memory_space<hbm>>
        %dma_wait3A_339 = tpu.memref_squeeze %dma_wait3A_338 : memref<1x64xi32, #tpu.memory_space<hbm>> -> memref<64xi32, #tpu.memory_space<hbm>>
        tpu.wait_dma2 semaphore(%arg15 : memref<!tpu.dma_semaphore, #tpu.memory_space<semaphore_mem>>) src(%dma_wait3A_339 : memref<64xi32, #tpu.memory_space<hbm>>) dst(%dma_wait3A_337 : memref<64xi32, #tpu.memory_space<vmem>>)
        %dma_wait3A_340 = arith.constant 1 : i32
        %dma_wait3A_341 = arith.constant 0 : i32
        %dma_wait3A_342 = arith.constant 0 : i32
        %dma_wait3A_343 = tpu.memref_slice %arg6[%dma_wait3A_341, %dma_wait3A_342] : memref<2x64xi32, #tpu.memory_space<vmem>> -> memref<1x64xi32, #tpu.memory_space<vmem>>
        %dma_wait3A_344 = tpu.memref_squeeze %dma_wait3A_343 : memref<1x64xi32, #tpu.memory_space<vmem>> -> memref<64xi32, #tpu.memory_space<vmem>>
        %dma_wait3A_345 = tpu.memref_slice %arg3[%dma_wait3A_340, %add3A_327] : memref<2x320000xi32, #tpu.memory_space<hbm>> -> memref<1x64xi32, #tpu.memory_space<hbm>>
        %dma_wait3A_346 = tpu.memref_squeeze %dma_wait3A_345 : memref<1x64xi32, #tpu.memory_space<hbm>> -> memref<64xi32, #tpu.memory_space<hbm>>
        %dma_wait3A_347 = arith.constant 0 : i32
        %dma_wait3A_348 = tpu.memref_slice %arg6[%dma_wait3A_341, %dma_wait3A_347] : memref<2x64xi32, #tpu.memory_space<vmem>> -> memref<1x64xi32, #tpu.memory_space<vmem>>
        %dma_wait3A_349 = tpu.memref_squeeze %dma_wait3A_348 : memref<1x64xi32, #tpu.memory_space<vmem>> -> memref<64xi32, #tpu.memory_space<vmem>>
        %dma_wait3A_350 = tpu.memref_slice %arg3[%dma_wait3A_340, %add3A_327] : memref<2x320000xi32, #tpu.memory_space<hbm>> -> memref<1x64xi32, #tpu.memory_space<hbm>>
        %dma_wait3A_351 = tpu.memref_squeeze %dma_wait3A_350 : memref<1x64xi32, #tpu.memory_space<hbm>> -> memref<64xi32, #tpu.memory_space<hbm>>
        tpu.wait_dma2 semaphore(%arg17 : memref<!tpu.dma_semaphore, #tpu.memory_space<semaphore_mem>>) src(%dma_wait3A_351 : memref<64xi32, #tpu.memory_space<hbm>>) dst(%dma_wait3A_349 : memref<64xi32, #tpu.memory_space<vmem>>)
        %dma_start3A_352 = arith.constant 0 : i32
        %dma_start3A_353 = arith.constant 0 : i32
        %dma_start3A_354 = arith.constant 0 : i32
        %dma_start3A_355 = arith.constant 0 : i32
        %dma_start3A_356 = tpu.memref_slice %arg7[%dma_start3A_353, %dma_start3A_354, %dma_start3A_355] : memref<2x64x128xf32, #tpu.memory_space<vmem>> -> memref<1x64x128xf32, #tpu.memory_space<vmem>>
        %dma_start3A_357 = tpu.memref_squeeze %dma_start3A_356 : memref<1x64x128xf32, #tpu.memory_space<vmem>> -> memref<64x128xf32, #tpu.memory_space<vmem>>
        %dma_start3A_358 = arith.constant 0 : i32
        %dma_start3A_359 = tpu.memref_slice %arg5[%dma_start3A_352, %dma_start3A_358] : memref<2x64xi32, #tpu.memory_space<vmem>> -> memref<1x64xi32, #tpu.memory_space<vmem>>
        %dma_start3A_360 = tpu.memref_squeeze %dma_start3A_359 : memref<1x64xi32, #tpu.memory_space<vmem>> -> memref<64xi32, #tpu.memory_space<vmem>>
        %dma_start3A_361 = arith.constant 0 : i32
        %dma_start3A_362 = arith.constant 0 : i32
        %dma_start3A_363 = tpu.memref_slice %arg10[%dma_start3A_361, %dma_start3A_362] : memref<10000x128xf32, #tpu.memory_space<vmem_shared>> -> memref<10000x128xf32, #tpu.memory_space<vmem_shared>>
        tpu.enqueue_indirect_dma source(%dma_start3A_363 : memref<10000x128xf32, #tpu.memory_space<vmem_shared>>) target(%dma_start3A_357 : memref<64x128xf32, #tpu.memory_space<vmem>>) offsets(%dma_start3A_360 : memref<64xi32, #tpu.memory_space<vmem>>) semaphore(%arg11 : memref<!tpu.dma_semaphore, #tpu.memory_space<semaphore_mem>>)
        %dma_start3A_364 = arith.constant 0 : i32
        %dma_start3A_365 = arith.constant 0 : i32
        %dma_start3A_366 = arith.constant 0 : i32
        %dma_start3A_367 = arith.constant 0 : i32
        %dma_start3A_368 = tpu.memref_slice %arg8[%dma_start3A_365, %dma_start3A_366, %dma_start3A_367] : memref<2x64x128xf32, #tpu.memory_space<vmem>> -> memref<1x64x128xf32, #tpu.memory_space<vmem>>
        %dma_start3A_369 = tpu.memref_squeeze %dma_start3A_368 : memref<1x64x128xf32, #tpu.memory_space<vmem>> -> memref<64x128xf32, #tpu.memory_space<vmem>>
        %dma_start3A_370 = arith.constant 0 : i32
        %dma_start3A_371 = tpu.memref_slice %arg6[%dma_start3A_364, %dma_start3A_370] : memref<2x64xi32, #tpu.memory_space<vmem>> -> memref<1x64xi32, #tpu.memory_space<vmem>>
        %dma_start3A_372 = tpu.memref_squeeze %dma_start3A_371 : memref<1x64xi32, #tpu.memory_space<vmem>> -> memref<64xi32, #tpu.memory_space<vmem>>
        %dma_start3A_373 = arith.constant 0 : i32
        %dma_start3A_374 = arith.constant 0 : i32
        %dma_start3A_375 = tpu.memref_slice %arg10[%dma_start3A_373, %dma_start3A_374] : memref<10000x128xf32, #tpu.memory_space<vmem_shared>> -> memref<10000x128xf32, #tpu.memory_space<vmem_shared>>
        tpu.enqueue_indirect_dma source(%dma_start3A_375 : memref<10000x128xf32, #tpu.memory_space<vmem_shared>>) target(%dma_start3A_369 : memref<64x128xf32, #tpu.memory_space<vmem>>) offsets(%dma_start3A_372 : memref<64xi32, #tpu.memory_space<vmem>>) semaphore(%arg13 : memref<!tpu.dma_semaphore, #tpu.memory_space<semaphore_mem>>)
      } else {
      }
      %dma_wait3A_266 = arith.constant 1 : i32
      %dma_wait3A_267 = arith.constant 1 : i32
      %dma_wait3A_268 = arith.constant 0 : i32
      %dma_wait3A_269 = arith.constant 0 : i32
      %dma_wait3A_270 = tpu.memref_slice %arg7[%dma_wait3A_267, %dma_wait3A_268, %dma_wait3A_269] : memref<2x64x128xf32, #tpu.memory_space<vmem>> -> memref<1x64x128xf32, #tpu.memory_space<vmem>>
      %dma_wait3A_271 = tpu.memref_squeeze %dma_wait3A_270 : memref<1x64x128xf32, #tpu.memory_space<vmem>> -> memref<64x128xf32, #tpu.memory_space<vmem>>
      %dma_wait3A_272 = arith.constant 0 : i32
      %dma_wait3A_273 = tpu.memref_slice %arg5[%dma_wait3A_266, %dma_wait3A_272] : memref<2x64xi32, #tpu.memory_space<vmem>> -> memref<1x64xi32, #tpu.memory_space<vmem>>
      %dma_wait3A_274 = tpu.memref_squeeze %dma_wait3A_273 : memref<1x64xi32, #tpu.memory_space<vmem>> -> memref<64xi32, #tpu.memory_space<vmem>>
      %dma_wait3A_275 = arith.constant 0 : i32
      %dma_wait3A_276 = arith.constant 0 : i32
      %dma_wait3A_277 = tpu.memref_slice %arg10[%dma_wait3A_275, %dma_wait3A_276] : memref<10000x128xf32, #tpu.memory_space<vmem_shared>> -> memref<10000x128xf32, #tpu.memory_space<vmem_shared>>
      tpu.wait_indirect_dma semaphore(%arg12 : memref<!tpu.dma_semaphore, #tpu.memory_space<semaphore_mem>>) src(%dma_wait3A_277 : memref<10000x128xf32, #tpu.memory_space<vmem_shared>>) dst(%dma_wait3A_271 : memref<64x128xf32, #tpu.memory_space<vmem>>)
      %dma_wait3A_278 = arith.constant 1 : i32
      %dma_wait3A_279 = arith.constant 1 : i32
      %dma_wait3A_280 = arith.constant 0 : i32
      %dma_wait3A_281 = arith.constant 0 : i32
      %dma_wait3A_282 = tpu.memref_slice %arg8[%dma_wait3A_279, %dma_wait3A_280, %dma_wait3A_281] : memref<2x64x128xf32, #tpu.memory_space<vmem>> -> memref<1x64x128xf32, #tpu.memory_space<vmem>>
      %dma_wait3A_283 = tpu.memref_squeeze %dma_wait3A_282 : memref<1x64x128xf32, #tpu.memory_space<vmem>> -> memref<64x128xf32, #tpu.memory_space<vmem>>
      %dma_wait3A_284 = arith.constant 0 : i32
      %dma_wait3A_285 = tpu.memref_slice %arg6[%dma_wait3A_278, %dma_wait3A_284] : memref<2x64xi32, #tpu.memory_space<vmem>> -> memref<1x64xi32, #tpu.memory_space<vmem>>
      %dma_wait3A_286 = tpu.memref_squeeze %dma_wait3A_285 : memref<1x64xi32, #tpu.memory_space<vmem>> -> memref<64xi32, #tpu.memory_space<vmem>>
      %dma_wait3A_287 = arith.constant 0 : i32
      %dma_wait3A_288 = arith.constant 0 : i32
      %dma_wait3A_289 = tpu.memref_slice %arg10[%dma_wait3A_287, %dma_wait3A_288] : memref<10000x128xf32, #tpu.memory_space<vmem_shared>> -> memref<10000x128xf32, #tpu.memory_space<vmem_shared>>
      tpu.wait_indirect_dma semaphore(%arg14 : memref<!tpu.dma_semaphore, #tpu.memory_space<semaphore_mem>>) src(%dma_wait3A_289 : memref<10000x128xf32, #tpu.memory_space<vmem_shared>>) dst(%dma_wait3A_283 : memref<64x128xf32, #tpu.memory_space<vmem>>)
      %add3A_290 = arith.constant 2 : i32
      %add3A_291 = arith.addi %add3A_259, %add3A_290 : i32
      %lt3A_292 = arith.cmpi slt, %add3A_291, %min3A_21 : i32
      %convert_element_type3A_293 = arith.extui %lt3A_292 : i1 to i32
      %cond3A_294 = arith.constant 0 : i32
      %cond3A_295 = arith.cmpi ne, %convert_element_type3A_293, %cond3A_294 : i32
      scf.if %cond3A_295 {
        %add3A_323 = arith.constant 2 : i32
        %add3A_324 = arith.addi %add3A_259, %add3A_323 : i32
        %mul3A_325 = arith.constant 64 : i32
        %mul3A_326 = arith.muli %add3A_324, %mul3A_325 : i32
        %add3A_327 = arith.addi %mul3A_2, %mul3A_326 : i32
        %dma_start3A_328 = arith.constant 0 : i32
        %dma_start3A_329 = arith.constant 1 : i32
        %dma_start3A_330 = arith.constant 0 : i32
        %dma_start3A_331 = tpu.memref_slice %arg5[%dma_start3A_329, %dma_start3A_330] : memref<2x64xi32, #tpu.memory_space<vmem>> -> memref<1x64xi32, #tpu.memory_space<vmem>>
        %dma_start3A_332 = tpu.memref_squeeze %dma_start3A_331 : memref<1x64xi32, #tpu.memory_space<vmem>> -> memref<64xi32, #tpu.memory_space<vmem>>
        %dma_start3A_333 = tpu.memref_slice %arg3[%dma_start3A_328, %add3A_327] : memref<2x320000xi32, #tpu.memory_space<hbm>> -> memref<1x64xi32, #tpu.memory_space<hbm>>
        %dma_start3A_334 = tpu.memref_squeeze %dma_start3A_333 : memref<1x64xi32, #tpu.memory_space<hbm>> -> memref<64xi32, #tpu.memory_space<hbm>>
        %dma_start3A_335 = arith.constant 0 : i32
        %dma_start3A_336 = tpu.memref_slice %arg5[%dma_start3A_329, %dma_start3A_335] : memref<2x64xi32, #tpu.memory_space<vmem>> -> memref<1x64xi32, #tpu.memory_space<vmem>>
        %dma_start3A_337 = tpu.memref_squeeze %dma_start3A_336 : memref<1x64xi32, #tpu.memory_space<vmem>> -> memref<64xi32, #tpu.memory_space<vmem>>
        %dma_start3A_338 = tpu.memref_slice %arg3[%dma_start3A_328, %add3A_327] : memref<2x320000xi32, #tpu.memory_space<hbm>> -> memref<1x64xi32, #tpu.memory_space<hbm>>
        %dma_start3A_339 = tpu.memref_squeeze %dma_start3A_338 : memref<1x64xi32, #tpu.memory_space<hbm>> -> memref<64xi32, #tpu.memory_space<hbm>>
        tpu.enqueue_dma source(%dma_start3A_339 : memref<64xi32, #tpu.memory_space<hbm>>) target(%dma_start3A_337 : memref<64xi32, #tpu.memory_space<vmem>>) target_semaphore(%arg16 : memref<!tpu.dma_semaphore, #tpu.memory_space<semaphore_mem>>)
        %dma_start3A_340 = arith.constant 1 : i32
        %dma_start3A_341 = arith.constant 1 : i32
        %dma_start3A_342 = arith.constant 0 : i32
        %dma_start3A_343 = tpu.memref_slice %arg6[%dma_start3A_341, %dma_start3A_342] : memref<2x64xi32, #tpu.memory_space<vmem>> -> memref<1x64xi32, #tpu.memory_space<vmem>>
        %dma_start3A_344 = tpu.memref_squeeze %dma_start3A_343 : memref<1x64xi32, #tpu.memory_space<vmem>> -> memref<64xi32, #tpu.memory_space<vmem>>
        %dma_start3A_345 = tpu.memref_slice %arg3[%dma_start3A_340, %add3A_327] : memref<2x320000xi32, #tpu.memory_space<hbm>> -> memref<1x64xi32, #tpu.memory_space<hbm>>
        %dma_start3A_346 = tpu.memref_squeeze %dma_start3A_345 : memref<1x64xi32, #tpu.memory_space<hbm>> -> memref<64xi32, #tpu.memory_space<hbm>>
        %dma_start3A_347 = arith.constant 0 : i32
        %dma_start3A_348 = tpu.memref_slice %arg6[%dma_start3A_341, %dma_start3A_347] : memref<2x64xi32, #tpu.memory_space<vmem>> -> memref<1x64xi32, #tpu.memory_space<vmem>>
        %dma_start3A_349 = tpu.memref_squeeze %dma_start3A_348 : memref<1x64xi32, #tpu.memory_space<vmem>> -> memref<64xi32, #tpu.memory_space<vmem>>
        %dma_start3A_350 = tpu.memref_slice %arg3[%dma_start3A_340, %add3A_327] : memref<2x320000xi32, #tpu.memory_space<hbm>> -> memref<1x64xi32, #tpu.memory_space<hbm>>
        %dma_start3A_351 = tpu.memref_squeeze %dma_start3A_350 : memref<1x64xi32, #tpu.memory_space<hbm>> -> memref<64xi32, #tpu.memory_space<hbm>>
        tpu.enqueue_dma source(%dma_start3A_351 : memref<64xi32, #tpu.memory_space<hbm>>) target(%dma_start3A_349 : memref<64xi32, #tpu.memory_space<vmem>>) target_semaphore(%arg18 : memref<!tpu.dma_semaphore, #tpu.memory_space<semaphore_mem>>)
      } else {
      }
      %ge3A_296 = arith.constant 2 : i32
      %ge3A_297 = arith.cmpi sge, %add3A_259, %ge3A_296 : i32
      %convert_element_type3A_298 = arith.extui %ge3A_297 : i1 to i32
      %cond3A_299 = arith.constant 0 : i32
      %cond3A_300 = arith.cmpi ne, %convert_element_type3A_298, %cond3A_299 : i32
      scf.if %cond3A_300 {
        %sub3A_323 = arith.constant 2 : i32
        %sub3A_324 = arith.subi %add3A_259, %sub3A_323 : i32
        %mul3A_325 = arith.constant 64 : i32
        %mul3A_326 = arith.muli %sub3A_324, %mul3A_325 : i32
        %add3A_327 = arith.addi %mul3A_2, %mul3A_326 : i32
        %dma_wait3A_328 = arith.constant 1 : i32
        %dma_wait3A_329 = arith.constant 0 : i32
        %dma_wait3A_330 = tpu.memref_slice %arg9[%dma_wait3A_328, %dma_wait3A_329] : memref<2x64xf32, #tpu.memory_space<vmem>> -> memref<1x64xf32, #tpu.memory_space<vmem>>
        %dma_wait3A_331 = tpu.memref_squeeze %dma_wait3A_330 : memref<1x64xf32, #tpu.memory_space<vmem>> -> memref<64xf32, #tpu.memory_space<vmem>>
        %dma_wait3A_332 = tpu.memref_slice %arg4[%add3A_327] : memref<320000xf32, #tpu.memory_space<hbm>> -> memref<64xf32, #tpu.memory_space<hbm>>
        %dma_wait3A_333 = tpu.memref_slice %arg4[%add3A_327] : memref<320000xf32, #tpu.memory_space<hbm>> -> memref<64xf32, #tpu.memory_space<hbm>>
        %dma_wait3A_334 = arith.constant 0 : i32
        %dma_wait3A_335 = tpu.memref_slice %arg9[%dma_wait3A_328, %dma_wait3A_334] : memref<2x64xf32, #tpu.memory_space<vmem>> -> memref<1x64xf32, #tpu.memory_space<vmem>>
        %dma_wait3A_336 = tpu.memref_squeeze %dma_wait3A_335 : memref<1x64xf32, #tpu.memory_space<vmem>> -> memref<64xf32, #tpu.memory_space<vmem>>
        tpu.wait_dma2 semaphore(%arg20 : memref<!tpu.dma_semaphore, #tpu.memory_space<semaphore_mem>>) src(%dma_wait3A_336 : memref<64xf32, #tpu.memory_space<vmem>>) dst(%dma_wait3A_333 : memref<64xf32, #tpu.memory_space<hbm>>)
      } else {
      }
      %scan3A_301 = arith.constant 1 : i32
      %scan3A_302 = arith.constant 1 : i32
      %scan3A_303 = arith.constant 0 : i32
      %scan3A_304 = arith.constant 0 : i32
      %scan3A_305 = arith.constant 4 : i32
      %scan3A_306 = arith.addi %scan3A_304, %scan3A_305 : i32
      %scan3A_307 = arith.constant 1 : i32
      %scan3A_308 = scf.for %scan3A_323 = %scan3A_304 to %scan3A_306 step %scan3A_307 iter_args(%scan3A_324 = %scan3A_303) -> (i32)  : i32 {
        %mul3A_325 = arith.constant 16 : i32
        %mul3A_326 = arith.muli %scan3A_323, %mul3A_325 : i32
        %add3A_327 = vector.broadcast %mul3A_326 : i32 to vector<16xi32>
        %add3A_328 = arith.addi %add3A_327, %iota3A : vector<16xi32>
        %broadcast_in_dim3A = arith.constant 0.000000e+00 : f32
        %broadcast_in_dim3A_329 = vector.broadcast %broadcast_in_dim3A : f32 to vector<16xf32>
        %scan3A_330 = arith.constant 0 : i32
        %scan3A_331 = arith.constant 8 : i32
        %scan3A_332 = arith.addi %scan3A_330, %scan3A_331 : i32
        %scan3A_333 = arith.constant 1 : i32
        %scan3A_334:4 = scf.for %scan3A_345 = %scan3A_330 to %scan3A_332 step %scan3A_333 iter_args(%scan3A_346 = %broadcast_in_dim3A_329, %scan3A_347 = %broadcast_in_dim3A_329, %scan3A_348 = %broadcast_in_dim3A_329, %scan3A_349 = %broadcast_in_dim3A_329) -> (vector<16xf32>, vector<16xf32>, vector<16xf32>, vector<16xf32>)  : i32 {
          %mul3A_350 = arith.constant 16 : i32
          %mul3A_351 = arith.muli %scan3A_345, %mul3A_350 : i32
          %add3A_352 = vector.broadcast %mul3A_351 : i32 to vector<16xi32>
          %add3A_353 = arith.addi %iota3A, %add3A_352 : vector<16xi32>
          %and3A_354 = arith.constant 127 : i32
          %and3A_355 = vector.broadcast %and3A_354 : i32 to vector<16xi32>
          %and3A_356 = arith.andi %add3A_353, %and3A_355 : vector<16xi32>
          %gather3A = arith.constant 0 : i32
          %gather3A_357 = arith.constant 0 : i32
          %gather3A_358 = tpu.memref_slice %arg7[%scan3A_301, %gather3A, %gather3A_357] : memref<2x64x128xf32, #tpu.memory_space<vmem>> -> memref<1x64x128xf32, #tpu.memory_space<vmem>>
          %gather3A_359 = tpu.memref_squeeze %gather3A_358 : memref<1x64x128xf32, #tpu.memory_space<vmem>> -> memref<64x128xf32, #tpu.memory_space<vmem>>
          %gather3A_360 = tpu.vector_load_idx %gather3A_359[%add3A_328, %and3A_356] : memref<64x128xf32, #tpu.memory_space<vmem>>[vector<16xi32>, vector<16xi32>], vector<16xf32>,
          %gather3A_361 = arith.constant 0 : i32
          %gather3A_362 = arith.constant 0 : i32
          %gather3A_363 = tpu.memref_slice %arg8[%scan3A_302, %gather3A_361, %gather3A_362] : memref<2x64x128xf32, #tpu.memory_space<vmem>> -> memref<1x64x128xf32, #tpu.memory_space<vmem>>
          %gather3A_364 = tpu.memref_squeeze %gather3A_363 : memref<1x64x128xf32, #tpu.memory_space<vmem>> -> memref<64x128xf32, #tpu.memory_space<vmem>>
          %gather3A_365 = tpu.vector_load_idx %gather3A_364[%add3A_328, %and3A_356] : memref<64x128xf32, #tpu.memory_space<vmem>>[vector<16xi32>, vector<16xi32>], vector<16xf32>,
          %mul3A_366 = arith.mulf %gather3A_360, %gather3A_365 : vector<16xf32>
          %add3A_367 = arith.addf %scan3A_346, %mul3A_366 : vector<16xf32>
          %add3A_368 = arith.constant 1 : i32
          %add3A_369 = vector.broadcast %add3A_368 : i32 to vector<16xi32>
          %add3A_370 = arith.addi %and3A_356, %add3A_369 : vector<16xi32>
          %and3A_371 = arith.constant 127 : i32
          %and3A_372 = vector.broadcast %and3A_371 : i32 to vector<16xi32>
          %and3A_373 = arith.andi %add3A_370, %and3A_372 : vector<16xi32>
          %gather3A_374 = arith.constant 0 : i32
          %gather3A_375 = arith.constant 0 : i32
          %gather3A_376 = tpu.memref_slice %arg7[%scan3A_301, %gather3A_374, %gather3A_375] : memref<2x64x128xf32, #tpu.memory_space<vmem>> -> memref<1x64x128xf32, #tpu.memory_space<vmem>>
          %gather3A_377 = tpu.memref_squeeze %gather3A_376 : memref<1x64x128xf32, #tpu.memory_space<vmem>> -> memref<64x128xf32, #tpu.memory_space<vmem>>
          %gather3A_378 = tpu.vector_load_idx %gather3A_377[%add3A_328, %and3A_373] : memref<64x128xf32, #tpu.memory_space<vmem>>[vector<16xi32>, vector<16xi32>], vector<16xf32>,
          %gather3A_379 = arith.constant 0 : i32
          %gather3A_380 = arith.constant 0 : i32
          %gather3A_381 = tpu.memref_slice %arg8[%scan3A_302, %gather3A_379, %gather3A_380] : memref<2x64x128xf32, #tpu.memory_space<vmem>> -> memref<1x64x128xf32, #tpu.memory_space<vmem>>
          %gather3A_382 = tpu.memref_squeeze %gather3A_381 : memref<1x64x128xf32, #tpu.memory_space<vmem>> -> memref<64x128xf32, #tpu.memory_space<vmem>>
          %gather3A_383 = tpu.vector_load_idx %gather3A_382[%add3A_328, %and3A_373] : memref<64x128xf32, #tpu.memory_space<vmem>>[vector<16xi32>, vector<16xi32>], vector<16xf32>,
          %mul3A_384 = arith.mulf %gather3A_378, %gather3A_383 : vector<16xf32>
          %add3A_385 = arith.addf %scan3A_347, %mul3A_384 : vector<16xf32>
          %add3A_386 = arith.constant 1 : i32
          %add3A_387 = vector.broadcast %add3A_386 : i32 to vector<16xi32>
          %add3A_388 = arith.addi %and3A_373, %add3A_387 : vector<16xi32>
          %and3A_389 = arith.constant 127 : i32
          %and3A_390 = vector.broadcast %and3A_389 : i32 to vector<16xi32>
          %and3A_391 = arith.andi %add3A_388, %and3A_390 : vector<16xi32>
          %gather3A_392 = arith.constant 0 : i32
          %gather3A_393 = arith.constant 0 : i32
          %gather3A_394 = tpu.memref_slice %arg7[%scan3A_301, %gather3A_392, %gather3A_393] : memref<2x64x128xf32, #tpu.memory_space<vmem>> -> memref<1x64x128xf32, #tpu.memory_space<vmem>>
          %gather3A_395 = tpu.memref_squeeze %gather3A_394 : memref<1x64x128xf32, #tpu.memory_space<vmem>> -> memref<64x128xf32, #tpu.memory_space<vmem>>
          %gather3A_396 = tpu.vector_load_idx %gather3A_395[%add3A_328, %and3A_391] : memref<64x128xf32, #tpu.memory_space<vmem>>[vector<16xi32>, vector<16xi32>], vector<16xf32>,
          %gather3A_397 = arith.constant 0 : i32
          %gather3A_398 = arith.constant 0 : i32
          %gather3A_399 = tpu.memref_slice %arg8[%scan3A_302, %gather3A_397, %gather3A_398] : memref<2x64x128xf32, #tpu.memory_space<vmem>> -> memref<1x64x128xf32, #tpu.memory_space<vmem>>
          %gather3A_400 = tpu.memref_squeeze %gather3A_399 : memref<1x64x128xf32, #tpu.memory_space<vmem>> -> memref<64x128xf32, #tpu.memory_space<vmem>>
          %gather3A_401 = tpu.vector_load_idx %gather3A_400[%add3A_328, %and3A_391] : memref<64x128xf32, #tpu.memory_space<vmem>>[vector<16xi32>, vector<16xi32>], vector<16xf32>,
          %mul3A_402 = arith.mulf %gather3A_396, %gather3A_401 : vector<16xf32>
          %add3A_403 = arith.addf %scan3A_348, %mul3A_402 : vector<16xf32>
          %add3A_404 = arith.constant 1 : i32
          %add3A_405 = vector.broadcast %add3A_404 : i32 to vector<16xi32>
          %add3A_406 = arith.addi %and3A_391, %add3A_405 : vector<16xi32>
          %and3A_407 = arith.constant 127 : i32
          %and3A_408 = vector.broadcast %and3A_407 : i32 to vector<16xi32>
          %and3A_409 = arith.andi %add3A_406, %and3A_408 : vector<16xi32>
          %gather3A_410 = arith.constant 0 : i32
          %gather3A_411 = arith.constant 0 : i32
          %gather3A_412 = tpu.memref_slice %arg7[%scan3A_301, %gather3A_410, %gather3A_411] : memref<2x64x128xf32, #tpu.memory_space<vmem>> -> memref<1x64x128xf32, #tpu.memory_space<vmem>>
          %gather3A_413 = tpu.memref_squeeze %gather3A_412 : memref<1x64x128xf32, #tpu.memory_space<vmem>> -> memref<64x128xf32, #tpu.memory_space<vmem>>
          %gather3A_414 = tpu.vector_load_idx %gather3A_413[%add3A_328, %and3A_409] : memref<64x128xf32, #tpu.memory_space<vmem>>[vector<16xi32>, vector<16xi32>], vector<16xf32>,
          %gather3A_415 = arith.constant 0 : i32
          %gather3A_416 = arith.constant 0 : i32
          %gather3A_417 = tpu.memref_slice %arg8[%scan3A_302, %gather3A_415, %gather3A_416] : memref<2x64x128xf32, #tpu.memory_space<vmem>> -> memref<1x64x128xf32, #tpu.memory_space<vmem>>
          %gather3A_418 = tpu.memref_squeeze %gather3A_417 : memref<1x64x128xf32, #tpu.memory_space<vmem>> -> memref<64x128xf32, #tpu.memory_space<vmem>>
          %gather3A_419 = tpu.vector_load_idx %gather3A_418[%add3A_328, %and3A_409] : memref<64x128xf32, #tpu.memory_space<vmem>>[vector<16xi32>, vector<16xi32>], vector<16xf32>,
          %mul3A_420 = arith.mulf %gather3A_414, %gather3A_419 : vector<16xf32>
          %add3A_421 = arith.addf %scan3A_349, %mul3A_420 : vector<16xf32>
          %add3A_422 = arith.constant 1 : i32
          %add3A_423 = vector.broadcast %add3A_422 : i32 to vector<16xi32>
          %add3A_424 = arith.addi %and3A_409, %add3A_423 : vector<16xi32>
          %and3A_425 = arith.constant 127 : i32
          %and3A_426 = vector.broadcast %and3A_425 : i32 to vector<16xi32>
          %and3A_427 = arith.andi %add3A_424, %and3A_426 : vector<16xi32>
          %gather3A_428 = arith.constant 0 : i32
          %gather3A_429 = arith.constant 0 : i32
          %gather3A_430 = tpu.memref_slice %arg7[%scan3A_301, %gather3A_428, %gather3A_429] : memref<2x64x128xf32, #tpu.memory_space<vmem>> -> memref<1x64x128xf32, #tpu.memory_space<vmem>>
          %gather3A_431 = tpu.memref_squeeze %gather3A_430 : memref<1x64x128xf32, #tpu.memory_space<vmem>> -> memref<64x128xf32, #tpu.memory_space<vmem>>
          %gather3A_432 = tpu.vector_load_idx %gather3A_431[%add3A_328, %and3A_427] : memref<64x128xf32, #tpu.memory_space<vmem>>[vector<16xi32>, vector<16xi32>], vector<16xf32>,
          %gather3A_433 = arith.constant 0 : i32
          %gather3A_434 = arith.constant 0 : i32
          %gather3A_435 = tpu.memref_slice %arg8[%scan3A_302, %gather3A_433, %gather3A_434] : memref<2x64x128xf32, #tpu.memory_space<vmem>> -> memref<1x64x128xf32, #tpu.memory_space<vmem>>
          %gather3A_436 = tpu.memref_squeeze %gather3A_435 : memref<1x64x128xf32, #tpu.memory_space<vmem>> -> memref<64x128xf32, #tpu.memory_space<vmem>>
          %gather3A_437 = tpu.vector_load_idx %gather3A_436[%add3A_328, %and3A_427] : memref<64x128xf32, #tpu.memory_space<vmem>>[vector<16xi32>, vector<16xi32>], vector<16xf32>,
          %mul3A_438 = arith.mulf %gather3A_432, %gather3A_437 : vector<16xf32>
          %add3A_439 = arith.addf %add3A_367, %mul3A_438 : vector<16xf32>
          %add3A_440 = arith.constant 1 : i32
          %add3A_441 = vector.broadcast %add3A_440 : i32 to vector<16xi32>
          %add3A_442 = arith.addi %and3A_427, %add3A_441 : vector<16xi32>
          %and3A_443 = arith.constant 127 : i32
          %and3A_444 = vector.broadcast %and3A_443 : i32 to vector<16xi32>
          %and3A_445 = arith.andi %add3A_442, %and3A_444 : vector<16xi32>
          %gather3A_446 = arith.constant 0 : i32
          %gather3A_447 = arith.constant 0 : i32
          %gather3A_448 = tpu.memref_slice %arg7[%scan3A_301, %gather3A_446, %gather3A_447] : memref<2x64x128xf32, #tpu.memory_space<vmem>> -> memref<1x64x128xf32, #tpu.memory_space<vmem>>
          %gather3A_449 = tpu.memref_squeeze %gather3A_448 : memref<1x64x128xf32, #tpu.memory_space<vmem>> -> memref<64x128xf32, #tpu.memory_space<vmem>>
          %gather3A_450 = tpu.vector_load_idx %gather3A_449[%add3A_328, %and3A_445] : memref<64x128xf32, #tpu.memory_space<vmem>>[vector<16xi32>, vector<16xi32>], vector<16xf32>,
          %gather3A_451 = arith.constant 0 : i32
          %gather3A_452 = arith.constant 0 : i32
          %gather3A_453 = tpu.memref_slice %arg8[%scan3A_302, %gather3A_451, %gather3A_452] : memref<2x64x128xf32, #tpu.memory_space<vmem>> -> memref<1x64x128xf32, #tpu.memory_space<vmem>>
          %gather3A_454 = tpu.memref_squeeze %gather3A_453 : memref<1x64x128xf32, #tpu.memory_space<vmem>> -> memref<64x128xf32, #tpu.memory_space<vmem>>
          %gather3A_455 = tpu.vector_load_idx %gather3A_454[%add3A_328, %and3A_445] : memref<64x128xf32, #tpu.memory_space<vmem>>[vector<16xi32>, vector<16xi32>], vector<16xf32>,
          %mul3A_456 = arith.mulf %gather3A_450, %gather3A_455 : vector<16xf32>
          %add3A_457 = arith.addf %add3A_385, %mul3A_456 : vector<16xf32>
          %add3A_458 = arith.constant 1 : i32
          %add3A_459 = vector.broadcast %add3A_458 : i32 to vector<16xi32>
          %add3A_460 = arith.addi %and3A_445, %add3A_459 : vector<16xi32>
          %and3A_461 = arith.constant 127 : i32
          %and3A_462 = vector.broadcast %and3A_461 : i32 to vector<16xi32>
          %and3A_463 = arith.andi %add3A_460, %and3A_462 : vector<16xi32>
          %gather3A_464 = arith.constant 0 : i32
          %gather3A_465 = arith.constant 0 : i32
          %gather3A_466 = tpu.memref_slice %arg7[%scan3A_301, %gather3A_464, %gather3A_465] : memref<2x64x128xf32, #tpu.memory_space<vmem>> -> memref<1x64x128xf32, #tpu.memory_space<vmem>>
          %gather3A_467 = tpu.memref_squeeze %gather3A_466 : memref<1x64x128xf32, #tpu.memory_space<vmem>> -> memref<64x128xf32, #tpu.memory_space<vmem>>
          %gather3A_468 = tpu.vector_load_idx %gather3A_467[%add3A_328, %and3A_463] : memref<64x128xf32, #tpu.memory_space<vmem>>[vector<16xi32>, vector<16xi32>], vector<16xf32>,
          %gather3A_469 = arith.constant 0 : i32
          %gather3A_470 = arith.constant 0 : i32
          %gather3A_471 = tpu.memref_slice %arg8[%scan3A_302, %gather3A_469, %gather3A_470] : memref<2x64x128xf32, #tpu.memory_space<vmem>> -> memref<1x64x128xf32, #tpu.memory_space<vmem>>
          %gather3A_472 = tpu.memref_squeeze %gather3A_471 : memref<1x64x128xf32, #tpu.memory_space<vmem>> -> memref<64x128xf32, #tpu.memory_space<vmem>>
          %gather3A_473 = tpu.vector_load_idx %gather3A_472[%add3A_328, %and3A_463] : memref<64x128xf32, #tpu.memory_space<vmem>>[vector<16xi32>, vector<16xi32>], vector<16xf32>,
          %mul3A_474 = arith.mulf %gather3A_468, %gather3A_473 : vector<16xf32>
          %add3A_475 = arith.addf %add3A_403, %mul3A_474 : vector<16xf32>
          %add3A_476 = arith.constant 1 : i32
          %add3A_477 = vector.broadcast %add3A_476 : i32 to vector<16xi32>
          %add3A_478 = arith.addi %and3A_463, %add3A_477 : vector<16xi32>
          %and3A_479 = arith.constant 127 : i32
          %and3A_480 = vector.broadcast %and3A_479 : i32 to vector<16xi32>
          %and3A_481 = arith.andi %add3A_478, %and3A_480 : vector<16xi32>
          %gather3A_482 = arith.constant 0 : i32
          %gather3A_483 = arith.constant 0 : i32
          %gather3A_484 = tpu.memref_slice %arg7[%scan3A_301, %gather3A_482, %gather3A_483] : memref<2x64x128xf32, #tpu.memory_space<vmem>> -> memref<1x64x128xf32, #tpu.memory_space<vmem>>
          %gather3A_485 = tpu.memref_squeeze %gather3A_484 : memref<1x64x128xf32, #tpu.memory_space<vmem>> -> memref<64x128xf32, #tpu.memory_space<vmem>>
          %gather3A_486 = tpu.vector_load_idx %gather3A_485[%add3A_328, %and3A_481] : memref<64x128xf32, #tpu.memory_space<vmem>>[vector<16xi32>, vector<16xi32>], vector<16xf32>,
          %gather3A_487 = arith.constant 0 : i32
          %gather3A_488 = arith.constant 0 : i32
          %gather3A_489 = tpu.memref_slice %arg8[%scan3A_302, %gather3A_487, %gather3A_488] : memref<2x64x128xf32, #tpu.memory_space<vmem>> -> memref<1x64x128xf32, #tpu.memory_space<vmem>>
          %gather3A_490 = tpu.memref_squeeze %gather3A_489 : memref<1x64x128xf32, #tpu.memory_space<vmem>> -> memref<64x128xf32, #tpu.memory_space<vmem>>
          %gather3A_491 = tpu.vector_load_idx %gather3A_490[%add3A_328, %and3A_481] : memref<64x128xf32, #tpu.memory_space<vmem>>[vector<16xi32>, vector<16xi32>], vector<16xf32>,
          %mul3A_492 = arith.mulf %gather3A_486, %gather3A_491 : vector<16xf32>
          %add3A_493 = arith.addf %add3A_421, %mul3A_492 : vector<16xf32>
          %add3A_494 = arith.constant 1 : i32
          %add3A_495 = vector.broadcast %add3A_494 : i32 to vector<16xi32>
          %add3A_496 = arith.addi %and3A_481, %add3A_495 : vector<16xi32>
          %and3A_497 = arith.constant 127 : i32
          %and3A_498 = vector.broadcast %and3A_497 : i32 to vector<16xi32>
          %and3A_499 = arith.andi %add3A_496, %and3A_498 : vector<16xi32>
          %gather3A_500 = arith.constant 0 : i32
          %gather3A_501 = arith.constant 0 : i32
          %gather3A_502 = tpu.memref_slice %arg7[%scan3A_301, %gather3A_500, %gather3A_501] : memref<2x64x128xf32, #tpu.memory_space<vmem>> -> memref<1x64x128xf32, #tpu.memory_space<vmem>>
          %gather3A_503 = tpu.memref_squeeze %gather3A_502 : memref<1x64x128xf32, #tpu.memory_space<vmem>> -> memref<64x128xf32, #tpu.memory_space<vmem>>
          %gather3A_504 = tpu.vector_load_idx %gather3A_503[%add3A_328, %and3A_499] : memref<64x128xf32, #tpu.memory_space<vmem>>[vector<16xi32>, vector<16xi32>], vector<16xf32>,
          %gather3A_505 = arith.constant 0 : i32
          %gather3A_506 = arith.constant 0 : i32
          %gather3A_507 = tpu.memref_slice %arg8[%scan3A_302, %gather3A_505, %gather3A_506] : memref<2x64x128xf32, #tpu.memory_space<vmem>> -> memref<1x64x128xf32, #tpu.memory_space<vmem>>
          %gather3A_508 = tpu.memref_squeeze %gather3A_507 : memref<1x64x128xf32, #tpu.memory_space<vmem>> -> memref<64x128xf32, #tpu.memory_space<vmem>>
          %gather3A_509 = tpu.vector_load_idx %gather3A_508[%add3A_328, %and3A_499] : memref<64x128xf32, #tpu.memory_space<vmem>>[vector<16xi32>, vector<16xi32>], vector<16xf32>,
          %mul3A_510 = arith.mulf %gather3A_504, %gather3A_509 : vector<16xf32>
          %add3A_511 = arith.addf %add3A_439, %mul3A_510 : vector<16xf32>
          %add3A_512 = arith.constant 1 : i32
          %add3A_513 = vector.broadcast %add3A_512 : i32 to vector<16xi32>
          %add3A_514 = arith.addi %and3A_499, %add3A_513 : vector<16xi32>
          %and3A_515 = arith.constant 127 : i32
          %and3A_516 = vector.broadcast %and3A_515 : i32 to vector<16xi32>
          %and3A_517 = arith.andi %add3A_514, %and3A_516 : vector<16xi32>
          %gather3A_518 = arith.constant 0 : i32
          %gather3A_519 = arith.constant 0 : i32
          %gather3A_520 = tpu.memref_slice %arg7[%scan3A_301, %gather3A_518, %gather3A_519] : memref<2x64x128xf32, #tpu.memory_space<vmem>> -> memref<1x64x128xf32, #tpu.memory_space<vmem>>
          %gather3A_521 = tpu.memref_squeeze %gather3A_520 : memref<1x64x128xf32, #tpu.memory_space<vmem>> -> memref<64x128xf32, #tpu.memory_space<vmem>>
          %gather3A_522 = tpu.vector_load_idx %gather3A_521[%add3A_328, %and3A_517] : memref<64x128xf32, #tpu.memory_space<vmem>>[vector<16xi32>, vector<16xi32>], vector<16xf32>,
          %gather3A_523 = arith.constant 0 : i32
          %gather3A_524 = arith.constant 0 : i32
          %gather3A_525 = tpu.memref_slice %arg8[%scan3A_302, %gather3A_523, %gather3A_524] : memref<2x64x128xf32, #tpu.memory_space<vmem>> -> memref<1x64x128xf32, #tpu.memory_space<vmem>>
          %gather3A_526 = tpu.memref_squeeze %gather3A_525 : memref<1x64x128xf32, #tpu.memory_space<vmem>> -> memref<64x128xf32, #tpu.memory_space<vmem>>
          %gather3A_527 = tpu.vector_load_idx %gather3A_526[%add3A_328, %and3A_517] : memref<64x128xf32, #tpu.memory_space<vmem>>[vector<16xi32>, vector<16xi32>], vector<16xf32>,
          %mul3A_528 = arith.mulf %gather3A_522, %gather3A_527 : vector<16xf32>
          %add3A_529 = arith.addf %add3A_457, %mul3A_528 : vector<16xf32>
          %add3A_530 = arith.constant 1 : i32
          %add3A_531 = vector.broadcast %add3A_530 : i32 to vector<16xi32>
          %add3A_532 = arith.addi %and3A_517, %add3A_531 : vector<16xi32>
          %and3A_533 = arith.constant 127 : i32
          %and3A_534 = vector.broadcast %and3A_533 : i32 to vector<16xi32>
          %and3A_535 = arith.andi %add3A_532, %and3A_534 : vector<16xi32>
          %gather3A_536 = arith.constant 0 : i32
          %gather3A_537 = arith.constant 0 : i32
          %gather3A_538 = tpu.memref_slice %arg7[%scan3A_301, %gather3A_536, %gather3A_537] : memref<2x64x128xf32, #tpu.memory_space<vmem>> -> memref<1x64x128xf32, #tpu.memory_space<vmem>>
          %gather3A_539 = tpu.memref_squeeze %gather3A_538 : memref<1x64x128xf32, #tpu.memory_space<vmem>> -> memref<64x128xf32, #tpu.memory_space<vmem>>
          %gather3A_540 = tpu.vector_load_idx %gather3A_539[%add3A_328, %and3A_535] : memref<64x128xf32, #tpu.memory_space<vmem>>[vector<16xi32>, vector<16xi32>], vector<16xf32>,
          %gather3A_541 = arith.constant 0 : i32
          %gather3A_542 = arith.constant 0 : i32
          %gather3A_543 = tpu.memref_slice %arg8[%scan3A_302, %gather3A_541, %gather3A_542] : memref<2x64x128xf32, #tpu.memory_space<vmem>> -> memref<1x64x128xf32, #tpu.memory_space<vmem>>
          %gather3A_544 = tpu.memref_squeeze %gather3A_543 : memref<1x64x128xf32, #tpu.memory_space<vmem>> -> memref<64x128xf32, #tpu.memory_space<vmem>>
          %gather3A_545 = tpu.vector_load_idx %gather3A_544[%add3A_328, %and3A_535] : memref<64x128xf32, #tpu.memory_space<vmem>>[vector<16xi32>, vector<16xi32>], vector<16xf32>,
          %mul3A_546 = arith.mulf %gather3A_540, %gather3A_545 : vector<16xf32>
          %add3A_547 = arith.addf %add3A_475, %mul3A_546 : vector<16xf32>
          %add3A_548 = arith.constant 1 : i32
          %add3A_549 = vector.broadcast %add3A_548 : i32 to vector<16xi32>
          %add3A_550 = arith.addi %and3A_535, %add3A_549 : vector<16xi32>
          %and3A_551 = arith.constant 127 : i32
          %and3A_552 = vector.broadcast %and3A_551 : i32 to vector<16xi32>
          %and3A_553 = arith.andi %add3A_550, %and3A_552 : vector<16xi32>
          %gather3A_554 = arith.constant 0 : i32
          %gather3A_555 = arith.constant 0 : i32
          %gather3A_556 = tpu.memref_slice %arg7[%scan3A_301, %gather3A_554, %gather3A_555] : memref<2x64x128xf32, #tpu.memory_space<vmem>> -> memref<1x64x128xf32, #tpu.memory_space<vmem>>
          %gather3A_557 = tpu.memref_squeeze %gather3A_556 : memref<1x64x128xf32, #tpu.memory_space<vmem>> -> memref<64x128xf32, #tpu.memory_space<vmem>>
          %gather3A_558 = tpu.vector_load_idx %gather3A_557[%add3A_328, %and3A_553] : memref<64x128xf32, #tpu.memory_space<vmem>>[vector<16xi32>, vector<16xi32>], vector<16xf32>,
          %gather3A_559 = arith.constant 0 : i32
          %gather3A_560 = arith.constant 0 : i32
          %gather3A_561 = tpu.memref_slice %arg8[%scan3A_302, %gather3A_559, %gather3A_560] : memref<2x64x128xf32, #tpu.memory_space<vmem>> -> memref<1x64x128xf32, #tpu.memory_space<vmem>>
          %gather3A_562 = tpu.memref_squeeze %gather3A_561 : memref<1x64x128xf32, #tpu.memory_space<vmem>> -> memref<64x128xf32, #tpu.memory_space<vmem>>
          %gather3A_563 = tpu.vector_load_idx %gather3A_562[%add3A_328, %and3A_553] : memref<64x128xf32, #tpu.memory_space<vmem>>[vector<16xi32>, vector<16xi32>], vector<16xf32>,
          %mul3A_564 = arith.mulf %gather3A_558, %gather3A_563 : vector<16xf32>
          %add3A_565 = arith.addf %add3A_493, %mul3A_564 : vector<16xf32>
          %add3A_566 = arith.constant 1 : i32
          %add3A_567 = vector.broadcast %add3A_566 : i32 to vector<16xi32>
          %add3A_568 = arith.addi %and3A_553, %add3A_567 : vector<16xi32>
          %and3A_569 = arith.constant 127 : i32
          %and3A_570 = vector.broadcast %and3A_569 : i32 to vector<16xi32>
          %and3A_571 = arith.andi %add3A_568, %and3A_570 : vector<16xi32>
          %gather3A_572 = arith.constant 0 : i32
          %gather3A_573 = arith.constant 0 : i32
          %gather3A_574 = tpu.memref_slice %arg7[%scan3A_301, %gather3A_572, %gather3A_573] : memref<2x64x128xf32, #tpu.memory_space<vmem>> -> memref<1x64x128xf32, #tpu.memory_space<vmem>>
          %gather3A_575 = tpu.memref_squeeze %gather3A_574 : memref<1x64x128xf32, #tpu.memory_space<vmem>> -> memref<64x128xf32, #tpu.memory_space<vmem>>
          %gather3A_576 = tpu.vector_load_idx %gather3A_575[%add3A_328, %and3A_571] : memref<64x128xf32, #tpu.memory_space<vmem>>[vector<16xi32>, vector<16xi32>], vector<16xf32>,
          %gather3A_577 = arith.constant 0 : i32
          %gather3A_578 = arith.constant 0 : i32
          %gather3A_579 = tpu.memref_slice %arg8[%scan3A_302, %gather3A_577, %gather3A_578] : memref<2x64x128xf32, #tpu.memory_space<vmem>> -> memref<1x64x128xf32, #tpu.memory_space<vmem>>
          %gather3A_580 = tpu.memref_squeeze %gather3A_579 : memref<1x64x128xf32, #tpu.memory_space<vmem>> -> memref<64x128xf32, #tpu.memory_space<vmem>>
          %gather3A_581 = tpu.vector_load_idx %gather3A_580[%add3A_328, %and3A_571] : memref<64x128xf32, #tpu.memory_space<vmem>>[vector<16xi32>, vector<16xi32>], vector<16xf32>,
          %mul3A_582 = arith.mulf %gather3A_576, %gather3A_581 : vector<16xf32>
          %add3A_583 = arith.addf %add3A_511, %mul3A_582 : vector<16xf32>
          %add3A_584 = arith.constant 1 : i32
          %add3A_585 = vector.broadcast %add3A_584 : i32 to vector<16xi32>
          %add3A_586 = arith.addi %and3A_571, %add3A_585 : vector<16xi32>
          %and3A_587 = arith.constant 127 : i32
          %and3A_588 = vector.broadcast %and3A_587 : i32 to vector<16xi32>
          %and3A_589 = arith.andi %add3A_586, %and3A_588 : vector<16xi32>
          %gather3A_590 = arith.constant 0 : i32
          %gather3A_591 = arith.constant 0 : i32
          %gather3A_592 = tpu.memref_slice %arg7[%scan3A_301, %gather3A_590, %gather3A_591] : memref<2x64x128xf32, #tpu.memory_space<vmem>> -> memref<1x64x128xf32, #tpu.memory_space<vmem>>
          %gather3A_593 = tpu.memref_squeeze %gather3A_592 : memref<1x64x128xf32, #tpu.memory_space<vmem>> -> memref<64x128xf32, #tpu.memory_space<vmem>>
          %gather3A_594 = tpu.vector_load_idx %gather3A_593[%add3A_328, %and3A_589] : memref<64x128xf32, #tpu.memory_space<vmem>>[vector<16xi32>, vector<16xi32>], vector<16xf32>,
          %gather3A_595 = arith.constant 0 : i32
          %gather3A_596 = arith.constant 0 : i32
          %gather3A_597 = tpu.memref_slice %arg8[%scan3A_302, %gather3A_595, %gather3A_596] : memref<2x64x128xf32, #tpu.memory_space<vmem>> -> memref<1x64x128xf32, #tpu.memory_space<vmem>>
          %gather3A_598 = tpu.memref_squeeze %gather3A_597 : memref<1x64x128xf32, #tpu.memory_space<vmem>> -> memref<64x128xf32, #tpu.memory_space<vmem>>
          %gather3A_599 = tpu.vector_load_idx %gather3A_598[%add3A_328, %and3A_589] : memref<64x128xf32, #tpu.memory_space<vmem>>[vector<16xi32>, vector<16xi32>], vector<16xf32>,
          %mul3A_600 = arith.mulf %gather3A_594, %gather3A_599 : vector<16xf32>
          %add3A_601 = arith.addf %add3A_529, %mul3A_600 : vector<16xf32>
          %add3A_602 = arith.constant 1 : i32
          %add3A_603 = vector.broadcast %add3A_602 : i32 to vector<16xi32>
          %add3A_604 = arith.addi %and3A_589, %add3A_603 : vector<16xi32>
          %and3A_605 = arith.constant 127 : i32
          %and3A_606 = vector.broadcast %and3A_605 : i32 to vector<16xi32>
          %and3A_607 = arith.andi %add3A_604, %and3A_606 : vector<16xi32>
          %gather3A_608 = arith.constant 0 : i32
          %gather3A_609 = arith.constant 0 : i32
          %gather3A_610 = tpu.memref_slice %arg7[%scan3A_301, %gather3A_608, %gather3A_609] : memref<2x64x128xf32, #tpu.memory_space<vmem>> -> memref<1x64x128xf32, #tpu.memory_space<vmem>>
          %gather3A_611 = tpu.memref_squeeze %gather3A_610 : memref<1x64x128xf32, #tpu.memory_space<vmem>> -> memref<64x128xf32, #tpu.memory_space<vmem>>
          %gather3A_612 = tpu.vector_load_idx %gather3A_611[%add3A_328, %and3A_607] : memref<64x128xf32, #tpu.memory_space<vmem>>[vector<16xi32>, vector<16xi32>], vector<16xf32>,
          %gather3A_613 = arith.constant 0 : i32
          %gather3A_614 = arith.constant 0 : i32
          %gather3A_615 = tpu.memref_slice %arg8[%scan3A_302, %gather3A_613, %gather3A_614] : memref<2x64x128xf32, #tpu.memory_space<vmem>> -> memref<1x64x128xf32, #tpu.memory_space<vmem>>
          %gather3A_616 = tpu.memref_squeeze %gather3A_615 : memref<1x64x128xf32, #tpu.memory_space<vmem>> -> memref<64x128xf32, #tpu.memory_space<vmem>>
          %gather3A_617 = tpu.vector_load_idx %gather3A_616[%add3A_328, %and3A_607] : memref<64x128xf32, #tpu.memory_space<vmem>>[vector<16xi32>, vector<16xi32>], vector<16xf32>,
          %mul3A_618 = arith.mulf %gather3A_612, %gather3A_617 : vector<16xf32>
          %add3A_619 = arith.addf %add3A_547, %mul3A_618 : vector<16xf32>
          %add3A_620 = arith.constant 1 : i32
          %add3A_621 = vector.broadcast %add3A_620 : i32 to vector<16xi32>
          %add3A_622 = arith.addi %and3A_607, %add3A_621 : vector<16xi32>
          %and3A_623 = arith.constant 127 : i32
          %and3A_624 = vector.broadcast %and3A_623 : i32 to vector<16xi32>
          %and3A_625 = arith.andi %add3A_622, %and3A_624 : vector<16xi32>
          %gather3A_626 = arith.constant 0 : i32
          %gather3A_627 = arith.constant 0 : i32
          %gather3A_628 = tpu.memref_slice %arg7[%scan3A_301, %gather3A_626, %gather3A_627] : memref<2x64x128xf32, #tpu.memory_space<vmem>> -> memref<1x64x128xf32, #tpu.memory_space<vmem>>
          %gather3A_629 = tpu.memref_squeeze %gather3A_628 : memref<1x64x128xf32, #tpu.memory_space<vmem>> -> memref<64x128xf32, #tpu.memory_space<vmem>>
          %gather3A_630 = tpu.vector_load_idx %gather3A_629[%add3A_328, %and3A_625] : memref<64x128xf32, #tpu.memory_space<vmem>>[vector<16xi32>, vector<16xi32>], vector<16xf32>,
          %gather3A_631 = arith.constant 0 : i32
          %gather3A_632 = arith.constant 0 : i32
          %gather3A_633 = tpu.memref_slice %arg8[%scan3A_302, %gather3A_631, %gather3A_632] : memref<2x64x128xf32, #tpu.memory_space<vmem>> -> memref<1x64x128xf32, #tpu.memory_space<vmem>>
          %gather3A_634 = tpu.memref_squeeze %gather3A_633 : memref<1x64x128xf32, #tpu.memory_space<vmem>> -> memref<64x128xf32, #tpu.memory_space<vmem>>
          %gather3A_635 = tpu.vector_load_idx %gather3A_634[%add3A_328, %and3A_625] : memref<64x128xf32, #tpu.memory_space<vmem>>[vector<16xi32>, vector<16xi32>], vector<16xf32>,
          %mul3A_636 = arith.mulf %gather3A_630, %gather3A_635 : vector<16xf32>
          %add3A_637 = arith.addf %add3A_565, %mul3A_636 : vector<16xf32>
          scf.yield %add3A_583, %add3A_601, %add3A_619, %add3A_637 : vector<16xf32>, vector<16xf32>, vector<16xf32>, vector<16xf32>
        }
        %scan3A_335 = arith.constant 8 : i32
        %add3A_336 = arith.addf %scan3A_334#0, %scan3A_334#1 : vector<16xf32>
        %add3A_337 = arith.addf %scan3A_334#2, %scan3A_334#3 : vector<16xf32>
        %add3A_338 = arith.addf %add3A_336, %add3A_337 : vector<16xf32>
        %mul3A_339 = arith.constant 16 : i32
        %mul3A_340 = arith.muli %scan3A_323, %mul3A_339 : i32
        %swap3A = arith.constant 1 : i32
        %swap3A_341 = arith.index_cast %swap3A : i32 to index
        %swap3A_342 = arith.index_cast %mul3A_340 : i32 to index
        %swap3A_343 = tpu.vector_load %arg9[%swap3A_341, %swap3A_342] {strides = array<i32>} : memref<2x64xf32, #tpu.memory_space<vmem>>, vector<16xf32>,
        tpu.vector_store %arg9[%swap3A_341, %swap3A_342], %add3A_338 {strides = array<i32>} : memref<2x64xf32, #tpu.memory_space<vmem>>, vector<16xf32>,
        %scan3A_344 = arith.constant 0 : i32
        scf.yield %scan3A_344 : i32
      }
      %scan3A_309 = arith.constant 4 : i32
      %mul3A_310 = arith.constant 64 : i32
      %mul3A_311 = arith.muli %add3A_259, %mul3A_310 : i32
      %add3A_312 = arith.addi %mul3A_2, %mul3A_311 : i32
      %dma_start3A_313 = arith.constant 1 : i32
      %dma_start3A_314 = arith.constant 0 : i32
      %dma_start3A_315 = tpu.memref_slice %arg9[%dma_start3A_313, %dma_start3A_314] : memref<2x64xf32, #tpu.memory_space<vmem>> -> memref<1x64xf32, #tpu.memory_space<vmem>>
      %dma_start3A_316 = tpu.memref_squeeze %dma_start3A_315 : memref<1x64xf32, #tpu.memory_space<vmem>> -> memref<64xf32, #tpu.memory_space<vmem>>
      %dma_start3A_317 = tpu.memref_slice %arg4[%add3A_312] : memref<320000xf32, #tpu.memory_space<hbm>> -> memref<64xf32, #tpu.memory_space<hbm>>
      %dma_start3A_318 = tpu.memref_slice %arg4[%add3A_312] : memref<320000xf32, #tpu.memory_space<hbm>> -> memref<64xf32, #tpu.memory_space<hbm>>
      %dma_start3A_319 = arith.constant 0 : i32
      %dma_start3A_320 = tpu.memref_slice %arg9[%dma_start3A_313, %dma_start3A_319] : memref<2x64xf32, #tpu.memory_space<vmem>> -> memref<1x64xf32, #tpu.memory_space<vmem>>
      %dma_start3A_321 = tpu.memref_squeeze %dma_start3A_320 : memref<1x64xf32, #tpu.memory_space<vmem>> -> memref<64xf32, #tpu.memory_space<vmem>>
      tpu.enqueue_dma source(%dma_start3A_321 : memref<64xf32, #tpu.memory_space<vmem>>) target(%dma_start3A_318 : memref<64xf32, #tpu.memory_space<hbm>>) target_semaphore(%arg20 : memref<!tpu.dma_semaphore, #tpu.memory_space<semaphore_mem>>)
      %while3A_322 = arith.constant 0 : i32
      scf.yield %while3A_322 : i32
    }
    %while3A_157 = arith.constant 1 : i32
    %while3A_158 = scf.for %while3A_191 = %while3A_154 to %while3A_150 step %while3A_157 iter_args(%while3A_192 = %while3A_156) -> (i32)  : i32 {
      %mul3A_193 = arith.constant 2 : i32
      %mul3A_194 = arith.muli %mul3A_193, %while3A_191 : i32
      %add3A_195 = arith.constant 0 : i32
      %add3A_196 = arith.addi %mul3A_194, %add3A_195 : i32
      %add3A_197 = arith.constant 1 : i32
      %add3A_198 = arith.addi %add3A_196, %add3A_197 : i32
      %lt3A = arith.cmpi slt, %add3A_198, %min3A_21 : i32
      %convert_element_type3A_199 = arith.extui %lt3A : i1 to i32
      %cond3A_200 = arith.constant 0 : i32
      %cond3A_201 = arith.cmpi ne, %convert_element_type3A_199, %cond3A_200 : i32
      scf.if %cond3A_201 {
        %add3A_323 = arith.constant 1 : i32
        %add3A_324 = arith.addi %add3A_196, %add3A_323 : i32
        %mul3A_325 = arith.constant 64 : i32
        %mul3A_326 = arith.muli %add3A_324, %mul3A_325 : i32
        %add3A_327 = arith.addi %mul3A_2, %mul3A_326 : i32
        %dma_wait3A_328 = arith.constant 0 : i32
        %dma_wait3A_329 = arith.constant 1 : i32
        %dma_wait3A_330 = arith.constant 0 : i32
        %dma_wait3A_331 = tpu.memref_slice %arg5[%dma_wait3A_329, %dma_wait3A_330] : memref<2x64xi32, #tpu.memory_space<vmem>> -> memref<1x64xi32, #tpu.memory_space<vmem>>
        %dma_wait3A_332 = tpu.memref_squeeze %dma_wait3A_331 : memref<1x64xi32, #tpu.memory_space<vmem>> -> memref<64xi32, #tpu.memory_space<vmem>>
        %dma_wait3A_333 = tpu.memref_slice %arg3[%dma_wait3A_328, %add3A_327] : memref<2x320000xi32, #tpu.memory_space<hbm>> -> memref<1x64xi32, #tpu.memory_space<hbm>>
        %dma_wait3A_334 = tpu.memref_squeeze %dma_wait3A_333 : memref<1x64xi32, #tpu.memory_space<hbm>> -> memref<64xi32, #tpu.memory_space<hbm>>
        %dma_wait3A_335 = arith.constant 0 : i32
        %dma_wait3A_336 = tpu.memref_slice %arg5[%dma_wait3A_329, %dma_wait3A_335] : memref<2x64xi32, #tpu.memory_space<vmem>> -> memref<1x64xi32, #tpu.memory_space<vmem>>
        %dma_wait3A_337 = tpu.memref_squeeze %dma_wait3A_336 : memref<1x64xi32, #tpu.memory_space<vmem>> -> memref<64xi32, #tpu.memory_space<vmem>>
        %dma_wait3A_338 = tpu.memref_slice %arg3[%dma_wait3A_328, %add3A_327] : memref<2x320000xi32, #tpu.memory_space<hbm>> -> memref<1x64xi32, #tpu.memory_space<hbm>>
        %dma_wait3A_339 = tpu.memref_squeeze %dma_wait3A_338 : memref<1x64xi32, #tpu.memory_space<hbm>> -> memref<64xi32, #tpu.memory_space<hbm>>
        tpu.wait_dma2 semaphore(%arg16 : memref<!tpu.dma_semaphore, #tpu.memory_space<semaphore_mem>>) src(%dma_wait3A_339 : memref<64xi32, #tpu.memory_space<hbm>>) dst(%dma_wait3A_337 : memref<64xi32, #tpu.memory_space<vmem>>)
        %dma_wait3A_340 = arith.constant 1 : i32
        %dma_wait3A_341 = arith.constant 1 : i32
        %dma_wait3A_342 = arith.constant 0 : i32
        %dma_wait3A_343 = tpu.memref_slice %arg6[%dma_wait3A_341, %dma_wait3A_342] : memref<2x64xi32, #tpu.memory_space<vmem>> -> memref<1x64xi32, #tpu.memory_space<vmem>>
        %dma_wait3A_344 = tpu.memref_squeeze %dma_wait3A_343 : memref<1x64xi32, #tpu.memory_space<vmem>> -> memref<64xi32, #tpu.memory_space<vmem>>
        %dma_wait3A_345 = tpu.memref_slice %arg3[%dma_wait3A_340, %add3A_327] : memref<2x320000xi32, #tpu.memory_space<hbm>> -> memref<1x64xi32, #tpu.memory_space<hbm>>
        %dma_wait3A_346 = tpu.memref_squeeze %dma_wait3A_345 : memref<1x64xi32, #tpu.memory_space<hbm>> -> memref<64xi32, #tpu.memory_space<hbm>>
        %dma_wait3A_347 = arith.constant 0 : i32
        %dma_wait3A_348 = tpu.memref_slice %arg6[%dma_wait3A_341, %dma_wait3A_347] : memref<2x64xi32, #tpu.memory_space<vmem>> -> memref<1x64xi32, #tpu.memory_space<vmem>>
        %dma_wait3A_349 = tpu.memref_squeeze %dma_wait3A_348 : memref<1x64xi32, #tpu.memory_space<vmem>> -> memref<64xi32, #tpu.memory_space<vmem>>
        %dma_wait3A_350 = tpu.memref_slice %arg3[%dma_wait3A_340, %add3A_327] : memref<2x320000xi32, #tpu.memory_space<hbm>> -> memref<1x64xi32, #tpu.memory_space<hbm>>
        %dma_wait3A_351 = tpu.memref_squeeze %dma_wait3A_350 : memref<1x64xi32, #tpu.memory_space<hbm>> -> memref<64xi32, #tpu.memory_space<hbm>>
        tpu.wait_dma2 semaphore(%arg18 : memref<!tpu.dma_semaphore, #tpu.memory_space<semaphore_mem>>) src(%dma_wait3A_351 : memref<64xi32, #tpu.memory_space<hbm>>) dst(%dma_wait3A_349 : memref<64xi32, #tpu.memory_space<vmem>>)
        %dma_start3A_352 = arith.constant 1 : i32
        %dma_start3A_353 = arith.constant 1 : i32
        %dma_start3A_354 = arith.constant 0 : i32
        %dma_start3A_355 = arith.constant 0 : i32
        %dma_start3A_356 = tpu.memref_slice %arg7[%dma_start3A_353, %dma_start3A_354, %dma_start3A_355] : memref<2x64x128xf32, #tpu.memory_space<vmem>> -> memref<1x64x128xf32, #tpu.memory_space<vmem>>
        %dma_start3A_357 = tpu.memref_squeeze %dma_start3A_356 : memref<1x64x128xf32, #tpu.memory_space<vmem>> -> memref<64x128xf32, #tpu.memory_space<vmem>>
        %dma_start3A_358 = arith.constant 0 : i32
        %dma_start3A_359 = tpu.memref_slice %arg5[%dma_start3A_352, %dma_start3A_358] : memref<2x64xi32, #tpu.memory_space<vmem>> -> memref<1x64xi32, #tpu.memory_space<vmem>>
        %dma_start3A_360 = tpu.memref_squeeze %dma_start3A_359 : memref<1x64xi32, #tpu.memory_space<vmem>> -> memref<64xi32, #tpu.memory_space<vmem>>
        %dma_start3A_361 = arith.constant 0 : i32
        %dma_start3A_362 = arith.constant 0 : i32
        %dma_start3A_363 = tpu.memref_slice %arg10[%dma_start3A_361, %dma_start3A_362] : memref<10000x128xf32, #tpu.memory_space<vmem_shared>> -> memref<10000x128xf32, #tpu.memory_space<vmem_shared>>
        tpu.enqueue_indirect_dma source(%dma_start3A_363 : memref<10000x128xf32, #tpu.memory_space<vmem_shared>>) target(%dma_start3A_357 : memref<64x128xf32, #tpu.memory_space<vmem>>) offsets(%dma_start3A_360 : memref<64xi32, #tpu.memory_space<vmem>>) semaphore(%arg12 : memref<!tpu.dma_semaphore, #tpu.memory_space<semaphore_mem>>)
        %dma_start3A_364 = arith.constant 1 : i32
        %dma_start3A_365 = arith.constant 1 : i32
        %dma_start3A_366 = arith.constant 0 : i32
        %dma_start3A_367 = arith.constant 0 : i32
        %dma_start3A_368 = tpu.memref_slice %arg8[%dma_start3A_365, %dma_start3A_366, %dma_start3A_367] : memref<2x64x128xf32, #tpu.memory_space<vmem>> -> memref<1x64x128xf32, #tpu.memory_space<vmem>>
        %dma_start3A_369 = tpu.memref_squeeze %dma_start3A_368 : memref<1x64x128xf32, #tpu.memory_space<vmem>> -> memref<64x128xf32, #tpu.memory_space<vmem>>
        %dma_start3A_370 = arith.constant 0 : i32
        %dma_start3A_371 = tpu.memref_slice %arg6[%dma_start3A_364, %dma_start3A_370] : memref<2x64xi32, #tpu.memory_space<vmem>> -> memref<1x64xi32, #tpu.memory_space<vmem>>
        %dma_start3A_372 = tpu.memref_squeeze %dma_start3A_371 : memref<1x64xi32, #tpu.memory_space<vmem>> -> memref<64xi32, #tpu.memory_space<vmem>>
        %dma_start3A_373 = arith.constant 0 : i32
        %dma_start3A_374 = arith.constant 0 : i32
        %dma_start3A_375 = tpu.memref_slice %arg10[%dma_start3A_373, %dma_start3A_374] : memref<10000x128xf32, #tpu.memory_space<vmem_shared>> -> memref<10000x128xf32, #tpu.memory_space<vmem_shared>>
        tpu.enqueue_indirect_dma source(%dma_start3A_375 : memref<10000x128xf32, #tpu.memory_space<vmem_shared>>) target(%dma_start3A_369 : memref<64x128xf32, #tpu.memory_space<vmem>>) offsets(%dma_start3A_372 : memref<64xi32, #tpu.memory_space<vmem>>) semaphore(%arg14 : memref<!tpu.dma_semaphore, #tpu.memory_space<semaphore_mem>>)
      } else {
      }
      %dma_wait3A_202 = arith.constant 0 : i32
      %dma_wait3A_203 = arith.constant 0 : i32
      %dma_wait3A_204 = arith.constant 0 : i32
      %dma_wait3A_205 = arith.constant 0 : i32
      %dma_wait3A_206 = tpu.memref_slice %arg7[%dma_wait3A_203, %dma_wait3A_204, %dma_wait3A_205] : memref<2x64x128xf32, #tpu.memory_space<vmem>> -> memref<1x64x128xf32, #tpu.memory_space<vmem>>
      %dma_wait3A_207 = tpu.memref_squeeze %dma_wait3A_206 : memref<1x64x128xf32, #tpu.memory_space<vmem>> -> memref<64x128xf32, #tpu.memory_space<vmem>>
      %dma_wait3A_208 = arith.constant 0 : i32
      %dma_wait3A_209 = tpu.memref_slice %arg5[%dma_wait3A_202, %dma_wait3A_208] : memref<2x64xi32, #tpu.memory_space<vmem>> -> memref<1x64xi32, #tpu.memory_space<vmem>>
      %dma_wait3A_210 = tpu.memref_squeeze %dma_wait3A_209 : memref<1x64xi32, #tpu.memory_space<vmem>> -> memref<64xi32, #tpu.memory_space<vmem>>
      %dma_wait3A_211 = arith.constant 0 : i32
      %dma_wait3A_212 = arith.constant 0 : i32
      %dma_wait3A_213 = tpu.memref_slice %arg10[%dma_wait3A_211, %dma_wait3A_212] : memref<10000x128xf32, #tpu.memory_space<vmem_shared>> -> memref<10000x128xf32, #tpu.memory_space<vmem_shared>>
      tpu.wait_indirect_dma semaphore(%arg11 : memref<!tpu.dma_semaphore, #tpu.memory_space<semaphore_mem>>) src(%dma_wait3A_213 : memref<10000x128xf32, #tpu.memory_space<vmem_shared>>) dst(%dma_wait3A_207 : memref<64x128xf32, #tpu.memory_space<vmem>>)
      %dma_wait3A_214 = arith.constant 0 : i32
      %dma_wait3A_215 = arith.constant 0 : i32
      %dma_wait3A_216 = arith.constant 0 : i32
      %dma_wait3A_217 = arith.constant 0 : i32
      %dma_wait3A_218 = tpu.memref_slice %arg8[%dma_wait3A_215, %dma_wait3A_216, %dma_wait3A_217] : memref<2x64x128xf32, #tpu.memory_space<vmem>> -> memref<1x64x128xf32, #tpu.memory_space<vmem>>
      %dma_wait3A_219 = tpu.memref_squeeze %dma_wait3A_218 : memref<1x64x128xf32, #tpu.memory_space<vmem>> -> memref<64x128xf32, #tpu.memory_space<vmem>>
      %dma_wait3A_220 = arith.constant 0 : i32
      %dma_wait3A_221 = tpu.memref_slice %arg6[%dma_wait3A_214, %dma_wait3A_220] : memref<2x64xi32, #tpu.memory_space<vmem>> -> memref<1x64xi32, #tpu.memory_space<vmem>>
      %dma_wait3A_222 = tpu.memref_squeeze %dma_wait3A_221 : memref<1x64xi32, #tpu.memory_space<vmem>> -> memref<64xi32, #tpu.memory_space<vmem>>
      %dma_wait3A_223 = arith.constant 0 : i32
      %dma_wait3A_224 = arith.constant 0 : i32
      %dma_wait3A_225 = tpu.memref_slice %arg10[%dma_wait3A_223, %dma_wait3A_224] : memref<10000x128xf32, #tpu.memory_space<vmem_shared>> -> memref<10000x128xf32, #tpu.memory_space<vmem_shared>>
      tpu.wait_indirect_dma semaphore(%arg13 : memref<!tpu.dma_semaphore, #tpu.memory_space<semaphore_mem>>) src(%dma_wait3A_225 : memref<10000x128xf32, #tpu.memory_space<vmem_shared>>) dst(%dma_wait3A_219 : memref<64x128xf32, #tpu.memory_space<vmem>>)
      %add3A_226 = arith.constant 2 : i32
      %add3A_227 = arith.addi %add3A_196, %add3A_226 : i32
      %lt3A_228 = arith.cmpi slt, %add3A_227, %min3A_21 : i32
      %convert_element_type3A_229 = arith.extui %lt3A_228 : i1 to i32
      %cond3A_230 = arith.constant 0 : i32
      %cond3A_231 = arith.cmpi ne, %convert_element_type3A_229, %cond3A_230 : i32
      scf.if %cond3A_231 {
        %add3A_323 = arith.constant 2 : i32
        %add3A_324 = arith.addi %add3A_196, %add3A_323 : i32
        %mul3A_325 = arith.constant 64 : i32
        %mul3A_326 = arith.muli %add3A_324, %mul3A_325 : i32
        %add3A_327 = arith.addi %mul3A_2, %mul3A_326 : i32
        %dma_start3A_328 = arith.constant 0 : i32
        %dma_start3A_329 = arith.constant 0 : i32
        %dma_start3A_330 = arith.constant 0 : i32
        %dma_start3A_331 = tpu.memref_slice %arg5[%dma_start3A_329, %dma_start3A_330] : memref<2x64xi32, #tpu.memory_space<vmem>> -> memref<1x64xi32, #tpu.memory_space<vmem>>
        %dma_start3A_332 = tpu.memref_squeeze %dma_start3A_331 : memref<1x64xi32, #tpu.memory_space<vmem>> -> memref<64xi32, #tpu.memory_space<vmem>>
        %dma_start3A_333 = tpu.memref_slice %arg3[%dma_start3A_328, %add3A_327] : memref<2x320000xi32, #tpu.memory_space<hbm>> -> memref<1x64xi32, #tpu.memory_space<hbm>>
        %dma_start3A_334 = tpu.memref_squeeze %dma_start3A_333 : memref<1x64xi32, #tpu.memory_space<hbm>> -> memref<64xi32, #tpu.memory_space<hbm>>
        %dma_start3A_335 = arith.constant 0 : i32
        %dma_start3A_336 = tpu.memref_slice %arg5[%dma_start3A_329, %dma_start3A_335] : memref<2x64xi32, #tpu.memory_space<vmem>> -> memref<1x64xi32, #tpu.memory_space<vmem>>
        %dma_start3A_337 = tpu.memref_squeeze %dma_start3A_336 : memref<1x64xi32, #tpu.memory_space<vmem>> -> memref<64xi32, #tpu.memory_space<vmem>>
        %dma_start3A_338 = tpu.memref_slice %arg3[%dma_start3A_328, %add3A_327] : memref<2x320000xi32, #tpu.memory_space<hbm>> -> memref<1x64xi32, #tpu.memory_space<hbm>>
        %dma_start3A_339 = tpu.memref_squeeze %dma_start3A_338 : memref<1x64xi32, #tpu.memory_space<hbm>> -> memref<64xi32, #tpu.memory_space<hbm>>
        tpu.enqueue_dma source(%dma_start3A_339 : memref<64xi32, #tpu.memory_space<hbm>>) target(%dma_start3A_337 : memref<64xi32, #tpu.memory_space<vmem>>) target_semaphore(%arg15 : memref<!tpu.dma_semaphore, #tpu.memory_space<semaphore_mem>>)
        %dma_start3A_340 = arith.constant 1 : i32
        %dma_start3A_341 = arith.constant 0 : i32
        %dma_start3A_342 = arith.constant 0 : i32
        %dma_start3A_343 = tpu.memref_slice %arg6[%dma_start3A_341, %dma_start3A_342] : memref<2x64xi32, #tpu.memory_space<vmem>> -> memref<1x64xi32, #tpu.memory_space<vmem>>
        %dma_start3A_344 = tpu.memref_squeeze %dma_start3A_343 : memref<1x64xi32, #tpu.memory_space<vmem>> -> memref<64xi32, #tpu.memory_space<vmem>>
        %dma_start3A_345 = tpu.memref_slice %arg3[%dma_start3A_340, %add3A_327] : memref<2x320000xi32, #tpu.memory_space<hbm>> -> memref<1x64xi32, #tpu.memory_space<hbm>>
        %dma_start3A_346 = tpu.memref_squeeze %dma_start3A_345 : memref<1x64xi32, #tpu.memory_space<hbm>> -> memref<64xi32, #tpu.memory_space<hbm>>
        %dma_start3A_347 = arith.constant 0 : i32
        %dma_start3A_348 = tpu.memref_slice %arg6[%dma_start3A_341, %dma_start3A_347] : memref<2x64xi32, #tpu.memory_space<vmem>> -> memref<1x64xi32, #tpu.memory_space<vmem>>
        %dma_start3A_349 = tpu.memref_squeeze %dma_start3A_348 : memref<1x64xi32, #tpu.memory_space<vmem>> -> memref<64xi32, #tpu.memory_space<vmem>>
        %dma_start3A_350 = tpu.memref_slice %arg3[%dma_start3A_340, %add3A_327] : memref<2x320000xi32, #tpu.memory_space<hbm>> -> memref<1x64xi32, #tpu.memory_space<hbm>>
        %dma_start3A_351 = tpu.memref_squeeze %dma_start3A_350 : memref<1x64xi32, #tpu.memory_space<hbm>> -> memref<64xi32, #tpu.memory_space<hbm>>
        tpu.enqueue_dma source(%dma_start3A_351 : memref<64xi32, #tpu.memory_space<hbm>>) target(%dma_start3A_349 : memref<64xi32, #tpu.memory_space<vmem>>) target_semaphore(%arg17 : memref<!tpu.dma_semaphore, #tpu.memory_space<semaphore_mem>>)
      } else {
      }
      %ge3A = arith.constant 2 : i32
      %ge3A_232 = arith.cmpi sge, %add3A_196, %ge3A : i32
      %convert_element_type3A_233 = arith.extui %ge3A_232 : i1 to i32
      %cond3A_234 = arith.constant 0 : i32
      %cond3A_235 = arith.cmpi ne, %convert_element_type3A_233, %cond3A_234 : i32
      scf.if %cond3A_235 {
        %sub3A_323 = arith.constant 2 : i32
        %sub3A_324 = arith.subi %add3A_196, %sub3A_323 : i32
        %mul3A_325 = arith.constant 64 : i32
        %mul3A_326 = arith.muli %sub3A_324, %mul3A_325 : i32
        %add3A_327 = arith.addi %mul3A_2, %mul3A_326 : i32
        %dma_wait3A_328 = arith.constant 0 : i32
        %dma_wait3A_329 = arith.constant 0 : i32
        %dma_wait3A_330 = tpu.memref_slice %arg9[%dma_wait3A_328, %dma_wait3A_329] : memref<2x64xf32, #tpu.memory_space<vmem>> -> memref<1x64xf32, #tpu.memory_space<vmem>>
        %dma_wait3A_331 = tpu.memref_squeeze %dma_wait3A_330 : memref<1x64xf32, #tpu.memory_space<vmem>> -> memref<64xf32, #tpu.memory_space<vmem>>
        %dma_wait3A_332 = tpu.memref_slice %arg4[%add3A_327] : memref<320000xf32, #tpu.memory_space<hbm>> -> memref<64xf32, #tpu.memory_space<hbm>>
        %dma_wait3A_333 = tpu.memref_slice %arg4[%add3A_327] : memref<320000xf32, #tpu.memory_space<hbm>> -> memref<64xf32, #tpu.memory_space<hbm>>
        %dma_wait3A_334 = arith.constant 0 : i32
        %dma_wait3A_335 = tpu.memref_slice %arg9[%dma_wait3A_328, %dma_wait3A_334] : memref<2x64xf32, #tpu.memory_space<vmem>> -> memref<1x64xf32, #tpu.memory_space<vmem>>
        %dma_wait3A_336 = tpu.memref_squeeze %dma_wait3A_335 : memref<1x64xf32, #tpu.memory_space<vmem>> -> memref<64xf32, #tpu.memory_space<vmem>>
        tpu.wait_dma2 semaphore(%arg19 : memref<!tpu.dma_semaphore, #tpu.memory_space<semaphore_mem>>) src(%dma_wait3A_336 : memref<64xf32, #tpu.memory_space<vmem>>) dst(%dma_wait3A_333 : memref<64xf32, #tpu.memory_space<hbm>>)
      } else {
      }
      %scan3A = arith.constant 0 : i32
      %scan3A_236 = arith.constant 0 : i32
      %scan3A_237 = arith.constant 0 : i32
      %scan3A_238 = arith.constant 0 : i32
      %scan3A_239 = arith.constant 4 : i32
      %scan3A_240 = arith.addi %scan3A_238, %scan3A_239 : i32
      %scan3A_241 = arith.constant 1 : i32
      %scan3A_242 = scf.for %scan3A_323 = %scan3A_238 to %scan3A_240 step %scan3A_241 iter_args(%scan3A_324 = %scan3A_237) -> (i32)  : i32 {
        %mul3A_325 = arith.constant 16 : i32
        %mul3A_326 = arith.muli %scan3A_323, %mul3A_325 : i32
        %add3A_327 = vector.broadcast %mul3A_326 : i32 to vector<16xi32>
        %add3A_328 = arith.addi %add3A_327, %iota3A : vector<16xi32>
        %broadcast_in_dim3A = arith.constant 0.000000e+00 : f32
        %broadcast_in_dim3A_329 = vector.broadcast %broadcast_in_dim3A : f32 to vector<16xf32>
        %scan3A_330 = arith.constant 0 : i32
        %scan3A_331 = arith.constant 8 : i32
        %scan3A_332 = arith.addi %scan3A_330, %scan3A_331 : i32
        %scan3A_333 = arith.constant 1 : i32
        %scan3A_334:4 = scf.for %scan3A_345 = %scan3A_330 to %scan3A_332 step %scan3A_333 iter_args(%scan3A_346 = %broadcast_in_dim3A_329, %scan3A_347 = %broadcast_in_dim3A_329, %scan3A_348 = %broadcast_in_dim3A_329, %scan3A_349 = %broadcast_in_dim3A_329) -> (vector<16xf32>, vector<16xf32>, vector<16xf32>, vector<16xf32>)  : i32 {
          %mul3A_350 = arith.constant 16 : i32
          %mul3A_351 = arith.muli %scan3A_345, %mul3A_350 : i32
          %add3A_352 = vector.broadcast %mul3A_351 : i32 to vector<16xi32>
          %add3A_353 = arith.addi %iota3A, %add3A_352 : vector<16xi32>
          %and3A_354 = arith.constant 127 : i32
          %and3A_355 = vector.broadcast %and3A_354 : i32 to vector<16xi32>
          %and3A_356 = arith.andi %add3A_353, %and3A_355 : vector<16xi32>
          %gather3A = arith.constant 0 : i32
          %gather3A_357 = arith.constant 0 : i32
          %gather3A_358 = tpu.memref_slice %arg7[%scan3A, %gather3A, %gather3A_357] : memref<2x64x128xf32, #tpu.memory_space<vmem>> -> memref<1x64x128xf32, #tpu.memory_space<vmem>>
          %gather3A_359 = tpu.memref_squeeze %gather3A_358 : memref<1x64x128xf32, #tpu.memory_space<vmem>> -> memref<64x128xf32, #tpu.memory_space<vmem>>
          %gather3A_360 = tpu.vector_load_idx %gather3A_359[%add3A_328, %and3A_356] : memref<64x128xf32, #tpu.memory_space<vmem>>[vector<16xi32>, vector<16xi32>], vector<16xf32>,
          %gather3A_361 = arith.constant 0 : i32
          %gather3A_362 = arith.constant 0 : i32
          %gather3A_363 = tpu.memref_slice %arg8[%scan3A_236, %gather3A_361, %gather3A_362] : memref<2x64x128xf32, #tpu.memory_space<vmem>> -> memref<1x64x128xf32, #tpu.memory_space<vmem>>
          %gather3A_364 = tpu.memref_squeeze %gather3A_363 : memref<1x64x128xf32, #tpu.memory_space<vmem>> -> memref<64x128xf32, #tpu.memory_space<vmem>>
          %gather3A_365 = tpu.vector_load_idx %gather3A_364[%add3A_328, %and3A_356] : memref<64x128xf32, #tpu.memory_space<vmem>>[vector<16xi32>, vector<16xi32>], vector<16xf32>,
          %mul3A_366 = arith.mulf %gather3A_360, %gather3A_365 : vector<16xf32>
          %add3A_367 = arith.addf %scan3A_346, %mul3A_366 : vector<16xf32>
          %add3A_368 = arith.constant 1 : i32
          %add3A_369 = vector.broadcast %add3A_368 : i32 to vector<16xi32>
          %add3A_370 = arith.addi %and3A_356, %add3A_369 : vector<16xi32>
          %and3A_371 = arith.constant 127 : i32
          %and3A_372 = vector.broadcast %and3A_371 : i32 to vector<16xi32>
          %and3A_373 = arith.andi %add3A_370, %and3A_372 : vector<16xi32>
          %gather3A_374 = arith.constant 0 : i32
          %gather3A_375 = arith.constant 0 : i32
          %gather3A_376 = tpu.memref_slice %arg7[%scan3A, %gather3A_374, %gather3A_375] : memref<2x64x128xf32, #tpu.memory_space<vmem>> -> memref<1x64x128xf32, #tpu.memory_space<vmem>>
          %gather3A_377 = tpu.memref_squeeze %gather3A_376 : memref<1x64x128xf32, #tpu.memory_space<vmem>> -> memref<64x128xf32, #tpu.memory_space<vmem>>
          %gather3A_378 = tpu.vector_load_idx %gather3A_377[%add3A_328, %and3A_373] : memref<64x128xf32, #tpu.memory_space<vmem>>[vector<16xi32>, vector<16xi32>], vector<16xf32>,
          %gather3A_379 = arith.constant 0 : i32
          %gather3A_380 = arith.constant 0 : i32
          %gather3A_381 = tpu.memref_slice %arg8[%scan3A_236, %gather3A_379, %gather3A_380] : memref<2x64x128xf32, #tpu.memory_space<vmem>> -> memref<1x64x128xf32, #tpu.memory_space<vmem>>
          %gather3A_382 = tpu.memref_squeeze %gather3A_381 : memref<1x64x128xf32, #tpu.memory_space<vmem>> -> memref<64x128xf32, #tpu.memory_space<vmem>>
          %gather3A_383 = tpu.vector_load_idx %gather3A_382[%add3A_328, %and3A_373] : memref<64x128xf32, #tpu.memory_space<vmem>>[vector<16xi32>, vector<16xi32>], vector<16xf32>,
          %mul3A_384 = arith.mulf %gather3A_378, %gather3A_383 : vector<16xf32>
          %add3A_385 = arith.addf %scan3A_347, %mul3A_384 : vector<16xf32>
          %add3A_386 = arith.constant 1 : i32
          %add3A_387 = vector.broadcast %add3A_386 : i32 to vector<16xi32>
          %add3A_388 = arith.addi %and3A_373, %add3A_387 : vector<16xi32>
          %and3A_389 = arith.constant 127 : i32
          %and3A_390 = vector.broadcast %and3A_389 : i32 to vector<16xi32>
          %and3A_391 = arith.andi %add3A_388, %and3A_390 : vector<16xi32>
          %gather3A_392 = arith.constant 0 : i32
          %gather3A_393 = arith.constant 0 : i32
          %gather3A_394 = tpu.memref_slice %arg7[%scan3A, %gather3A_392, %gather3A_393] : memref<2x64x128xf32, #tpu.memory_space<vmem>> -> memref<1x64x128xf32, #tpu.memory_space<vmem>>
          %gather3A_395 = tpu.memref_squeeze %gather3A_394 : memref<1x64x128xf32, #tpu.memory_space<vmem>> -> memref<64x128xf32, #tpu.memory_space<vmem>>
          %gather3A_396 = tpu.vector_load_idx %gather3A_395[%add3A_328, %and3A_391] : memref<64x128xf32, #tpu.memory_space<vmem>>[vector<16xi32>, vector<16xi32>], vector<16xf32>,
          %gather3A_397 = arith.constant 0 : i32
          %gather3A_398 = arith.constant 0 : i32
          %gather3A_399 = tpu.memref_slice %arg8[%scan3A_236, %gather3A_397, %gather3A_398] : memref<2x64x128xf32, #tpu.memory_space<vmem>> -> memref<1x64x128xf32, #tpu.memory_space<vmem>>
          %gather3A_400 = tpu.memref_squeeze %gather3A_399 : memref<1x64x128xf32, #tpu.memory_space<vmem>> -> memref<64x128xf32, #tpu.memory_space<vmem>>
          %gather3A_401 = tpu.vector_load_idx %gather3A_400[%add3A_328, %and3A_391] : memref<64x128xf32, #tpu.memory_space<vmem>>[vector<16xi32>, vector<16xi32>], vector<16xf32>,
          %mul3A_402 = arith.mulf %gather3A_396, %gather3A_401 : vector<16xf32>
          %add3A_403 = arith.addf %scan3A_348, %mul3A_402 : vector<16xf32>
          %add3A_404 = arith.constant 1 : i32
          %add3A_405 = vector.broadcast %add3A_404 : i32 to vector<16xi32>
          %add3A_406 = arith.addi %and3A_391, %add3A_405 : vector<16xi32>
          %and3A_407 = arith.constant 127 : i32
          %and3A_408 = vector.broadcast %and3A_407 : i32 to vector<16xi32>
          %and3A_409 = arith.andi %add3A_406, %and3A_408 : vector<16xi32>
          %gather3A_410 = arith.constant 0 : i32
          %gather3A_411 = arith.constant 0 : i32
          %gather3A_412 = tpu.memref_slice %arg7[%scan3A, %gather3A_410, %gather3A_411] : memref<2x64x128xf32, #tpu.memory_space<vmem>> -> memref<1x64x128xf32, #tpu.memory_space<vmem>>
          %gather3A_413 = tpu.memref_squeeze %gather3A_412 : memref<1x64x128xf32, #tpu.memory_space<vmem>> -> memref<64x128xf32, #tpu.memory_space<vmem>>
          %gather3A_414 = tpu.vector_load_idx %gather3A_413[%add3A_328, %and3A_409] : memref<64x128xf32, #tpu.memory_space<vmem>>[vector<16xi32>, vector<16xi32>], vector<16xf32>,
          %gather3A_415 = arith.constant 0 : i32
          %gather3A_416 = arith.constant 0 : i32
          %gather3A_417 = tpu.memref_slice %arg8[%scan3A_236, %gather3A_415, %gather3A_416] : memref<2x64x128xf32, #tpu.memory_space<vmem>> -> memref<1x64x128xf32, #tpu.memory_space<vmem>>
          %gather3A_418 = tpu.memref_squeeze %gather3A_417 : memref<1x64x128xf32, #tpu.memory_space<vmem>> -> memref<64x128xf32, #tpu.memory_space<vmem>>
          %gather3A_419 = tpu.vector_load_idx %gather3A_418[%add3A_328, %and3A_409] : memref<64x128xf32, #tpu.memory_space<vmem>>[vector<16xi32>, vector<16xi32>], vector<16xf32>,
          %mul3A_420 = arith.mulf %gather3A_414, %gather3A_419 : vector<16xf32>
          %add3A_421 = arith.addf %scan3A_349, %mul3A_420 : vector<16xf32>
          %add3A_422 = arith.constant 1 : i32
          %add3A_423 = vector.broadcast %add3A_422 : i32 to vector<16xi32>
          %add3A_424 = arith.addi %and3A_409, %add3A_423 : vector<16xi32>
          %and3A_425 = arith.constant 127 : i32
          %and3A_426 = vector.broadcast %and3A_425 : i32 to vector<16xi32>
          %and3A_427 = arith.andi %add3A_424, %and3A_426 : vector<16xi32>
          %gather3A_428 = arith.constant 0 : i32
          %gather3A_429 = arith.constant 0 : i32
          %gather3A_430 = tpu.memref_slice %arg7[%scan3A, %gather3A_428, %gather3A_429] : memref<2x64x128xf32, #tpu.memory_space<vmem>> -> memref<1x64x128xf32, #tpu.memory_space<vmem>>
          %gather3A_431 = tpu.memref_squeeze %gather3A_430 : memref<1x64x128xf32, #tpu.memory_space<vmem>> -> memref<64x128xf32, #tpu.memory_space<vmem>>
          %gather3A_432 = tpu.vector_load_idx %gather3A_431[%add3A_328, %and3A_427] : memref<64x128xf32, #tpu.memory_space<vmem>>[vector<16xi32>, vector<16xi32>], vector<16xf32>,
          %gather3A_433 = arith.constant 0 : i32
          %gather3A_434 = arith.constant 0 : i32
          %gather3A_435 = tpu.memref_slice %arg8[%scan3A_236, %gather3A_433, %gather3A_434] : memref<2x64x128xf32, #tpu.memory_space<vmem>> -> memref<1x64x128xf32, #tpu.memory_space<vmem>>
          %gather3A_436 = tpu.memref_squeeze %gather3A_435 : memref<1x64x128xf32, #tpu.memory_space<vmem>> -> memref<64x128xf32, #tpu.memory_space<vmem>>
          %gather3A_437 = tpu.vector_load_idx %gather3A_436[%add3A_328, %and3A_427] : memref<64x128xf32, #tpu.memory_space<vmem>>[vector<16xi32>, vector<16xi32>], vector<16xf32>,
          %mul3A_438 = arith.mulf %gather3A_432, %gather3A_437 : vector<16xf32>
          %add3A_439 = arith.addf %add3A_367, %mul3A_438 : vector<16xf32>
          %add3A_440 = arith.constant 1 : i32
          %add3A_441 = vector.broadcast %add3A_440 : i32 to vector<16xi32>
          %add3A_442 = arith.addi %and3A_427, %add3A_441 : vector<16xi32>
          %and3A_443 = arith.constant 127 : i32
          %and3A_444 = vector.broadcast %and3A_443 : i32 to vector<16xi32>
          %and3A_445 = arith.andi %add3A_442, %and3A_444 : vector<16xi32>
          %gather3A_446 = arith.constant 0 : i32
          %gather3A_447 = arith.constant 0 : i32
          %gather3A_448 = tpu.memref_slice %arg7[%scan3A, %gather3A_446, %gather3A_447] : memref<2x64x128xf32, #tpu.memory_space<vmem>> -> memref<1x64x128xf32, #tpu.memory_space<vmem>>
          %gather3A_449 = tpu.memref_squeeze %gather3A_448 : memref<1x64x128xf32, #tpu.memory_space<vmem>> -> memref<64x128xf32, #tpu.memory_space<vmem>>
          %gather3A_450 = tpu.vector_load_idx %gather3A_449[%add3A_328, %and3A_445] : memref<64x128xf32, #tpu.memory_space<vmem>>[vector<16xi32>, vector<16xi32>], vector<16xf32>,
          %gather3A_451 = arith.constant 0 : i32
          %gather3A_452 = arith.constant 0 : i32
          %gather3A_453 = tpu.memref_slice %arg8[%scan3A_236, %gather3A_451, %gather3A_452] : memref<2x64x128xf32, #tpu.memory_space<vmem>> -> memref<1x64x128xf32, #tpu.memory_space<vmem>>
          %gather3A_454 = tpu.memref_squeeze %gather3A_453 : memref<1x64x128xf32, #tpu.memory_space<vmem>> -> memref<64x128xf32, #tpu.memory_space<vmem>>
          %gather3A_455 = tpu.vector_load_idx %gather3A_454[%add3A_328, %and3A_445] : memref<64x128xf32, #tpu.memory_space<vmem>>[vector<16xi32>, vector<16xi32>], vector<16xf32>,
          %mul3A_456 = arith.mulf %gather3A_450, %gather3A_455 : vector<16xf32>
          %add3A_457 = arith.addf %add3A_385, %mul3A_456 : vector<16xf32>
          %add3A_458 = arith.constant 1 : i32
          %add3A_459 = vector.broadcast %add3A_458 : i32 to vector<16xi32>
          %add3A_460 = arith.addi %and3A_445, %add3A_459 : vector<16xi32>
          %and3A_461 = arith.constant 127 : i32
          %and3A_462 = vector.broadcast %and3A_461 : i32 to vector<16xi32>
          %and3A_463 = arith.andi %add3A_460, %and3A_462 : vector<16xi32>
          %gather3A_464 = arith.constant 0 : i32
          %gather3A_465 = arith.constant 0 : i32
          %gather3A_466 = tpu.memref_slice %arg7[%scan3A, %gather3A_464, %gather3A_465] : memref<2x64x128xf32, #tpu.memory_space<vmem>> -> memref<1x64x128xf32, #tpu.memory_space<vmem>>
          %gather3A_467 = tpu.memref_squeeze %gather3A_466 : memref<1x64x128xf32, #tpu.memory_space<vmem>> -> memref<64x128xf32, #tpu.memory_space<vmem>>
          %gather3A_468 = tpu.vector_load_idx %gather3A_467[%add3A_328, %and3A_463] : memref<64x128xf32, #tpu.memory_space<vmem>>[vector<16xi32>, vector<16xi32>], vector<16xf32>,
          %gather3A_469 = arith.constant 0 : i32
          %gather3A_470 = arith.constant 0 : i32
          %gather3A_471 = tpu.memref_slice %arg8[%scan3A_236, %gather3A_469, %gather3A_470] : memref<2x64x128xf32, #tpu.memory_space<vmem>> -> memref<1x64x128xf32, #tpu.memory_space<vmem>>
          %gather3A_472 = tpu.memref_squeeze %gather3A_471 : memref<1x64x128xf32, #tpu.memory_space<vmem>> -> memref<64x128xf32, #tpu.memory_space<vmem>>
          %gather3A_473 = tpu.vector_load_idx %gather3A_472[%add3A_328, %and3A_463] : memref<64x128xf32, #tpu.memory_space<vmem>>[vector<16xi32>, vector<16xi32>], vector<16xf32>,
          %mul3A_474 = arith.mulf %gather3A_468, %gather3A_473 : vector<16xf32>
          %add3A_475 = arith.addf %add3A_403, %mul3A_474 : vector<16xf32>
          %add3A_476 = arith.constant 1 : i32
          %add3A_477 = vector.broadcast %add3A_476 : i32 to vector<16xi32>
          %add3A_478 = arith.addi %and3A_463, %add3A_477 : vector<16xi32>
          %and3A_479 = arith.constant 127 : i32
          %and3A_480 = vector.broadcast %and3A_479 : i32 to vector<16xi32>
          %and3A_481 = arith.andi %add3A_478, %and3A_480 : vector<16xi32>
          %gather3A_482 = arith.constant 0 : i32
          %gather3A_483 = arith.constant 0 : i32
          %gather3A_484 = tpu.memref_slice %arg7[%scan3A, %gather3A_482, %gather3A_483] : memref<2x64x128xf32, #tpu.memory_space<vmem>> -> memref<1x64x128xf32, #tpu.memory_space<vmem>>
          %gather3A_485 = tpu.memref_squeeze %gather3A_484 : memref<1x64x128xf32, #tpu.memory_space<vmem>> -> memref<64x128xf32, #tpu.memory_space<vmem>>
          %gather3A_486 = tpu.vector_load_idx %gather3A_485[%add3A_328, %and3A_481] : memref<64x128xf32, #tpu.memory_space<vmem>>[vector<16xi32>, vector<16xi32>], vector<16xf32>,
          %gather3A_487 = arith.constant 0 : i32
          %gather3A_488 = arith.constant 0 : i32
          %gather3A_489 = tpu.memref_slice %arg8[%scan3A_236, %gather3A_487, %gather3A_488] : memref<2x64x128xf32, #tpu.memory_space<vmem>> -> memref<1x64x128xf32, #tpu.memory_space<vmem>>
          %gather3A_490 = tpu.memref_squeeze %gather3A_489 : memref<1x64x128xf32, #tpu.memory_space<vmem>> -> memref<64x128xf32, #tpu.memory_space<vmem>>
          %gather3A_491 = tpu.vector_load_idx %gather3A_490[%add3A_328, %and3A_481] : memref<64x128xf32, #tpu.memory_space<vmem>>[vector<16xi32>, vector<16xi32>], vector<16xf32>,
          %mul3A_492 = arith.mulf %gather3A_486, %gather3A_491 : vector<16xf32>
          %add3A_493 = arith.addf %add3A_421, %mul3A_492 : vector<16xf32>
          %add3A_494 = arith.constant 1 : i32
          %add3A_495 = vector.broadcast %add3A_494 : i32 to vector<16xi32>
          %add3A_496 = arith.addi %and3A_481, %add3A_495 : vector<16xi32>
          %and3A_497 = arith.constant 127 : i32
          %and3A_498 = vector.broadcast %and3A_497 : i32 to vector<16xi32>
          %and3A_499 = arith.andi %add3A_496, %and3A_498 : vector<16xi32>
          %gather3A_500 = arith.constant 0 : i32
          %gather3A_501 = arith.constant 0 : i32
          %gather3A_502 = tpu.memref_slice %arg7[%scan3A, %gather3A_500, %gather3A_501] : memref<2x64x128xf32, #tpu.memory_space<vmem>> -> memref<1x64x128xf32, #tpu.memory_space<vmem>>
          %gather3A_503 = tpu.memref_squeeze %gather3A_502 : memref<1x64x128xf32, #tpu.memory_space<vmem>> -> memref<64x128xf32, #tpu.memory_space<vmem>>
          %gather3A_504 = tpu.vector_load_idx %gather3A_503[%add3A_328, %and3A_499] : memref<64x128xf32, #tpu.memory_space<vmem>>[vector<16xi32>, vector<16xi32>], vector<16xf32>,
          %gather3A_505 = arith.constant 0 : i32
          %gather3A_506 = arith.constant 0 : i32
          %gather3A_507 = tpu.memref_slice %arg8[%scan3A_236, %gather3A_505, %gather3A_506] : memref<2x64x128xf32, #tpu.memory_space<vmem>> -> memref<1x64x128xf32, #tpu.memory_space<vmem>>
          %gather3A_508 = tpu.memref_squeeze %gather3A_507 : memref<1x64x128xf32, #tpu.memory_space<vmem>> -> memref<64x128xf32, #tpu.memory_space<vmem>>
          %gather3A_509 = tpu.vector_load_idx %gather3A_508[%add3A_328, %and3A_499] : memref<64x128xf32, #tpu.memory_space<vmem>>[vector<16xi32>, vector<16xi32>], vector<16xf32>,
          %mul3A_510 = arith.mulf %gather3A_504, %gather3A_509 : vector<16xf32>
          %add3A_511 = arith.addf %add3A_439, %mul3A_510 : vector<16xf32>
          %add3A_512 = arith.constant 1 : i32
          %add3A_513 = vector.broadcast %add3A_512 : i32 to vector<16xi32>
          %add3A_514 = arith.addi %and3A_499, %add3A_513 : vector<16xi32>
          %and3A_515 = arith.constant 127 : i32
          %and3A_516 = vector.broadcast %and3A_515 : i32 to vector<16xi32>
          %and3A_517 = arith.andi %add3A_514, %and3A_516 : vector<16xi32>
          %gather3A_518 = arith.constant 0 : i32
          %gather3A_519 = arith.constant 0 : i32
          %gather3A_520 = tpu.memref_slice %arg7[%scan3A, %gather3A_518, %gather3A_519] : memref<2x64x128xf32, #tpu.memory_space<vmem>> -> memref<1x64x128xf32, #tpu.memory_space<vmem>>
          %gather3A_521 = tpu.memref_squeeze %gather3A_520 : memref<1x64x128xf32, #tpu.memory_space<vmem>> -> memref<64x128xf32, #tpu.memory_space<vmem>>
          %gather3A_522 = tpu.vector_load_idx %gather3A_521[%add3A_328, %and3A_517] : memref<64x128xf32, #tpu.memory_space<vmem>>[vector<16xi32>, vector<16xi32>], vector<16xf32>,
          %gather3A_523 = arith.constant 0 : i32
          %gather3A_524 = arith.constant 0 : i32
          %gather3A_525 = tpu.memref_slice %arg8[%scan3A_236, %gather3A_523, %gather3A_524] : memref<2x64x128xf32, #tpu.memory_space<vmem>> -> memref<1x64x128xf32, #tpu.memory_space<vmem>>
          %gather3A_526 = tpu.memref_squeeze %gather3A_525 : memref<1x64x128xf32, #tpu.memory_space<vmem>> -> memref<64x128xf32, #tpu.memory_space<vmem>>
          %gather3A_527 = tpu.vector_load_idx %gather3A_526[%add3A_328, %and3A_517] : memref<64x128xf32, #tpu.memory_space<vmem>>[vector<16xi32>, vector<16xi32>], vector<16xf32>,
          %mul3A_528 = arith.mulf %gather3A_522, %gather3A_527 : vector<16xf32>
          %add3A_529 = arith.addf %add3A_457, %mul3A_528 : vector<16xf32>
          %add3A_530 = arith.constant 1 : i32
          %add3A_531 = vector.broadcast %add3A_530 : i32 to vector<16xi32>
          %add3A_532 = arith.addi %and3A_517, %add3A_531 : vector<16xi32>
          %and3A_533 = arith.constant 127 : i32
          %and3A_534 = vector.broadcast %and3A_533 : i32 to vector<16xi32>
          %and3A_535 = arith.andi %add3A_532, %and3A_534 : vector<16xi32>
          %gather3A_536 = arith.constant 0 : i32
          %gather3A_537 = arith.constant 0 : i32
          %gather3A_538 = tpu.memref_slice %arg7[%scan3A, %gather3A_536, %gather3A_537] : memref<2x64x128xf32, #tpu.memory_space<vmem>> -> memref<1x64x128xf32, #tpu.memory_space<vmem>>
          %gather3A_539 = tpu.memref_squeeze %gather3A_538 : memref<1x64x128xf32, #tpu.memory_space<vmem>> -> memref<64x128xf32, #tpu.memory_space<vmem>>
          %gather3A_540 = tpu.vector_load_idx %gather3A_539[%add3A_328, %and3A_535] : memref<64x128xf32, #tpu.memory_space<vmem>>[vector<16xi32>, vector<16xi32>], vector<16xf32>,
          %gather3A_541 = arith.constant 0 : i32
          %gather3A_542 = arith.constant 0 : i32
          %gather3A_543 = tpu.memref_slice %arg8[%scan3A_236, %gather3A_541, %gather3A_542] : memref<2x64x128xf32, #tpu.memory_space<vmem>> -> memref<1x64x128xf32, #tpu.memory_space<vmem>>
          %gather3A_544 = tpu.memref_squeeze %gather3A_543 : memref<1x64x128xf32, #tpu.memory_space<vmem>> -> memref<64x128xf32, #tpu.memory_space<vmem>>
          %gather3A_545 = tpu.vector_load_idx %gather3A_544[%add3A_328, %and3A_535] : memref<64x128xf32, #tpu.memory_space<vmem>>[vector<16xi32>, vector<16xi32>], vector<16xf32>,
          %mul3A_546 = arith.mulf %gather3A_540, %gather3A_545 : vector<16xf32>
          %add3A_547 = arith.addf %add3A_475, %mul3A_546 : vector<16xf32>
          %add3A_548 = arith.constant 1 : i32
          %add3A_549 = vector.broadcast %add3A_548 : i32 to vector<16xi32>
          %add3A_550 = arith.addi %and3A_535, %add3A_549 : vector<16xi32>
          %and3A_551 = arith.constant 127 : i32
          %and3A_552 = vector.broadcast %and3A_551 : i32 to vector<16xi32>
          %and3A_553 = arith.andi %add3A_550, %and3A_552 : vector<16xi32>
          %gather3A_554 = arith.constant 0 : i32
          %gather3A_555 = arith.constant 0 : i32
          %gather3A_556 = tpu.memref_slice %arg7[%scan3A, %gather3A_554, %gather3A_555] : memref<2x64x128xf32, #tpu.memory_space<vmem>> -> memref<1x64x128xf32, #tpu.memory_space<vmem>>
          %gather3A_557 = tpu.memref_squeeze %gather3A_556 : memref<1x64x128xf32, #tpu.memory_space<vmem>> -> memref<64x128xf32, #tpu.memory_space<vmem>>
          %gather3A_558 = tpu.vector_load_idx %gather3A_557[%add3A_328, %and3A_553] : memref<64x128xf32, #tpu.memory_space<vmem>>[vector<16xi32>, vector<16xi32>], vector<16xf32>,
          %gather3A_559 = arith.constant 0 : i32
          %gather3A_560 = arith.constant 0 : i32
          %gather3A_561 = tpu.memref_slice %arg8[%scan3A_236, %gather3A_559, %gather3A_560] : memref<2x64x128xf32, #tpu.memory_space<vmem>> -> memref<1x64x128xf32, #tpu.memory_space<vmem>>
          %gather3A_562 = tpu.memref_squeeze %gather3A_561 : memref<1x64x128xf32, #tpu.memory_space<vmem>> -> memref<64x128xf32, #tpu.memory_space<vmem>>
          %gather3A_563 = tpu.vector_load_idx %gather3A_562[%add3A_328, %and3A_553] : memref<64x128xf32, #tpu.memory_space<vmem>>[vector<16xi32>, vector<16xi32>], vector<16xf32>,
          %mul3A_564 = arith.mulf %gather3A_558, %gather3A_563 : vector<16xf32>
          %add3A_565 = arith.addf %add3A_493, %mul3A_564 : vector<16xf32>
          %add3A_566 = arith.constant 1 : i32
          %add3A_567 = vector.broadcast %add3A_566 : i32 to vector<16xi32>
          %add3A_568 = arith.addi %and3A_553, %add3A_567 : vector<16xi32>
          %and3A_569 = arith.constant 127 : i32
          %and3A_570 = vector.broadcast %and3A_569 : i32 to vector<16xi32>
          %and3A_571 = arith.andi %add3A_568, %and3A_570 : vector<16xi32>
          %gather3A_572 = arith.constant 0 : i32
          %gather3A_573 = arith.constant 0 : i32
          %gather3A_574 = tpu.memref_slice %arg7[%scan3A, %gather3A_572, %gather3A_573] : memref<2x64x128xf32, #tpu.memory_space<vmem>> -> memref<1x64x128xf32, #tpu.memory_space<vmem>>
          %gather3A_575 = tpu.memref_squeeze %gather3A_574 : memref<1x64x128xf32, #tpu.memory_space<vmem>> -> memref<64x128xf32, #tpu.memory_space<vmem>>
          %gather3A_576 = tpu.vector_load_idx %gather3A_575[%add3A_328, %and3A_571] : memref<64x128xf32, #tpu.memory_space<vmem>>[vector<16xi32>, vector<16xi32>], vector<16xf32>,
          %gather3A_577 = arith.constant 0 : i32
          %gather3A_578 = arith.constant 0 : i32
          %gather3A_579 = tpu.memref_slice %arg8[%scan3A_236, %gather3A_577, %gather3A_578] : memref<2x64x128xf32, #tpu.memory_space<vmem>> -> memref<1x64x128xf32, #tpu.memory_space<vmem>>
          %gather3A_580 = tpu.memref_squeeze %gather3A_579 : memref<1x64x128xf32, #tpu.memory_space<vmem>> -> memref<64x128xf32, #tpu.memory_space<vmem>>
          %gather3A_581 = tpu.vector_load_idx %gather3A_580[%add3A_328, %and3A_571] : memref<64x128xf32, #tpu.memory_space<vmem>>[vector<16xi32>, vector<16xi32>], vector<16xf32>,
          %mul3A_582 = arith.mulf %gather3A_576, %gather3A_581 : vector<16xf32>
          %add3A_583 = arith.addf %add3A_511, %mul3A_582 : vector<16xf32>
          %add3A_584 = arith.constant 1 : i32
          %add3A_585 = vector.broadcast %add3A_584 : i32 to vector<16xi32>
          %add3A_586 = arith.addi %and3A_571, %add3A_585 : vector<16xi32>
          %and3A_587 = arith.constant 127 : i32
          %and3A_588 = vector.broadcast %and3A_587 : i32 to vector<16xi32>
          %and3A_589 = arith.andi %add3A_586, %and3A_588 : vector<16xi32>
          %gather3A_590 = arith.constant 0 : i32
          %gather3A_591 = arith.constant 0 : i32
          %gather3A_592 = tpu.memref_slice %arg7[%scan3A, %gather3A_590, %gather3A_591] : memref<2x64x128xf32, #tpu.memory_space<vmem>> -> memref<1x64x128xf32, #tpu.memory_space<vmem>>
          %gather3A_593 = tpu.memref_squeeze %gather3A_592 : memref<1x64x128xf32, #tpu.memory_space<vmem>> -> memref<64x128xf32, #tpu.memory_space<vmem>>
          %gather3A_594 = tpu.vector_load_idx %gather3A_593[%add3A_328, %and3A_589] : memref<64x128xf32, #tpu.memory_space<vmem>>[vector<16xi32>, vector<16xi32>], vector<16xf32>,
          %gather3A_595 = arith.constant 0 : i32
          %gather3A_596 = arith.constant 0 : i32
          %gather3A_597 = tpu.memref_slice %arg8[%scan3A_236, %gather3A_595, %gather3A_596] : memref<2x64x128xf32, #tpu.memory_space<vmem>> -> memref<1x64x128xf32, #tpu.memory_space<vmem>>
          %gather3A_598 = tpu.memref_squeeze %gather3A_597 : memref<1x64x128xf32, #tpu.memory_space<vmem>> -> memref<64x128xf32, #tpu.memory_space<vmem>>
          %gather3A_599 = tpu.vector_load_idx %gather3A_598[%add3A_328, %and3A_589] : memref<64x128xf32, #tpu.memory_space<vmem>>[vector<16xi32>, vector<16xi32>], vector<16xf32>,
          %mul3A_600 = arith.mulf %gather3A_594, %gather3A_599 : vector<16xf32>
          %add3A_601 = arith.addf %add3A_529, %mul3A_600 : vector<16xf32>
          %add3A_602 = arith.constant 1 : i32
          %add3A_603 = vector.broadcast %add3A_602 : i32 to vector<16xi32>
          %add3A_604 = arith.addi %and3A_589, %add3A_603 : vector<16xi32>
          %and3A_605 = arith.constant 127 : i32
          %and3A_606 = vector.broadcast %and3A_605 : i32 to vector<16xi32>
          %and3A_607 = arith.andi %add3A_604, %and3A_606 : vector<16xi32>
          %gather3A_608 = arith.constant 0 : i32
          %gather3A_609 = arith.constant 0 : i32
          %gather3A_610 = tpu.memref_slice %arg7[%scan3A, %gather3A_608, %gather3A_609] : memref<2x64x128xf32, #tpu.memory_space<vmem>> -> memref<1x64x128xf32, #tpu.memory_space<vmem>>
          %gather3A_611 = tpu.memref_squeeze %gather3A_610 : memref<1x64x128xf32, #tpu.memory_space<vmem>> -> memref<64x128xf32, #tpu.memory_space<vmem>>
          %gather3A_612 = tpu.vector_load_idx %gather3A_611[%add3A_328, %and3A_607] : memref<64x128xf32, #tpu.memory_space<vmem>>[vector<16xi32>, vector<16xi32>], vector<16xf32>,
          %gather3A_613 = arith.constant 0 : i32
          %gather3A_614 = arith.constant 0 : i32
          %gather3A_615 = tpu.memref_slice %arg8[%scan3A_236, %gather3A_613, %gather3A_614] : memref<2x64x128xf32, #tpu.memory_space<vmem>> -> memref<1x64x128xf32, #tpu.memory_space<vmem>>
          %gather3A_616 = tpu.memref_squeeze %gather3A_615 : memref<1x64x128xf32, #tpu.memory_space<vmem>> -> memref<64x128xf32, #tpu.memory_space<vmem>>
          %gather3A_617 = tpu.vector_load_idx %gather3A_616[%add3A_328, %and3A_607] : memref<64x128xf32, #tpu.memory_space<vmem>>[vector<16xi32>, vector<16xi32>], vector<16xf32>,
          %mul3A_618 = arith.mulf %gather3A_612, %gather3A_617 : vector<16xf32>
          %add3A_619 = arith.addf %add3A_547, %mul3A_618 : vector<16xf32>
          %add3A_620 = arith.constant 1 : i32
          %add3A_621 = vector.broadcast %add3A_620 : i32 to vector<16xi32>
          %add3A_622 = arith.addi %and3A_607, %add3A_621 : vector<16xi32>
          %and3A_623 = arith.constant 127 : i32
          %and3A_624 = vector.broadcast %and3A_623 : i32 to vector<16xi32>
          %and3A_625 = arith.andi %add3A_622, %and3A_624 : vector<16xi32>
          %gather3A_626 = arith.constant 0 : i32
          %gather3A_627 = arith.constant 0 : i32
          %gather3A_628 = tpu.memref_slice %arg7[%scan3A, %gather3A_626, %gather3A_627] : memref<2x64x128xf32, #tpu.memory_space<vmem>> -> memref<1x64x128xf32, #tpu.memory_space<vmem>>
          %gather3A_629 = tpu.memref_squeeze %gather3A_628 : memref<1x64x128xf32, #tpu.memory_space<vmem>> -> memref<64x128xf32, #tpu.memory_space<vmem>>
          %gather3A_630 = tpu.vector_load_idx %gather3A_629[%add3A_328, %and3A_625] : memref<64x128xf32, #tpu.memory_space<vmem>>[vector<16xi32>, vector<16xi32>], vector<16xf32>,
          %gather3A_631 = arith.constant 0 : i32
          %gather3A_632 = arith.constant 0 : i32
          %gather3A_633 = tpu.memref_slice %arg8[%scan3A_236, %gather3A_631, %gather3A_632] : memref<2x64x128xf32, #tpu.memory_space<vmem>> -> memref<1x64x128xf32, #tpu.memory_space<vmem>>
          %gather3A_634 = tpu.memref_squeeze %gather3A_633 : memref<1x64x128xf32, #tpu.memory_space<vmem>> -> memref<64x128xf32, #tpu.memory_space<vmem>>
          %gather3A_635 = tpu.vector_load_idx %gather3A_634[%add3A_328, %and3A_625] : memref<64x128xf32, #tpu.memory_space<vmem>>[vector<16xi32>, vector<16xi32>], vector<16xf32>,
          %mul3A_636 = arith.mulf %gather3A_630, %gather3A_635 : vector<16xf32>
          %add3A_637 = arith.addf %add3A_565, %mul3A_636 : vector<16xf32>
          scf.yield %add3A_583, %add3A_601, %add3A_619, %add3A_637 : vector<16xf32>, vector<16xf32>, vector<16xf32>, vector<16xf32>
        }
        %scan3A_335 = arith.constant 8 : i32
        %add3A_336 = arith.addf %scan3A_334#0, %scan3A_334#1 : vector<16xf32>
        %add3A_337 = arith.addf %scan3A_334#2, %scan3A_334#3 : vector<16xf32>
        %add3A_338 = arith.addf %add3A_336, %add3A_337 : vector<16xf32>
        %mul3A_339 = arith.constant 16 : i32
        %mul3A_340 = arith.muli %scan3A_323, %mul3A_339 : i32
        %swap3A = arith.constant 0 : i32
        %swap3A_341 = arith.index_cast %swap3A : i32 to index
        %swap3A_342 = arith.index_cast %mul3A_340 : i32 to index
        %swap3A_343 = tpu.vector_load %arg9[%swap3A_341, %swap3A_342] {strides = array<i32>} : memref<2x64xf32, #tpu.memory_space<vmem>>, vector<16xf32>,
        tpu.vector_store %arg9[%swap3A_341, %swap3A_342], %add3A_338 {strides = array<i32>} : memref<2x64xf32, #tpu.memory_space<vmem>>, vector<16xf32>,
        %scan3A_344 = arith.constant 0 : i32
        scf.yield %scan3A_344 : i32
      }
      %scan3A_243 = arith.constant 4 : i32
      %mul3A_244 = arith.constant 64 : i32
      %mul3A_245 = arith.muli %add3A_196, %mul3A_244 : i32
      %add3A_246 = arith.addi %mul3A_2, %mul3A_245 : i32
      %dma_start3A_247 = arith.constant 0 : i32
      %dma_start3A_248 = arith.constant 0 : i32
      %dma_start3A_249 = tpu.memref_slice %arg9[%dma_start3A_247, %dma_start3A_248] : memref<2x64xf32, #tpu.memory_space<vmem>> -> memref<1x64xf32, #tpu.memory_space<vmem>>
      %dma_start3A_250 = tpu.memref_squeeze %dma_start3A_249 : memref<1x64xf32, #tpu.memory_space<vmem>> -> memref<64xf32, #tpu.memory_space<vmem>>
      %dma_start3A_251 = tpu.memref_slice %arg4[%add3A_246] : memref<320000xf32, #tpu.memory_space<hbm>> -> memref<64xf32, #tpu.memory_space<hbm>>
      %dma_start3A_252 = tpu.memref_slice %arg4[%add3A_246] : memref<320000xf32, #tpu.memory_space<hbm>> -> memref<64xf32, #tpu.memory_space<hbm>>
      %dma_start3A_253 = arith.constant 0 : i32
      %dma_start3A_254 = tpu.memref_slice %arg9[%dma_start3A_247, %dma_start3A_253] : memref<2x64xf32, #tpu.memory_space<vmem>> -> memref<1x64xf32, #tpu.memory_space<vmem>>
      %dma_start3A_255 = tpu.memref_squeeze %dma_start3A_254 : memref<1x64xf32, #tpu.memory_space<vmem>> -> memref<64xf32, #tpu.memory_space<vmem>>
      tpu.enqueue_dma source(%dma_start3A_255 : memref<64xf32, #tpu.memory_space<vmem>>) target(%dma_start3A_252 : memref<64xf32, #tpu.memory_space<hbm>>) target_semaphore(%arg19 : memref<!tpu.dma_semaphore, #tpu.memory_space<semaphore_mem>>)
      %mul3A_256 = arith.constant 2 : i32
      %mul3A_257 = arith.muli %mul3A_256, %while3A_191 : i32
      %add3A_258 = arith.constant 1 : i32
      %add3A_259 = arith.addi %mul3A_257, %add3A_258 : i32
      %add3A_260 = arith.constant 1 : i32
      %add3A_261 = arith.addi %add3A_259, %add3A_260 : i32
      %lt3A_262 = arith.cmpi slt, %add3A_261, %min3A_21 : i32
      %convert_element_type3A_263 = arith.extui %lt3A_262 : i1 to i32
      %cond3A_264 = arith.constant 0 : i32
      %cond3A_265 = arith.cmpi ne, %convert_element_type3A_263, %cond3A_264 : i32
      scf.if %cond3A_265 {
        %add3A_323 = arith.constant 1 : i32
        %add3A_324 = arith.addi %add3A_259, %add3A_323 : i32
        %mul3A_325 = arith.constant 64 : i32
        %mul3A_326 = arith.muli %add3A_324, %mul3A_325 : i32
        %add3A_327 = arith.addi %mul3A_2, %mul3A_326 : i32
        %dma_wait3A_328 = arith.constant 0 : i32
        %dma_wait3A_329 = arith.constant 0 : i32
        %dma_wait3A_330 = arith.constant 0 : i32
        %dma_wait3A_331 = tpu.memref_slice %arg5[%dma_wait3A_329, %dma_wait3A_330] : memref<2x64xi32, #tpu.memory_space<vmem>> -> memref<1x64xi32, #tpu.memory_space<vmem>>
        %dma_wait3A_332 = tpu.memref_squeeze %dma_wait3A_331 : memref<1x64xi32, #tpu.memory_space<vmem>> -> memref<64xi32, #tpu.memory_space<vmem>>
        %dma_wait3A_333 = tpu.memref_slice %arg3[%dma_wait3A_328, %add3A_327] : memref<2x320000xi32, #tpu.memory_space<hbm>> -> memref<1x64xi32, #tpu.memory_space<hbm>>
        %dma_wait3A_334 = tpu.memref_squeeze %dma_wait3A_333 : memref<1x64xi32, #tpu.memory_space<hbm>> -> memref<64xi32, #tpu.memory_space<hbm>>
        %dma_wait3A_335 = arith.constant 0 : i32
        %dma_wait3A_336 = tpu.memref_slice %arg5[%dma_wait3A_329, %dma_wait3A_335] : memref<2x64xi32, #tpu.memory_space<vmem>> -> memref<1x64xi32, #tpu.memory_space<vmem>>
        %dma_wait3A_337 = tpu.memref_squeeze %dma_wait3A_336 : memref<1x64xi32, #tpu.memory_space<vmem>> -> memref<64xi32, #tpu.memory_space<vmem>>
        %dma_wait3A_338 = tpu.memref_slice %arg3[%dma_wait3A_328, %add3A_327] : memref<2x320000xi32, #tpu.memory_space<hbm>> -> memref<1x64xi32, #tpu.memory_space<hbm>>
        %dma_wait3A_339 = tpu.memref_squeeze %dma_wait3A_338 : memref<1x64xi32, #tpu.memory_space<hbm>> -> memref<64xi32, #tpu.memory_space<hbm>>
        tpu.wait_dma2 semaphore(%arg15 : memref<!tpu.dma_semaphore, #tpu.memory_space<semaphore_mem>>) src(%dma_wait3A_339 : memref<64xi32, #tpu.memory_space<hbm>>) dst(%dma_wait3A_337 : memref<64xi32, #tpu.memory_space<vmem>>)
        %dma_wait3A_340 = arith.constant 1 : i32
        %dma_wait3A_341 = arith.constant 0 : i32
        %dma_wait3A_342 = arith.constant 0 : i32
        %dma_wait3A_343 = tpu.memref_slice %arg6[%dma_wait3A_341, %dma_wait3A_342] : memref<2x64xi32, #tpu.memory_space<vmem>> -> memref<1x64xi32, #tpu.memory_space<vmem>>
        %dma_wait3A_344 = tpu.memref_squeeze %dma_wait3A_343 : memref<1x64xi32, #tpu.memory_space<vmem>> -> memref<64xi32, #tpu.memory_space<vmem>>
        %dma_wait3A_345 = tpu.memref_slice %arg3[%dma_wait3A_340, %add3A_327] : memref<2x320000xi32, #tpu.memory_space<hbm>> -> memref<1x64xi32, #tpu.memory_space<hbm>>
        %dma_wait3A_346 = tpu.memref_squeeze %dma_wait3A_345 : memref<1x64xi32, #tpu.memory_space<hbm>> -> memref<64xi32, #tpu.memory_space<hbm>>
        %dma_wait3A_347 = arith.constant 0 : i32
        %dma_wait3A_348 = tpu.memref_slice %arg6[%dma_wait3A_341, %dma_wait3A_347] : memref<2x64xi32, #tpu.memory_space<vmem>> -> memref<1x64xi32, #tpu.memory_space<vmem>>
        %dma_wait3A_349 = tpu.memref_squeeze %dma_wait3A_348 : memref<1x64xi32, #tpu.memory_space<vmem>> -> memref<64xi32, #tpu.memory_space<vmem>>
        %dma_wait3A_350 = tpu.memref_slice %arg3[%dma_wait3A_340, %add3A_327] : memref<2x320000xi32, #tpu.memory_space<hbm>> -> memref<1x64xi32, #tpu.memory_space<hbm>>
        %dma_wait3A_351 = tpu.memref_squeeze %dma_wait3A_350 : memref<1x64xi32, #tpu.memory_space<hbm>> -> memref<64xi32, #tpu.memory_space<hbm>>
        tpu.wait_dma2 semaphore(%arg17 : memref<!tpu.dma_semaphore, #tpu.memory_space<semaphore_mem>>) src(%dma_wait3A_351 : memref<64xi32, #tpu.memory_space<hbm>>) dst(%dma_wait3A_349 : memref<64xi32, #tpu.memory_space<vmem>>)
        %dma_start3A_352 = arith.constant 0 : i32
        %dma_start3A_353 = arith.constant 0 : i32
        %dma_start3A_354 = arith.constant 0 : i32
        %dma_start3A_355 = arith.constant 0 : i32
        %dma_start3A_356 = tpu.memref_slice %arg7[%dma_start3A_353, %dma_start3A_354, %dma_start3A_355] : memref<2x64x128xf32, #tpu.memory_space<vmem>> -> memref<1x64x128xf32, #tpu.memory_space<vmem>>
        %dma_start3A_357 = tpu.memref_squeeze %dma_start3A_356 : memref<1x64x128xf32, #tpu.memory_space<vmem>> -> memref<64x128xf32, #tpu.memory_space<vmem>>
        %dma_start3A_358 = arith.constant 0 : i32
        %dma_start3A_359 = tpu.memref_slice %arg5[%dma_start3A_352, %dma_start3A_358] : memref<2x64xi32, #tpu.memory_space<vmem>> -> memref<1x64xi32, #tpu.memory_space<vmem>>
        %dma_start3A_360 = tpu.memref_squeeze %dma_start3A_359 : memref<1x64xi32, #tpu.memory_space<vmem>> -> memref<64xi32, #tpu.memory_space<vmem>>
        %dma_start3A_361 = arith.constant 0 : i32
        %dma_start3A_362 = arith.constant 0 : i32
        %dma_start3A_363 = tpu.memref_slice %arg10[%dma_start3A_361, %dma_start3A_362] : memref<10000x128xf32, #tpu.memory_space<vmem_shared>> -> memref<10000x128xf32, #tpu.memory_space<vmem_shared>>
        tpu.enqueue_indirect_dma source(%dma_start3A_363 : memref<10000x128xf32, #tpu.memory_space<vmem_shared>>) target(%dma_start3A_357 : memref<64x128xf32, #tpu.memory_space<vmem>>) offsets(%dma_start3A_360 : memref<64xi32, #tpu.memory_space<vmem>>) semaphore(%arg11 : memref<!tpu.dma_semaphore, #tpu.memory_space<semaphore_mem>>)
        %dma_start3A_364 = arith.constant 0 : i32
        %dma_start3A_365 = arith.constant 0 : i32
        %dma_start3A_366 = arith.constant 0 : i32
        %dma_start3A_367 = arith.constant 0 : i32
        %dma_start3A_368 = tpu.memref_slice %arg8[%dma_start3A_365, %dma_start3A_366, %dma_start3A_367] : memref<2x64x128xf32, #tpu.memory_space<vmem>> -> memref<1x64x128xf32, #tpu.memory_space<vmem>>
        %dma_start3A_369 = tpu.memref_squeeze %dma_start3A_368 : memref<1x64x128xf32, #tpu.memory_space<vmem>> -> memref<64x128xf32, #tpu.memory_space<vmem>>
        %dma_start3A_370 = arith.constant 0 : i32
        %dma_start3A_371 = tpu.memref_slice %arg6[%dma_start3A_364, %dma_start3A_370] : memref<2x64xi32, #tpu.memory_space<vmem>> -> memref<1x64xi32, #tpu.memory_space<vmem>>
        %dma_start3A_372 = tpu.memref_squeeze %dma_start3A_371 : memref<1x64xi32, #tpu.memory_space<vmem>> -> memref<64xi32, #tpu.memory_space<vmem>>
        %dma_start3A_373 = arith.constant 0 : i32
        %dma_start3A_374 = arith.constant 0 : i32
        %dma_start3A_375 = tpu.memref_slice %arg10[%dma_start3A_373, %dma_start3A_374] : memref<10000x128xf32, #tpu.memory_space<vmem_shared>> -> memref<10000x128xf32, #tpu.memory_space<vmem_shared>>
        tpu.enqueue_indirect_dma source(%dma_start3A_375 : memref<10000x128xf32, #tpu.memory_space<vmem_shared>>) target(%dma_start3A_369 : memref<64x128xf32, #tpu.memory_space<vmem>>) offsets(%dma_start3A_372 : memref<64xi32, #tpu.memory_space<vmem>>) semaphore(%arg13 : memref<!tpu.dma_semaphore, #tpu.memory_space<semaphore_mem>>)
      } else {
      }
      %dma_wait3A_266 = arith.constant 1 : i32
      %dma_wait3A_267 = arith.constant 1 : i32
      %dma_wait3A_268 = arith.constant 0 : i32
      %dma_wait3A_269 = arith.constant 0 : i32
      %dma_wait3A_270 = tpu.memref_slice %arg7[%dma_wait3A_267, %dma_wait3A_268, %dma_wait3A_269] : memref<2x64x128xf32, #tpu.memory_space<vmem>> -> memref<1x64x128xf32, #tpu.memory_space<vmem>>
      %dma_wait3A_271 = tpu.memref_squeeze %dma_wait3A_270 : memref<1x64x128xf32, #tpu.memory_space<vmem>> -> memref<64x128xf32, #tpu.memory_space<vmem>>
      %dma_wait3A_272 = arith.constant 0 : i32
      %dma_wait3A_273 = tpu.memref_slice %arg5[%dma_wait3A_266, %dma_wait3A_272] : memref<2x64xi32, #tpu.memory_space<vmem>> -> memref<1x64xi32, #tpu.memory_space<vmem>>
      %dma_wait3A_274 = tpu.memref_squeeze %dma_wait3A_273 : memref<1x64xi32, #tpu.memory_space<vmem>> -> memref<64xi32, #tpu.memory_space<vmem>>
      %dma_wait3A_275 = arith.constant 0 : i32
      %dma_wait3A_276 = arith.constant 0 : i32
      %dma_wait3A_277 = tpu.memref_slice %arg10[%dma_wait3A_275, %dma_wait3A_276] : memref<10000x128xf32, #tpu.memory_space<vmem_shared>> -> memref<10000x128xf32, #tpu.memory_space<vmem_shared>>
      tpu.wait_indirect_dma semaphore(%arg12 : memref<!tpu.dma_semaphore, #tpu.memory_space<semaphore_mem>>) src(%dma_wait3A_277 : memref<10000x128xf32, #tpu.memory_space<vmem_shared>>) dst(%dma_wait3A_271 : memref<64x128xf32, #tpu.memory_space<vmem>>)
      %dma_wait3A_278 = arith.constant 1 : i32
      %dma_wait3A_279 = arith.constant 1 : i32
      %dma_wait3A_280 = arith.constant 0 : i32
      %dma_wait3A_281 = arith.constant 0 : i32
      %dma_wait3A_282 = tpu.memref_slice %arg8[%dma_wait3A_279, %dma_wait3A_280, %dma_wait3A_281] : memref<2x64x128xf32, #tpu.memory_space<vmem>> -> memref<1x64x128xf32, #tpu.memory_space<vmem>>
      %dma_wait3A_283 = tpu.memref_squeeze %dma_wait3A_282 : memref<1x64x128xf32, #tpu.memory_space<vmem>> -> memref<64x128xf32, #tpu.memory_space<vmem>>
      %dma_wait3A_284 = arith.constant 0 : i32
      %dma_wait3A_285 = tpu.memref_slice %arg6[%dma_wait3A_278, %dma_wait3A_284] : memref<2x64xi32, #tpu.memory_space<vmem>> -> memref<1x64xi32, #tpu.memory_space<vmem>>
      %dma_wait3A_286 = tpu.memref_squeeze %dma_wait3A_285 : memref<1x64xi32, #tpu.memory_space<vmem>> -> memref<64xi32, #tpu.memory_space<vmem>>
      %dma_wait3A_287 = arith.constant 0 : i32
      %dma_wait3A_288 = arith.constant 0 : i32
      %dma_wait3A_289 = tpu.memref_slice %arg10[%dma_wait3A_287, %dma_wait3A_288] : memref<10000x128xf32, #tpu.memory_space<vmem_shared>> -> memref<10000x128xf32, #tpu.memory_space<vmem_shared>>
      tpu.wait_indirect_dma semaphore(%arg14 : memref<!tpu.dma_semaphore, #tpu.memory_space<semaphore_mem>>) src(%dma_wait3A_289 : memref<10000x128xf32, #tpu.memory_space<vmem_shared>>) dst(%dma_wait3A_283 : memref<64x128xf32, #tpu.memory_space<vmem>>)
      %add3A_290 = arith.constant 2 : i32
      %add3A_291 = arith.addi %add3A_259, %add3A_290 : i32
      %lt3A_292 = arith.cmpi slt, %add3A_291, %min3A_21 : i32
      %convert_element_type3A_293 = arith.extui %lt3A_292 : i1 to i32
      %cond3A_294 = arith.constant 0 : i32
      %cond3A_295 = arith.cmpi ne, %convert_element_type3A_293, %cond3A_294 : i32
      scf.if %cond3A_295 {
        %add3A_323 = arith.constant 2 : i32
        %add3A_324 = arith.addi %add3A_259, %add3A_323 : i32
        %mul3A_325 = arith.constant 64 : i32
        %mul3A_326 = arith.muli %add3A_324, %mul3A_325 : i32
        %add3A_327 = arith.addi %mul3A_2, %mul3A_326 : i32
        %dma_start3A_328 = arith.constant 0 : i32
        %dma_start3A_329 = arith.constant 1 : i32
        %dma_start3A_330 = arith.constant 0 : i32
        %dma_start3A_331 = tpu.memref_slice %arg5[%dma_start3A_329, %dma_start3A_330] : memref<2x64xi32, #tpu.memory_space<vmem>> -> memref<1x64xi32, #tpu.memory_space<vmem>>
        %dma_start3A_332 = tpu.memref_squeeze %dma_start3A_331 : memref<1x64xi32, #tpu.memory_space<vmem>> -> memref<64xi32, #tpu.memory_space<vmem>>
        %dma_start3A_333 = tpu.memref_slice %arg3[%dma_start3A_328, %add3A_327] : memref<2x320000xi32, #tpu.memory_space<hbm>> -> memref<1x64xi32, #tpu.memory_space<hbm>>
        %dma_start3A_334 = tpu.memref_squeeze %dma_start3A_333 : memref<1x64xi32, #tpu.memory_space<hbm>> -> memref<64xi32, #tpu.memory_space<hbm>>
        %dma_start3A_335 = arith.constant 0 : i32
        %dma_start3A_336 = tpu.memref_slice %arg5[%dma_start3A_329, %dma_start3A_335] : memref<2x64xi32, #tpu.memory_space<vmem>> -> memref<1x64xi32, #tpu.memory_space<vmem>>
        %dma_start3A_337 = tpu.memref_squeeze %dma_start3A_336 : memref<1x64xi32, #tpu.memory_space<vmem>> -> memref<64xi32, #tpu.memory_space<vmem>>
        %dma_start3A_338 = tpu.memref_slice %arg3[%dma_start3A_328, %add3A_327] : memref<2x320000xi32, #tpu.memory_space<hbm>> -> memref<1x64xi32, #tpu.memory_space<hbm>>
        %dma_start3A_339 = tpu.memref_squeeze %dma_start3A_338 : memref<1x64xi32, #tpu.memory_space<hbm>> -> memref<64xi32, #tpu.memory_space<hbm>>
        tpu.enqueue_dma source(%dma_start3A_339 : memref<64xi32, #tpu.memory_space<hbm>>) target(%dma_start3A_337 : memref<64xi32, #tpu.memory_space<vmem>>) target_semaphore(%arg16 : memref<!tpu.dma_semaphore, #tpu.memory_space<semaphore_mem>>)
        %dma_start3A_340 = arith.constant 1 : i32
        %dma_start3A_341 = arith.constant 1 : i32
        %dma_start3A_342 = arith.constant 0 : i32
        %dma_start3A_343 = tpu.memref_slice %arg6[%dma_start3A_341, %dma_start3A_342] : memref<2x64xi32, #tpu.memory_space<vmem>> -> memref<1x64xi32, #tpu.memory_space<vmem>>
        %dma_start3A_344 = tpu.memref_squeeze %dma_start3A_343 : memref<1x64xi32, #tpu.memory_space<vmem>> -> memref<64xi32, #tpu.memory_space<vmem>>
        %dma_start3A_345 = tpu.memref_slice %arg3[%dma_start3A_340, %add3A_327] : memref<2x320000xi32, #tpu.memory_space<hbm>> -> memref<1x64xi32, #tpu.memory_space<hbm>>
        %dma_start3A_346 = tpu.memref_squeeze %dma_start3A_345 : memref<1x64xi32, #tpu.memory_space<hbm>> -> memref<64xi32, #tpu.memory_space<hbm>>
        %dma_start3A_347 = arith.constant 0 : i32
        %dma_start3A_348 = tpu.memref_slice %arg6[%dma_start3A_341, %dma_start3A_347] : memref<2x64xi32, #tpu.memory_space<vmem>> -> memref<1x64xi32, #tpu.memory_space<vmem>>
        %dma_start3A_349 = tpu.memref_squeeze %dma_start3A_348 : memref<1x64xi32, #tpu.memory_space<vmem>> -> memref<64xi32, #tpu.memory_space<vmem>>
        %dma_start3A_350 = tpu.memref_slice %arg3[%dma_start3A_340, %add3A_327] : memref<2x320000xi32, #tpu.memory_space<hbm>> -> memref<1x64xi32, #tpu.memory_space<hbm>>
        %dma_start3A_351 = tpu.memref_squeeze %dma_start3A_350 : memref<1x64xi32, #tpu.memory_space<hbm>> -> memref<64xi32, #tpu.memory_space<hbm>>
        tpu.enqueue_dma source(%dma_start3A_351 : memref<64xi32, #tpu.memory_space<hbm>>) target(%dma_start3A_349 : memref<64xi32, #tpu.memory_space<vmem>>) target_semaphore(%arg18 : memref<!tpu.dma_semaphore, #tpu.memory_space<semaphore_mem>>)
      } else {
      }
      %ge3A_296 = arith.constant 2 : i32
      %ge3A_297 = arith.cmpi sge, %add3A_259, %ge3A_296 : i32
      %convert_element_type3A_298 = arith.extui %ge3A_297 : i1 to i32
      %cond3A_299 = arith.constant 0 : i32
      %cond3A_300 = arith.cmpi ne, %convert_element_type3A_298, %cond3A_299 : i32
      scf.if %cond3A_300 {
        %sub3A_323 = arith.constant 2 : i32
        %sub3A_324 = arith.subi %add3A_259, %sub3A_323 : i32
        %mul3A_325 = arith.constant 64 : i32
        %mul3A_326 = arith.muli %sub3A_324, %mul3A_325 : i32
        %add3A_327 = arith.addi %mul3A_2, %mul3A_326 : i32
        %dma_wait3A_328 = arith.constant 1 : i32
        %dma_wait3A_329 = arith.constant 0 : i32
        %dma_wait3A_330 = tpu.memref_slice %arg9[%dma_wait3A_328, %dma_wait3A_329] : memref<2x64xf32, #tpu.memory_space<vmem>> -> memref<1x64xf32, #tpu.memory_space<vmem>>
        %dma_wait3A_331 = tpu.memref_squeeze %dma_wait3A_330 : memref<1x64xf32, #tpu.memory_space<vmem>> -> memref<64xf32, #tpu.memory_space<vmem>>
        %dma_wait3A_332 = tpu.memref_slice %arg4[%add3A_327] : memref<320000xf32, #tpu.memory_space<hbm>> -> memref<64xf32, #tpu.memory_space<hbm>>
        %dma_wait3A_333 = tpu.memref_slice %arg4[%add3A_327] : memref<320000xf32, #tpu.memory_space<hbm>> -> memref<64xf32, #tpu.memory_space<hbm>>
        %dma_wait3A_334 = arith.constant 0 : i32
        %dma_wait3A_335 = tpu.memref_slice %arg9[%dma_wait3A_328, %dma_wait3A_334] : memref<2x64xf32, #tpu.memory_space<vmem>> -> memref<1x64xf32, #tpu.memory_space<vmem>>
        %dma_wait3A_336 = tpu.memref_squeeze %dma_wait3A_335 : memref<1x64xf32, #tpu.memory_space<vmem>> -> memref<64xf32, #tpu.memory_space<vmem>>
        tpu.wait_dma2 semaphore(%arg20 : memref<!tpu.dma_semaphore, #tpu.memory_space<semaphore_mem>>) src(%dma_wait3A_336 : memref<64xf32, #tpu.memory_space<vmem>>) dst(%dma_wait3A_333 : memref<64xf32, #tpu.memory_space<hbm>>)
      } else {
      }
      %scan3A_301 = arith.constant 1 : i32
      %scan3A_302 = arith.constant 1 : i32
      %scan3A_303 = arith.constant 0 : i32
      %scan3A_304 = arith.constant 0 : i32
      %scan3A_305 = arith.constant 4 : i32
      %scan3A_306 = arith.addi %scan3A_304, %scan3A_305 : i32
      %scan3A_307 = arith.constant 1 : i32
      %scan3A_308 = scf.for %scan3A_323 = %scan3A_304 to %scan3A_306 step %scan3A_307 iter_args(%scan3A_324 = %scan3A_303) -> (i32)  : i32 {
        %mul3A_325 = arith.constant 16 : i32
        %mul3A_326 = arith.muli %scan3A_323, %mul3A_325 : i32
        %add3A_327 = vector.broadcast %mul3A_326 : i32 to vector<16xi32>
        %add3A_328 = arith.addi %add3A_327, %iota3A : vector<16xi32>
        %broadcast_in_dim3A = arith.constant 0.000000e+00 : f32
        %broadcast_in_dim3A_329 = vector.broadcast %broadcast_in_dim3A : f32 to vector<16xf32>
        %scan3A_330 = arith.constant 0 : i32
        %scan3A_331 = arith.constant 8 : i32
        %scan3A_332 = arith.addi %scan3A_330, %scan3A_331 : i32
        %scan3A_333 = arith.constant 1 : i32
        %scan3A_334:4 = scf.for %scan3A_345 = %scan3A_330 to %scan3A_332 step %scan3A_333 iter_args(%scan3A_346 = %broadcast_in_dim3A_329, %scan3A_347 = %broadcast_in_dim3A_329, %scan3A_348 = %broadcast_in_dim3A_329, %scan3A_349 = %broadcast_in_dim3A_329) -> (vector<16xf32>, vector<16xf32>, vector<16xf32>, vector<16xf32>)  : i32 {
          %mul3A_350 = arith.constant 16 : i32
          %mul3A_351 = arith.muli %scan3A_345, %mul3A_350 : i32
          %add3A_352 = vector.broadcast %mul3A_351 : i32 to vector<16xi32>
          %add3A_353 = arith.addi %iota3A, %add3A_352 : vector<16xi32>
          %and3A_354 = arith.constant 127 : i32
          %and3A_355 = vector.broadcast %and3A_354 : i32 to vector<16xi32>
          %and3A_356 = arith.andi %add3A_353, %and3A_355 : vector<16xi32>
          %gather3A = arith.constant 0 : i32
          %gather3A_357 = arith.constant 0 : i32
          %gather3A_358 = tpu.memref_slice %arg7[%scan3A_301, %gather3A, %gather3A_357] : memref<2x64x128xf32, #tpu.memory_space<vmem>> -> memref<1x64x128xf32, #tpu.memory_space<vmem>>
          %gather3A_359 = tpu.memref_squeeze %gather3A_358 : memref<1x64x128xf32, #tpu.memory_space<vmem>> -> memref<64x128xf32, #tpu.memory_space<vmem>>
          %gather3A_360 = tpu.vector_load_idx %gather3A_359[%add3A_328, %and3A_356] : memref<64x128xf32, #tpu.memory_space<vmem>>[vector<16xi32>, vector<16xi32>], vector<16xf32>,
          %gather3A_361 = arith.constant 0 : i32
          %gather3A_362 = arith.constant 0 : i32
          %gather3A_363 = tpu.memref_slice %arg8[%scan3A_302, %gather3A_361, %gather3A_362] : memref<2x64x128xf32, #tpu.memory_space<vmem>> -> memref<1x64x128xf32, #tpu.memory_space<vmem>>
          %gather3A_364 = tpu.memref_squeeze %gather3A_363 : memref<1x64x128xf32, #tpu.memory_space<vmem>> -> memref<64x128xf32, #tpu.memory_space<vmem>>
          %gather3A_365 = tpu.vector_load_idx %gather3A_364[%add3A_328, %and3A_356] : memref<64x128xf32, #tpu.memory_space<vmem>>[vector<16xi32>, vector<16xi32>], vector<16xf32>,
          %mul3A_366 = arith.mulf %gather3A_360, %gather3A_365 : vector<16xf32>
          %add3A_367 = arith.addf %scan3A_346, %mul3A_366 : vector<16xf32>
          %add3A_368 = arith.constant 1 : i32
          %add3A_369 = vector.broadcast %add3A_368 : i32 to vector<16xi32>
          %add3A_370 = arith.addi %and3A_356, %add3A_369 : vector<16xi32>
          %and3A_371 = arith.constant 127 : i32
          %and3A_372 = vector.broadcast %and3A_371 : i32 to vector<16xi32>
          %and3A_373 = arith.andi %add3A_370, %and3A_372 : vector<16xi32>
          %gather3A_374 = arith.constant 0 : i32
          %gather3A_375 = arith.constant 0 : i32
          %gather3A_376 = tpu.memref_slice %arg7[%scan3A_301, %gather3A_374, %gather3A_375] : memref<2x64x128xf32, #tpu.memory_space<vmem>> -> memref<1x64x128xf32, #tpu.memory_space<vmem>>
          %gather3A_377 = tpu.memref_squeeze %gather3A_376 : memref<1x64x128xf32, #tpu.memory_space<vmem>> -> memref<64x128xf32, #tpu.memory_space<vmem>>
          %gather3A_378 = tpu.vector_load_idx %gather3A_377[%add3A_328, %and3A_373] : memref<64x128xf32, #tpu.memory_space<vmem>>[vector<16xi32>, vector<16xi32>], vector<16xf32>,
          %gather3A_379 = arith.constant 0 : i32
          %gather3A_380 = arith.constant 0 : i32
          %gather3A_381 = tpu.memref_slice %arg8[%scan3A_302, %gather3A_379, %gather3A_380] : memref<2x64x128xf32, #tpu.memory_space<vmem>> -> memref<1x64x128xf32, #tpu.memory_space<vmem>>
          %gather3A_382 = tpu.memref_squeeze %gather3A_381 : memref<1x64x128xf32, #tpu.memory_space<vmem>> -> memref<64x128xf32, #tpu.memory_space<vmem>>
          %gather3A_383 = tpu.vector_load_idx %gather3A_382[%add3A_328, %and3A_373] : memref<64x128xf32, #tpu.memory_space<vmem>>[vector<16xi32>, vector<16xi32>], vector<16xf32>,
          %mul3A_384 = arith.mulf %gather3A_378, %gather3A_383 : vector<16xf32>
          %add3A_385 = arith.addf %scan3A_347, %mul3A_384 : vector<16xf32>
          %add3A_386 = arith.constant 1 : i32
          %add3A_387 = vector.broadcast %add3A_386 : i32 to vector<16xi32>
          %add3A_388 = arith.addi %and3A_373, %add3A_387 : vector<16xi32>
          %and3A_389 = arith.constant 127 : i32
          %and3A_390 = vector.broadcast %and3A_389 : i32 to vector<16xi32>
          %and3A_391 = arith.andi %add3A_388, %and3A_390 : vector<16xi32>
          %gather3A_392 = arith.constant 0 : i32
          %gather3A_393 = arith.constant 0 : i32
          %gather3A_394 = tpu.memref_slice %arg7[%scan3A_301, %gather3A_392, %gather3A_393] : memref<2x64x128xf32, #tpu.memory_space<vmem>> -> memref<1x64x128xf32, #tpu.memory_space<vmem>>
          %gather3A_395 = tpu.memref_squeeze %gather3A_394 : memref<1x64x128xf32, #tpu.memory_space<vmem>> -> memref<64x128xf32, #tpu.memory_space<vmem>>
          %gather3A_396 = tpu.vector_load_idx %gather3A_395[%add3A_328, %and3A_391] : memref<64x128xf32, #tpu.memory_space<vmem>>[vector<16xi32>, vector<16xi32>], vector<16xf32>,
          %gather3A_397 = arith.constant 0 : i32
          %gather3A_398 = arith.constant 0 : i32
          %gather3A_399 = tpu.memref_slice %arg8[%scan3A_302, %gather3A_397, %gather3A_398] : memref<2x64x128xf32, #tpu.memory_space<vmem>> -> memref<1x64x128xf32, #tpu.memory_space<vmem>>
          %gather3A_400 = tpu.memref_squeeze %gather3A_399 : memref<1x64x128xf32, #tpu.memory_space<vmem>> -> memref<64x128xf32, #tpu.memory_space<vmem>>
          %gather3A_401 = tpu.vector_load_idx %gather3A_400[%add3A_328, %and3A_391] : memref<64x128xf32, #tpu.memory_space<vmem>>[vector<16xi32>, vector<16xi32>], vector<16xf32>,
          %mul3A_402 = arith.mulf %gather3A_396, %gather3A_401 : vector<16xf32>
          %add3A_403 = arith.addf %scan3A_348, %mul3A_402 : vector<16xf32>
          %add3A_404 = arith.constant 1 : i32
          %add3A_405 = vector.broadcast %add3A_404 : i32 to vector<16xi32>
          %add3A_406 = arith.addi %and3A_391, %add3A_405 : vector<16xi32>
          %and3A_407 = arith.constant 127 : i32
          %and3A_408 = vector.broadcast %and3A_407 : i32 to vector<16xi32>
          %and3A_409 = arith.andi %add3A_406, %and3A_408 : vector<16xi32>
          %gather3A_410 = arith.constant 0 : i32
          %gather3A_411 = arith.constant 0 : i32
          %gather3A_412 = tpu.memref_slice %arg7[%scan3A_301, %gather3A_410, %gather3A_411] : memref<2x64x128xf32, #tpu.memory_space<vmem>> -> memref<1x64x128xf32, #tpu.memory_space<vmem>>
          %gather3A_413 = tpu.memref_squeeze %gather3A_412 : memref<1x64x128xf32, #tpu.memory_space<vmem>> -> memref<64x128xf32, #tpu.memory_space<vmem>>
          %gather3A_414 = tpu.vector_load_idx %gather3A_413[%add3A_328, %and3A_409] : memref<64x128xf32, #tpu.memory_space<vmem>>[vector<16xi32>, vector<16xi32>], vector<16xf32>,
          %gather3A_415 = arith.constant 0 : i32
          %gather3A_416 = arith.constant 0 : i32
          %gather3A_417 = tpu.memref_slice %arg8[%scan3A_302, %gather3A_415, %gather3A_416] : memref<2x64x128xf32, #tpu.memory_space<vmem>> -> memref<1x64x128xf32, #tpu.memory_space<vmem>>
          %gather3A_418 = tpu.memref_squeeze %gather3A_417 : memref<1x64x128xf32, #tpu.memory_space<vmem>> -> memref<64x128xf32, #tpu.memory_space<vmem>>
          %gather3A_419 = tpu.vector_load_idx %gather3A_418[%add3A_328, %and3A_409] : memref<64x128xf32, #tpu.memory_space<vmem>>[vector<16xi32>, vector<16xi32>], vector<16xf32>,
          %mul3A_420 = arith.mulf %gather3A_414, %gather3A_419 : vector<16xf32>
          %add3A_421 = arith.addf %scan3A_349, %mul3A_420 : vector<16xf32>
          %add3A_422 = arith.constant 1 : i32
          %add3A_423 = vector.broadcast %add3A_422 : i32 to vector<16xi32>
          %add3A_424 = arith.addi %and3A_409, %add3A_423 : vector<16xi32>
          %and3A_425 = arith.constant 127 : i32
          %and3A_426 = vector.broadcast %and3A_425 : i32 to vector<16xi32>
          %and3A_427 = arith.andi %add3A_424, %and3A_426 : vector<16xi32>
          %gather3A_428 = arith.constant 0 : i32
          %gather3A_429 = arith.constant 0 : i32
          %gather3A_430 = tpu.memref_slice %arg7[%scan3A_301, %gather3A_428, %gather3A_429] : memref<2x64x128xf32, #tpu.memory_space<vmem>> -> memref<1x64x128xf32, #tpu.memory_space<vmem>>
          %gather3A_431 = tpu.memref_squeeze %gather3A_430 : memref<1x64x128xf32, #tpu.memory_space<vmem>> -> memref<64x128xf32, #tpu.memory_space<vmem>>
          %gather3A_432 = tpu.vector_load_idx %gather3A_431[%add3A_328, %and3A_427] : memref<64x128xf32, #tpu.memory_space<vmem>>[vector<16xi32>, vector<16xi32>], vector<16xf32>,
          %gather3A_433 = arith.constant 0 : i32
          %gather3A_434 = arith.constant 0 : i32
          %gather3A_435 = tpu.memref_slice %arg8[%scan3A_302, %gather3A_433, %gather3A_434] : memref<2x64x128xf32, #tpu.memory_space<vmem>> -> memref<1x64x128xf32, #tpu.memory_space<vmem>>
          %gather3A_436 = tpu.memref_squeeze %gather3A_435 : memref<1x64x128xf32, #tpu.memory_space<vmem>> -> memref<64x128xf32, #tpu.memory_space<vmem>>
          %gather3A_437 = tpu.vector_load_idx %gather3A_436[%add3A_328, %and3A_427] : memref<64x128xf32, #tpu.memory_space<vmem>>[vector<16xi32>, vector<16xi32>], vector<16xf32>,
          %mul3A_438 = arith.mulf %gather3A_432, %gather3A_437 : vector<16xf32>
          %add3A_439 = arith.addf %add3A_367, %mul3A_438 : vector<16xf32>
          %add3A_440 = arith.constant 1 : i32
          %add3A_441 = vector.broadcast %add3A_440 : i32 to vector<16xi32>
          %add3A_442 = arith.addi %and3A_427, %add3A_441 : vector<16xi32>
          %and3A_443 = arith.constant 127 : i32
          %and3A_444 = vector.broadcast %and3A_443 : i32 to vector<16xi32>
          %and3A_445 = arith.andi %add3A_442, %and3A_444 : vector<16xi32>
          %gather3A_446 = arith.constant 0 : i32
          %gather3A_447 = arith.constant 0 : i32
          %gather3A_448 = tpu.memref_slice %arg7[%scan3A_301, %gather3A_446, %gather3A_447] : memref<2x64x128xf32, #tpu.memory_space<vmem>> -> memref<1x64x128xf32, #tpu.memory_space<vmem>>
          %gather3A_449 = tpu.memref_squeeze %gather3A_448 : memref<1x64x128xf32, #tpu.memory_space<vmem>> -> memref<64x128xf32, #tpu.memory_space<vmem>>
          %gather3A_450 = tpu.vector_load_idx %gather3A_449[%add3A_328, %and3A_445] : memref<64x128xf32, #tpu.memory_space<vmem>>[vector<16xi32>, vector<16xi32>], vector<16xf32>,
          %gather3A_451 = arith.constant 0 : i32
          %gather3A_452 = arith.constant 0 : i32
          %gather3A_453 = tpu.memref_slice %arg8[%scan3A_302, %gather3A_451, %gather3A_452] : memref<2x64x128xf32, #tpu.memory_space<vmem>> -> memref<1x64x128xf32, #tpu.memory_space<vmem>>
          %gather3A_454 = tpu.memref_squeeze %gather3A_453 : memref<1x64x128xf32, #tpu.memory_space<vmem>> -> memref<64x128xf32, #tpu.memory_space<vmem>>
          %gather3A_455 = tpu.vector_load_idx %gather3A_454[%add3A_328, %and3A_445] : memref<64x128xf32, #tpu.memory_space<vmem>>[vector<16xi32>, vector<16xi32>], vector<16xf32>,
          %mul3A_456 = arith.mulf %gather3A_450, %gather3A_455 : vector<16xf32>
          %add3A_457 = arith.addf %add3A_385, %mul3A_456 : vector<16xf32>
          %add3A_458 = arith.constant 1 : i32
          %add3A_459 = vector.broadcast %add3A_458 : i32 to vector<16xi32>
          %add3A_460 = arith.addi %and3A_445, %add3A_459 : vector<16xi32>
          %and3A_461 = arith.constant 127 : i32
          %and3A_462 = vector.broadcast %and3A_461 : i32 to vector<16xi32>
          %and3A_463 = arith.andi %add3A_460, %and3A_462 : vector<16xi32>
          %gather3A_464 = arith.constant 0 : i32
          %gather3A_465 = arith.constant 0 : i32
          %gather3A_466 = tpu.memref_slice %arg7[%scan3A_301, %gather3A_464, %gather3A_465] : memref<2x64x128xf32, #tpu.memory_space<vmem>> -> memref<1x64x128xf32, #tpu.memory_space<vmem>>
          %gather3A_467 = tpu.memref_squeeze %gather3A_466 : memref<1x64x128xf32, #tpu.memory_space<vmem>> -> memref<64x128xf32, #tpu.memory_space<vmem>>
          %gather3A_468 = tpu.vector_load_idx %gather3A_467[%add3A_328, %and3A_463] : memref<64x128xf32, #tpu.memory_space<vmem>>[vector<16xi32>, vector<16xi32>], vector<16xf32>,
          %gather3A_469 = arith.constant 0 : i32
          %gather3A_470 = arith.constant 0 : i32
          %gather3A_471 = tpu.memref_slice %arg8[%scan3A_302, %gather3A_469, %gather3A_470] : memref<2x64x128xf32, #tpu.memory_space<vmem>> -> memref<1x64x128xf32, #tpu.memory_space<vmem>>
          %gather3A_472 = tpu.memref_squeeze %gather3A_471 : memref<1x64x128xf32, #tpu.memory_space<vmem>> -> memref<64x128xf32, #tpu.memory_space<vmem>>
          %gather3A_473 = tpu.vector_load_idx %gather3A_472[%add3A_328, %and3A_463] : memref<64x128xf32, #tpu.memory_space<vmem>>[vector<16xi32>, vector<16xi32>], vector<16xf32>,
          %mul3A_474 = arith.mulf %gather3A_468, %gather3A_473 : vector<16xf32>
          %add3A_475 = arith.addf %add3A_403, %mul3A_474 : vector<16xf32>
          %add3A_476 = arith.constant 1 : i32
          %add3A_477 = vector.broadcast %add3A_476 : i32 to vector<16xi32>
          %add3A_478 = arith.addi %and3A_463, %add3A_477 : vector<16xi32>
          %and3A_479 = arith.constant 127 : i32
          %and3A_480 = vector.broadcast %and3A_479 : i32 to vector<16xi32>
          %and3A_481 = arith.andi %add3A_478, %and3A_480 : vector<16xi32>
          %gather3A_482 = arith.constant 0 : i32
          %gather3A_483 = arith.constant 0 : i32
          %gather3A_484 = tpu.memref_slice %arg7[%scan3A_301, %gather3A_482, %gather3A_483] : memref<2x64x128xf32, #tpu.memory_space<vmem>> -> memref<1x64x128xf32, #tpu.memory_space<vmem>>
          %gather3A_485 = tpu.memref_squeeze %gather3A_484 : memref<1x64x128xf32, #tpu.memory_space<vmem>> -> memref<64x128xf32, #tpu.memory_space<vmem>>
          %gather3A_486 = tpu.vector_load_idx %gather3A_485[%add3A_328, %and3A_481] : memref<64x128xf32, #tpu.memory_space<vmem>>[vector<16xi32>, vector<16xi32>], vector<16xf32>,
          %gather3A_487 = arith.constant 0 : i32
          %gather3A_488 = arith.constant 0 : i32
          %gather3A_489 = tpu.memref_slice %arg8[%scan3A_302, %gather3A_487, %gather3A_488] : memref<2x64x128xf32, #tpu.memory_space<vmem>> -> memref<1x64x128xf32, #tpu.memory_space<vmem>>
          %gather3A_490 = tpu.memref_squeeze %gather3A_489 : memref<1x64x128xf32, #tpu.memory_space<vmem>> -> memref<64x128xf32, #tpu.memory_space<vmem>>
          %gather3A_491 = tpu.vector_load_idx %gather3A_490[%add3A_328, %and3A_481] : memref<64x128xf32, #tpu.memory_space<vmem>>[vector<16xi32>, vector<16xi32>], vector<16xf32>,
          %mul3A_492 = arith.mulf %gather3A_486, %gather3A_491 : vector<16xf32>
          %add3A_493 = arith.addf %add3A_421, %mul3A_492 : vector<16xf32>
          %add3A_494 = arith.constant 1 : i32
          %add3A_495 = vector.broadcast %add3A_494 : i32 to vector<16xi32>
          %add3A_496 = arith.addi %and3A_481, %add3A_495 : vector<16xi32>
          %and3A_497 = arith.constant 127 : i32
          %and3A_498 = vector.broadcast %and3A_497 : i32 to vector<16xi32>
          %and3A_499 = arith.andi %add3A_496, %and3A_498 : vector<16xi32>
          %gather3A_500 = arith.constant 0 : i32
          %gather3A_501 = arith.constant 0 : i32
          %gather3A_502 = tpu.memref_slice %arg7[%scan3A_301, %gather3A_500, %gather3A_501] : memref<2x64x128xf32, #tpu.memory_space<vmem>> -> memref<1x64x128xf32, #tpu.memory_space<vmem>>
          %gather3A_503 = tpu.memref_squeeze %gather3A_502 : memref<1x64x128xf32, #tpu.memory_space<vmem>> -> memref<64x128xf32, #tpu.memory_space<vmem>>
          %gather3A_504 = tpu.vector_load_idx %gather3A_503[%add3A_328, %and3A_499] : memref<64x128xf32, #tpu.memory_space<vmem>>[vector<16xi32>, vector<16xi32>], vector<16xf32>,
          %gather3A_505 = arith.constant 0 : i32
          %gather3A_506 = arith.constant 0 : i32
          %gather3A_507 = tpu.memref_slice %arg8[%scan3A_302, %gather3A_505, %gather3A_506] : memref<2x64x128xf32, #tpu.memory_space<vmem>> -> memref<1x64x128xf32, #tpu.memory_space<vmem>>
          %gather3A_508 = tpu.memref_squeeze %gather3A_507 : memref<1x64x128xf32, #tpu.memory_space<vmem>> -> memref<64x128xf32, #tpu.memory_space<vmem>>
          %gather3A_509 = tpu.vector_load_idx %gather3A_508[%add3A_328, %and3A_499] : memref<64x128xf32, #tpu.memory_space<vmem>>[vector<16xi32>, vector<16xi32>], vector<16xf32>,
          %mul3A_510 = arith.mulf %gather3A_504, %gather3A_509 : vector<16xf32>
          %add3A_511 = arith.addf %add3A_439, %mul3A_510 : vector<16xf32>
          %add3A_512 = arith.constant 1 : i32
          %add3A_513 = vector.broadcast %add3A_512 : i32 to vector<16xi32>
          %add3A_514 = arith.addi %and3A_499, %add3A_513 : vector<16xi32>
          %and3A_515 = arith.constant 127 : i32
          %and3A_516 = vector.broadcast %and3A_515 : i32 to vector<16xi32>
          %and3A_517 = arith.andi %add3A_514, %and3A_516 : vector<16xi32>
          %gather3A_518 = arith.constant 0 : i32
          %gather3A_519 = arith.constant 0 : i32
          %gather3A_520 = tpu.memref_slice %arg7[%scan3A_301, %gather3A_518, %gather3A_519] : memref<2x64x128xf32, #tpu.memory_space<vmem>> -> memref<1x64x128xf32, #tpu.memory_space<vmem>>
          %gather3A_521 = tpu.memref_squeeze %gather3A_520 : memref<1x64x128xf32, #tpu.memory_space<vmem>> -> memref<64x128xf32, #tpu.memory_space<vmem>>
          %gather3A_522 = tpu.vector_load_idx %gather3A_521[%add3A_328, %and3A_517] : memref<64x128xf32, #tpu.memory_space<vmem>>[vector<16xi32>, vector<16xi32>], vector<16xf32>,
          %gather3A_523 = arith.constant 0 : i32
          %gather3A_524 = arith.constant 0 : i32
          %gather3A_525 = tpu.memref_slice %arg8[%scan3A_302, %gather3A_523, %gather3A_524] : memref<2x64x128xf32, #tpu.memory_space<vmem>> -> memref<1x64x128xf32, #tpu.memory_space<vmem>>
          %gather3A_526 = tpu.memref_squeeze %gather3A_525 : memref<1x64x128xf32, #tpu.memory_space<vmem>> -> memref<64x128xf32, #tpu.memory_space<vmem>>
          %gather3A_527 = tpu.vector_load_idx %gather3A_526[%add3A_328, %and3A_517] : memref<64x128xf32, #tpu.memory_space<vmem>>[vector<16xi32>, vector<16xi32>], vector<16xf32>,
          %mul3A_528 = arith.mulf %gather3A_522, %gather3A_527 : vector<16xf32>
          %add3A_529 = arith.addf %add3A_457, %mul3A_528 : vector<16xf32>
          %add3A_530 = arith.constant 1 : i32
          %add3A_531 = vector.broadcast %add3A_530 : i32 to vector<16xi32>
          %add3A_532 = arith.addi %and3A_517, %add3A_531 : vector<16xi32>
          %and3A_533 = arith.constant 127 : i32
          %and3A_534 = vector.broadcast %and3A_533 : i32 to vector<16xi32>
          %and3A_535 = arith.andi %add3A_532, %and3A_534 : vector<16xi32>
          %gather3A_536 = arith.constant 0 : i32
          %gather3A_537 = arith.constant 0 : i32
          %gather3A_538 = tpu.memref_slice %arg7[%scan3A_301, %gather3A_536, %gather3A_537] : memref<2x64x128xf32, #tpu.memory_space<vmem>> -> memref<1x64x128xf32, #tpu.memory_space<vmem>>
          %gather3A_539 = tpu.memref_squeeze %gather3A_538 : memref<1x64x128xf32, #tpu.memory_space<vmem>> -> memref<64x128xf32, #tpu.memory_space<vmem>>
          %gather3A_540 = tpu.vector_load_idx %gather3A_539[%add3A_328, %and3A_535] : memref<64x128xf32, #tpu.memory_space<vmem>>[vector<16xi32>, vector<16xi32>], vector<16xf32>,
          %gather3A_541 = arith.constant 0 : i32
          %gather3A_542 = arith.constant 0 : i32
          %gather3A_543 = tpu.memref_slice %arg8[%scan3A_302, %gather3A_541, %gather3A_542] : memref<2x64x128xf32, #tpu.memory_space<vmem>> -> memref<1x64x128xf32, #tpu.memory_space<vmem>>
          %gather3A_544 = tpu.memref_squeeze %gather3A_543 : memref<1x64x128xf32, #tpu.memory_space<vmem>> -> memref<64x128xf32, #tpu.memory_space<vmem>>
          %gather3A_545 = tpu.vector_load_idx %gather3A_544[%add3A_328, %and3A_535] : memref<64x128xf32, #tpu.memory_space<vmem>>[vector<16xi32>, vector<16xi32>], vector<16xf32>,
          %mul3A_546 = arith.mulf %gather3A_540, %gather3A_545 : vector<16xf32>
          %add3A_547 = arith.addf %add3A_475, %mul3A_546 : vector<16xf32>
          %add3A_548 = arith.constant 1 : i32
          %add3A_549 = vector.broadcast %add3A_548 : i32 to vector<16xi32>
          %add3A_550 = arith.addi %and3A_535, %add3A_549 : vector<16xi32>
          %and3A_551 = arith.constant 127 : i32
          %and3A_552 = vector.broadcast %and3A_551 : i32 to vector<16xi32>
          %and3A_553 = arith.andi %add3A_550, %and3A_552 : vector<16xi32>
          %gather3A_554 = arith.constant 0 : i32
          %gather3A_555 = arith.constant 0 : i32
          %gather3A_556 = tpu.memref_slice %arg7[%scan3A_301, %gather3A_554, %gather3A_555] : memref<2x64x128xf32, #tpu.memory_space<vmem>> -> memref<1x64x128xf32, #tpu.memory_space<vmem>>
          %gather3A_557 = tpu.memref_squeeze %gather3A_556 : memref<1x64x128xf32, #tpu.memory_space<vmem>> -> memref<64x128xf32, #tpu.memory_space<vmem>>
          %gather3A_558 = tpu.vector_load_idx %gather3A_557[%add3A_328, %and3A_553] : memref<64x128xf32, #tpu.memory_space<vmem>>[vector<16xi32>, vector<16xi32>], vector<16xf32>,
          %gather3A_559 = arith.constant 0 : i32
          %gather3A_560 = arith.constant 0 : i32
          %gather3A_561 = tpu.memref_slice %arg8[%scan3A_302, %gather3A_559, %gather3A_560] : memref<2x64x128xf32, #tpu.memory_space<vmem>> -> memref<1x64x128xf32, #tpu.memory_space<vmem>>
          %gather3A_562 = tpu.memref_squeeze %gather3A_561 : memref<1x64x128xf32, #tpu.memory_space<vmem>> -> memref<64x128xf32, #tpu.memory_space<vmem>>
          %gather3A_563 = tpu.vector_load_idx %gather3A_562[%add3A_328, %and3A_553] : memref<64x128xf32, #tpu.memory_space<vmem>>[vector<16xi32>, vector<16xi32>], vector<16xf32>,
          %mul3A_564 = arith.mulf %gather3A_558, %gather3A_563 : vector<16xf32>
          %add3A_565 = arith.addf %add3A_493, %mul3A_564 : vector<16xf32>
          %add3A_566 = arith.constant 1 : i32
          %add3A_567 = vector.broadcast %add3A_566 : i32 to vector<16xi32>
          %add3A_568 = arith.addi %and3A_553, %add3A_567 : vector<16xi32>
          %and3A_569 = arith.constant 127 : i32
          %and3A_570 = vector.broadcast %and3A_569 : i32 to vector<16xi32>
          %and3A_571 = arith.andi %add3A_568, %and3A_570 : vector<16xi32>
          %gather3A_572 = arith.constant 0 : i32
          %gather3A_573 = arith.constant 0 : i32
          %gather3A_574 = tpu.memref_slice %arg7[%scan3A_301, %gather3A_572, %gather3A_573] : memref<2x64x128xf32, #tpu.memory_space<vmem>> -> memref<1x64x128xf32, #tpu.memory_space<vmem>>
          %gather3A_575 = tpu.memref_squeeze %gather3A_574 : memref<1x64x128xf32, #tpu.memory_space<vmem>> -> memref<64x128xf32, #tpu.memory_space<vmem>>
          %gather3A_576 = tpu.vector_load_idx %gather3A_575[%add3A_328, %and3A_571] : memref<64x128xf32, #tpu.memory_space<vmem>>[vector<16xi32>, vector<16xi32>], vector<16xf32>,
          %gather3A_577 = arith.constant 0 : i32
          %gather3A_578 = arith.constant 0 : i32
          %gather3A_579 = tpu.memref_slice %arg8[%scan3A_302, %gather3A_577, %gather3A_578] : memref<2x64x128xf32, #tpu.memory_space<vmem>> -> memref<1x64x128xf32, #tpu.memory_space<vmem>>
          %gather3A_580 = tpu.memref_squeeze %gather3A_579 : memref<1x64x128xf32, #tpu.memory_space<vmem>> -> memref<64x128xf32, #tpu.memory_space<vmem>>
          %gather3A_581 = tpu.vector_load_idx %gather3A_580[%add3A_328, %and3A_571] : memref<64x128xf32, #tpu.memory_space<vmem>>[vector<16xi32>, vector<16xi32>], vector<16xf32>,
          %mul3A_582 = arith.mulf %gather3A_576, %gather3A_581 : vector<16xf32>
          %add3A_583 = arith.addf %add3A_511, %mul3A_582 : vector<16xf32>
          %add3A_584 = arith.constant 1 : i32
          %add3A_585 = vector.broadcast %add3A_584 : i32 to vector<16xi32>
          %add3A_586 = arith.addi %and3A_571, %add3A_585 : vector<16xi32>
          %and3A_587 = arith.constant 127 : i32
          %and3A_588 = vector.broadcast %and3A_587 : i32 to vector<16xi32>
          %and3A_589 = arith.andi %add3A_586, %and3A_588 : vector<16xi32>
          %gather3A_590 = arith.constant 0 : i32
          %gather3A_591 = arith.constant 0 : i32
          %gather3A_592 = tpu.memref_slice %arg7[%scan3A_301, %gather3A_590, %gather3A_591] : memref<2x64x128xf32, #tpu.memory_space<vmem>> -> memref<1x64x128xf32, #tpu.memory_space<vmem>>
          %gather3A_593 = tpu.memref_squeeze %gather3A_592 : memref<1x64x128xf32, #tpu.memory_space<vmem>> -> memref<64x128xf32, #tpu.memory_space<vmem>>
          %gather3A_594 = tpu.vector_load_idx %gather3A_593[%add3A_328, %and3A_589] : memref<64x128xf32, #tpu.memory_space<vmem>>[vector<16xi32>, vector<16xi32>], vector<16xf32>,
          %gather3A_595 = arith.constant 0 : i32
          %gather3A_596 = arith.constant 0 : i32
          %gather3A_597 = tpu.memref_slice %arg8[%scan3A_302, %gather3A_595, %gather3A_596] : memref<2x64x128xf32, #tpu.memory_space<vmem>> -> memref<1x64x128xf32, #tpu.memory_space<vmem>>
          %gather3A_598 = tpu.memref_squeeze %gather3A_597 : memref<1x64x128xf32, #tpu.memory_space<vmem>> -> memref<64x128xf32, #tpu.memory_space<vmem>>
          %gather3A_599 = tpu.vector_load_idx %gather3A_598[%add3A_328, %and3A_589] : memref<64x128xf32, #tpu.memory_space<vmem>>[vector<16xi32>, vector<16xi32>], vector<16xf32>,
          %mul3A_600 = arith.mulf %gather3A_594, %gather3A_599 : vector<16xf32>
          %add3A_601 = arith.addf %add3A_529, %mul3A_600 : vector<16xf32>
          %add3A_602 = arith.constant 1 : i32
          %add3A_603 = vector.broadcast %add3A_602 : i32 to vector<16xi32>
          %add3A_604 = arith.addi %and3A_589, %add3A_603 : vector<16xi32>
          %and3A_605 = arith.constant 127 : i32
          %and3A_606 = vector.broadcast %and3A_605 : i32 to vector<16xi32>
          %and3A_607 = arith.andi %add3A_604, %and3A_606 : vector<16xi32>
          %gather3A_608 = arith.constant 0 : i32
          %gather3A_609 = arith.constant 0 : i32
          %gather3A_610 = tpu.memref_slice %arg7[%scan3A_301, %gather3A_608, %gather3A_609] : memref<2x64x128xf32, #tpu.memory_space<vmem>> -> memref<1x64x128xf32, #tpu.memory_space<vmem>>
          %gather3A_611 = tpu.memref_squeeze %gather3A_610 : memref<1x64x128xf32, #tpu.memory_space<vmem>> -> memref<64x128xf32, #tpu.memory_space<vmem>>
          %gather3A_612 = tpu.vector_load_idx %gather3A_611[%add3A_328, %and3A_607] : memref<64x128xf32, #tpu.memory_space<vmem>>[vector<16xi32>, vector<16xi32>], vector<16xf32>,
          %gather3A_613 = arith.constant 0 : i32
          %gather3A_614 = arith.constant 0 : i32
          %gather3A_615 = tpu.memref_slice %arg8[%scan3A_302, %gather3A_613, %gather3A_614] : memref<2x64x128xf32, #tpu.memory_space<vmem>> -> memref<1x64x128xf32, #tpu.memory_space<vmem>>
          %gather3A_616 = tpu.memref_squeeze %gather3A_615 : memref<1x64x128xf32, #tpu.memory_space<vmem>> -> memref<64x128xf32, #tpu.memory_space<vmem>>
          %gather3A_617 = tpu.vector_load_idx %gather3A_616[%add3A_328, %and3A_607] : memref<64x128xf32, #tpu.memory_space<vmem>>[vector<16xi32>, vector<16xi32>], vector<16xf32>,
          %mul3A_618 = arith.mulf %gather3A_612, %gather3A_617 : vector<16xf32>
          %add3A_619 = arith.addf %add3A_547, %mul3A_618 : vector<16xf32>
          %add3A_620 = arith.constant 1 : i32
          %add3A_621 = vector.broadcast %add3A_620 : i32 to vector<16xi32>
          %add3A_622 = arith.addi %and3A_607, %add3A_621 : vector<16xi32>
          %and3A_623 = arith.constant 127 : i32
          %and3A_624 = vector.broadcast %and3A_623 : i32 to vector<16xi32>
          %and3A_625 = arith.andi %add3A_622, %and3A_624 : vector<16xi32>
          %gather3A_626 = arith.constant 0 : i32
          %gather3A_627 = arith.constant 0 : i32
          %gather3A_628 = tpu.memref_slice %arg7[%scan3A_301, %gather3A_626, %gather3A_627] : memref<2x64x128xf32, #tpu.memory_space<vmem>> -> memref<1x64x128xf32, #tpu.memory_space<vmem>>
          %gather3A_629 = tpu.memref_squeeze %gather3A_628 : memref<1x64x128xf32, #tpu.memory_space<vmem>> -> memref<64x128xf32, #tpu.memory_space<vmem>>
          %gather3A_630 = tpu.vector_load_idx %gather3A_629[%add3A_328, %and3A_625] : memref<64x128xf32, #tpu.memory_space<vmem>>[vector<16xi32>, vector<16xi32>], vector<16xf32>,
          %gather3A_631 = arith.constant 0 : i32
          %gather3A_632 = arith.constant 0 : i32
          %gather3A_633 = tpu.memref_slice %arg8[%scan3A_302, %gather3A_631, %gather3A_632] : memref<2x64x128xf32, #tpu.memory_space<vmem>> -> memref<1x64x128xf32, #tpu.memory_space<vmem>>
          %gather3A_634 = tpu.memref_squeeze %gather3A_633 : memref<1x64x128xf32, #tpu.memory_space<vmem>> -> memref<64x128xf32, #tpu.memory_space<vmem>>
          %gather3A_635 = tpu.vector_load_idx %gather3A_634[%add3A_328, %and3A_625] : memref<64x128xf32, #tpu.memory_space<vmem>>[vector<16xi32>, vector<16xi32>], vector<16xf32>,
          %mul3A_636 = arith.mulf %gather3A_630, %gather3A_635 : vector<16xf32>
          %add3A_637 = arith.addf %add3A_565, %mul3A_636 : vector<16xf32>
          scf.yield %add3A_583, %add3A_601, %add3A_619, %add3A_637 : vector<16xf32>, vector<16xf32>, vector<16xf32>, vector<16xf32>
        }
        %scan3A_335 = arith.constant 8 : i32
        %add3A_336 = arith.addf %scan3A_334#0, %scan3A_334#1 : vector<16xf32>
        %add3A_337 = arith.addf %scan3A_334#2, %scan3A_334#3 : vector<16xf32>
        %add3A_338 = arith.addf %add3A_336, %add3A_337 : vector<16xf32>
        %mul3A_339 = arith.constant 16 : i32
        %mul3A_340 = arith.muli %scan3A_323, %mul3A_339 : i32
        %swap3A = arith.constant 1 : i32
        %swap3A_341 = arith.index_cast %swap3A : i32 to index
        %swap3A_342 = arith.index_cast %mul3A_340 : i32 to index
        %swap3A_343 = tpu.vector_load %arg9[%swap3A_341, %swap3A_342] {strides = array<i32>} : memref<2x64xf32, #tpu.memory_space<vmem>>, vector<16xf32>,
        tpu.vector_store %arg9[%swap3A_341, %swap3A_342], %add3A_338 {strides = array<i32>} : memref<2x64xf32, #tpu.memory_space<vmem>>, vector<16xf32>,
        %scan3A_344 = arith.constant 0 : i32
        scf.yield %scan3A_344 : i32
      }
      %scan3A_309 = arith.constant 4 : i32
      %mul3A_310 = arith.constant 64 : i32
      %mul3A_311 = arith.muli %add3A_259, %mul3A_310 : i32
      %add3A_312 = arith.addi %mul3A_2, %mul3A_311 : i32
      %dma_start3A_313 = arith.constant 1 : i32
      %dma_start3A_314 = arith.constant 0 : i32
      %dma_start3A_315 = tpu.memref_slice %arg9[%dma_start3A_313, %dma_start3A_314] : memref<2x64xf32, #tpu.memory_space<vmem>> -> memref<1x64xf32, #tpu.memory_space<vmem>>
      %dma_start3A_316 = tpu.memref_squeeze %dma_start3A_315 : memref<1x64xf32, #tpu.memory_space<vmem>> -> memref<64xf32, #tpu.memory_space<vmem>>
      %dma_start3A_317 = tpu.memref_slice %arg4[%add3A_312] : memref<320000xf32, #tpu.memory_space<hbm>> -> memref<64xf32, #tpu.memory_space<hbm>>
      %dma_start3A_318 = tpu.memref_slice %arg4[%add3A_312] : memref<320000xf32, #tpu.memory_space<hbm>> -> memref<64xf32, #tpu.memory_space<hbm>>
      %dma_start3A_319 = arith.constant 0 : i32
      %dma_start3A_320 = tpu.memref_slice %arg9[%dma_start3A_313, %dma_start3A_319] : memref<2x64xf32, #tpu.memory_space<vmem>> -> memref<1x64xf32, #tpu.memory_space<vmem>>
      %dma_start3A_321 = tpu.memref_squeeze %dma_start3A_320 : memref<1x64xf32, #tpu.memory_space<vmem>> -> memref<64xf32, #tpu.memory_space<vmem>>
      tpu.enqueue_dma source(%dma_start3A_321 : memref<64xf32, #tpu.memory_space<vmem>>) target(%dma_start3A_318 : memref<64xf32, #tpu.memory_space<hbm>>) target_semaphore(%arg20 : memref<!tpu.dma_semaphore, #tpu.memory_space<semaphore_mem>>)
      %while3A_322 = arith.constant 0 : i32
      scf.yield %while3A_322 : i32
    }
    %sub3A_159 = arith.constant 2 : i32
    %sub3A_160 = arith.subi %min3A_21, %sub3A_159 : i32
    %add3A_161 = arith.constant 0 : i32
    %add3A_162 = arith.addi %sub3A_160, %add3A_161 : i32
    %mul3A_163 = arith.constant 64 : i32
    %mul3A_164 = arith.muli %add3A_162, %mul3A_163 : i32
    %add3A_165 = arith.addi %mul3A_2, %mul3A_164 : i32
    %dma_wait3A_166 = arith.constant 0 : i32
    %dma_wait3A_167 = arith.constant 0 : i32
    %dma_wait3A_168 = tpu.memref_slice %arg9[%dma_wait3A_166, %dma_wait3A_167] : memref<2x64xf32, #tpu.memory_space<vmem>> -> memref<1x64xf32, #tpu.memory_space<vmem>>
    %dma_wait3A_169 = tpu.memref_squeeze %dma_wait3A_168 : memref<1x64xf32, #tpu.memory_space<vmem>> -> memref<64xf32, #tpu.memory_space<vmem>>
    %dma_wait3A_170 = tpu.memref_slice %arg4[%add3A_165] : memref<320000xf32, #tpu.memory_space<hbm>> -> memref<64xf32, #tpu.memory_space<hbm>>
    %dma_wait3A_171 = tpu.memref_slice %arg4[%add3A_165] : memref<320000xf32, #tpu.memory_space<hbm>> -> memref<64xf32, #tpu.memory_space<hbm>>
    %dma_wait3A_172 = arith.constant 0 : i32
    %dma_wait3A_173 = tpu.memref_slice %arg9[%dma_wait3A_166, %dma_wait3A_172] : memref<2x64xf32, #tpu.memory_space<vmem>> -> memref<1x64xf32, #tpu.memory_space<vmem>>
    %dma_wait3A_174 = tpu.memref_squeeze %dma_wait3A_173 : memref<1x64xf32, #tpu.memory_space<vmem>> -> memref<64xf32, #tpu.memory_space<vmem>>
    tpu.wait_dma2 semaphore(%arg19 : memref<!tpu.dma_semaphore, #tpu.memory_space<semaphore_mem>>) src(%dma_wait3A_174 : memref<64xf32, #tpu.memory_space<vmem>>) dst(%dma_wait3A_171 : memref<64xf32, #tpu.memory_space<hbm>>)
    %sub3A_175 = arith.constant 2 : i32
    %sub3A_176 = arith.subi %min3A_21, %sub3A_175 : i32
    %add3A_177 = arith.constant 1 : i32
    %add3A_178 = arith.addi %sub3A_176, %add3A_177 : i32
    %mul3A_179 = arith.constant 64 : i32
    %mul3A_180 = arith.muli %add3A_178, %mul3A_179 : i32
    %add3A_181 = arith.addi %mul3A_2, %mul3A_180 : i32
    %dma_wait3A_182 = arith.constant 1 : i32
    %dma_wait3A_183 = arith.constant 0 : i32
    %dma_wait3A_184 = tpu.memref_slice %arg9[%dma_wait3A_182, %dma_wait3A_183] : memref<2x64xf32, #tpu.memory_space<vmem>> -> memref<1x64xf32, #tpu.memory_space<vmem>>
    %dma_wait3A_185 = tpu.memref_squeeze %dma_wait3A_184 : memref<1x64xf32, #tpu.memory_space<vmem>> -> memref<64xf32, #tpu.memory_space<vmem>>
    %dma_wait3A_186 = tpu.memref_slice %arg4[%add3A_181] : memref<320000xf32, #tpu.memory_space<hbm>> -> memref<64xf32, #tpu.memory_space<hbm>>
    %dma_wait3A_187 = tpu.memref_slice %arg4[%add3A_181] : memref<320000xf32, #tpu.memory_space<hbm>> -> memref<64xf32, #tpu.memory_space<hbm>>
    %dma_wait3A_188 = arith.constant 0 : i32
    %dma_wait3A_189 = tpu.memref_slice %arg9[%dma_wait3A_182, %dma_wait3A_188] : memref<2x64xf32, #tpu.memory_space<vmem>> -> memref<1x64xf32, #tpu.memory_space<vmem>>
    %dma_wait3A_190 = tpu.memref_squeeze %dma_wait3A_189 : memref<1x64xf32, #tpu.memory_space<vmem>> -> memref<64xf32, #tpu.memory_space<vmem>>
    tpu.wait_dma2 semaphore(%arg20 : memref<!tpu.dma_semaphore, #tpu.memory_space<semaphore_mem>>) src(%dma_wait3A_190 : memref<64xf32, #tpu.memory_space<vmem>>) dst(%dma_wait3A_187 : memref<64xf32, #tpu.memory_space<hbm>>)
    return
  }
}

</mosaic_0001>

<sc_bundles>
// kernel: _dot_predictor.3.cloned.1.call-start
scs
__scs_entry_jumppad:
0x0: {  	(pc) =	sbr.rel $0x88, $3  }
0x1: {  	(tag) =	ssettag $0x0;
	lr =	simm.s32 $0x1  }
0x2: {  	[smem:$0x3F9F] =	sst lr;
	_ =	strace $0xD0000000  }
0x3: {  	_ = 	snop  }
0x4: {  	_ = 	snop  }
0x5: {  	_ = 	snop  }
0x6: {  	_ = 	snop  }
0x7: {  	_ = 	snop  }
__scs_overlays_trampoline_lowered:
0x8: {  	[smem:$0x3FAE] =	sst s0  }
0x9: {  	[smem:$0x3FAF] =	sst s1  }
0xa: {  	[smem:$0x3FB0] =	sst s2  }
0xb: {  	[smem:$0x3FB1] =	sst s3  }
0xc: {  	[smem:$0x3FB2] =	sst s4  }
0xd: {  	[smem:$0x3FB3] =	sst s5  }
0xe: {  	[smem:$0x3FB4] =	sst s6  }
0xf: {  	[smem:$0x3FB5] =	sst s7  }
0x10: {  	[smem:$0x3FB6] =	sst s8  }
0x11: {  	[smem:$0x3FB7] =	sst s9;
	s0 =	simm.s32 @!p0 $0x0  }
0x12: {  	s1 =	sld [smem:$0x3F9D];
	s0 =	simm.s32 @p0 $0x1  }
0x13: {  	[smem:$0x3FB8] =	sst s0;
	s0 =	simm.s32 @!p1 $0x0  }
0x14: {  	s2 =	sld [smem:$0x3F9C];
	s0 =	simm.s32 @p1 $0x1  }
0x15: {  	[smem:$0x3FB9] =	sst s0;
	s0 =	simm.s32 @!p2 $0x0  }
0x16: {  	s3 =	sld [smem:$0x3FDB];
	s0 =	simm.s32 @p2 $0x1  }
0x17: {  	s4 =	simm.s32 $0x1BF5;
	[smem:$0x3FBB] =	sst s0  }
0x18: {  	s0 =	sld [smem:$0x3F9E];
	_ =	swait.ge [sflag:s4], $0x0  }
0x19: {  	s7 =	sld [smem:$0x3F9F]  }
0x1a: {  	s8 =	sadd.s32 $0xFFFFE003, lr  }
0x1b: {  	s9 =	sadd.s32 $0xFFFFFEF7, lr;
	s5 =	simm.s32 $0xFFFFFFFF;
	p2 =	slt.u32 s8, $0xFFFFF086  }
0x1c: {  	p1 =	slt.u32 s9, $0xF7A;
	s5 =	simm.s32 @!p2 $0x0  }
0x1d: {  	s5 =	simm.s32 @p1 $0x1;
	p0 =	seq.s32 s7, s2  }
0x1e: {  	s7 =	smul.u32 @!p0 $0xF7A, s2;
	p2 =	seq.s32 @!p0 s5, $0x0  }
0x1f: {  	s9 =	smul.u32 $0xF7A, s1;
	s8 =	simm.s32 @!p0 $0x1BF5;
	p2 =	por !p2, p0  }
0x20: {  	[sflag:s8] =	ssyncset.s32 @!p0 $0xFFFFF086;
	s6 =	sadd.s32 @!p0 s3, s7;
	s7 =	simm.s32 @!p0 $0x108  }
0x21: {  	s3 =	sadd.s32 s3, s9;
	s6 =	sadd.s32 @!p0 $0x88, s6;
	s7 =	simm.s32 @p2 $0x1082  }
0x22: {  	[simem:s7], [sflag:s8] =	dma.local @!p0 [hbm:s6], $0xF7A  }
0x23: {  	s9 =	sor.u32 $0xD0000000, s2;
	s6 =	simm.s32 $0x108;
	_ =	swait.ge @!p0 [sflag:s8], $0x0  }
0x24: {  	s3 =	sadd.s32 $0x88, s3;
	s6 =	simm.s32 @!p1 $0x1082;
	[sflag:s4] =	ssyncset.s32 $0xFFFFF086  }
0x25: {  	[simem:s6], [sflag:s4] =	dma.local [hbm:s3], $0xF7A  }
0x26: {  	[smem:$0x3F9F] =	sst s1;
	(tag) =	ssettag s2;
	_ =	strace s9  }
0x27: {  	s1 =	sld [smem:$0x3FAF]  }
0x28: {  	s2 =	sld [smem:$0x3FB0]  }
0x29: {  	s4 =	sld [smem:$0x3FB2]  }
0x2a: {  	p0 =	seq.s32 s5, $0x0;
	s5 =	sld [smem:$0x3FB3]  }
0x2b: {  	s6 =	sld [smem:$0x3FB4]  }
0x2c: {  	s7 =	sld [smem:$0x3FB5]  }
0x2d: {  	s3 =	simm.s32 $0x108;
	s8 =	sld [smem:$0x3FB6]  }
0x2e: {  	s3 =	simm.s32 @!p0 $0x1082;
	s9 =	sld [smem:$0x3FB7]  }
0x2f: {  	lr =	sadd.s32 s0, s3;
	s0 =	sld [smem:$0x3FAE]  }
0x30: {  	s3 =	sld [smem:$0x3FB1]  }
0x31: {  	[smem:$0x3FBA] =	sst s10  }
0x32: {  	s10 =	sld [smem:$0x3FB8];
	_ =	sdelay $0x3  }
0x33: {  	p0 =	seq.s32 s10, $0x1;
	s10 =	sld [smem:$0x3FBA];
	_ =	sdelay $0x3  }
0x34: {  	[smem:$0x3FBA] =	sst s10  }
0x35: {  	s10 =	sld [smem:$0x3FB9];
	_ =	sdelay $0x3  }
0x36: {  	p1 =	seq.s32 s10, $0x1;
	s10 =	sld [smem:$0x3FBA];
	_ =	sdelay $0x3  }
0x37: {  	[smem:$0x3FBA] =	sst s10  }
0x38: {  	s10 =	sld [smem:$0x3FBB]  }
0x39: {  	_ = 	snop;
	(pc) =	sbr.ind lr, $3  }
0x3a: {  	_ = 	snop  }
0x3b: {  	_ = 	snop  }
0x3c: {  	p2 =	seq.s32 s10, $0x1;
	s10 =	sld [smem:$0x3FBA]  }
0x3d: {  	_ =	shalt  }
0x3e: {  	_ =	shalt  }
0x3f: {  	_ =	shalt  }
0x40: {  	_ =	shalt  }
0x41: {  	_ =	shalt  }
0x42: {  	_ =	shalt  }
0x43: {  	_ =	shalt  }
0x44: {  	_ =	shalt  }
0x45: {  	_ =	shalt  }
0x46: {  	_ =	shalt  }
0x47: {  	_ =	shalt  }
0x48: {  	_ =	shalt  }
0x49: {  	_ =	shalt  }
0x4a: {  	_ =	shalt  }
0x4b: {  	_ =	shalt  }
0x4c: {  	_ =	shalt  }
0x4d: {  	_ =	shalt  }
0x4e: {  	_ =	shalt  }
0x4f: {  	_ =	shalt  }
0x50: {  	_ =	shalt  }
0x51: {  	_ =	shalt  }
0x52: {  	_ =	shalt  }
0x53: {  	_ =	shalt  }
0x54: {  	_ =	shalt  }
0x55: {  	_ =	shalt  }
0x56: {  	_ =	shalt  }
0x57: {  	_ =	shalt  }
0x58: {  	_ =	shalt  }
0x59: {  	_ =	shalt  }
0x5a: {  	_ =	shalt  }
0x5b: {  	_ =	shalt  }
0x5c: {  	_ =	shalt  }
0x5d: {  	_ =	shalt  }
0x5e: {  	_ =	shalt  }
0x5f: {  	_ =	shalt  }
0x60: {  	_ =	shalt  }
0x61: {  	_ =	shalt  }
0x62: {  	_ =	shalt  }
0x63: {  	_ =	shalt  }
0x64: {  	_ =	shalt  }
0x65: {  	_ =	shalt  }
0x66: {  	_ =	shalt  }
0x67: {  	_ =	shalt  }
0x68: {  	_ =	shalt  }
0x69: {  	_ =	shalt  }
0x6a: {  	_ =	shalt  }
0x6b: {  	_ =	shalt  }
0x6c: {  	_ =	shalt  }
0x6d: {  	_ =	shalt  }
0x6e: {  	_ =	shalt  }
0x6f: {  	_ =	shalt  }
0x70: {  	_ =	shalt  }
0x71: {  	_ =	shalt  }
0x72: {  	_ =	shalt  }
0x73: {  	_ =	shalt  }
0x74: {  	_ =	shalt  }
0x75: {  	_ =	shalt  }
0x76: {  	_ =	shalt  }
0x77: {  	_ =	shalt  }
0x78: {  	_ =	shalt  }
0x79: {  	_ =	shalt  }
0x7a: {  	_ =	shalt  }
0x7b: {  	_ =	shalt  }
0x7c: {  	_ =	shalt  }
0x7d: {  	_ =	shalt  }
0x7e: {  	_ =	shalt  }
0x7f: {  	_ =	shalt  }
0x80: {  	_ =	shalt  }
0x81: {  	_ =	shalt  }
0x82: {  	_ =	shalt  }
0x83: {  	_ =	shalt  }
0x84: {  	_ =	shalt  }
0x85: {  	_ =	shalt  }
0x86: {  	_ =	shalt  }
0x87: {  	_ =	shalt  }
.Lfunc_end0:
.L_simem_size_0:
called_computation_lowered:
.L_overlay_start_0:
0x88: {  	s2 =	sld [smem:$0x3FD9]  }
0x89: {  	s3 =	sld [smem:$0x3FFE];
	_ =	sdelay $0x1  }
0x8a: {  	s1 =	srdreg.scid  }
0x8b: {  	s0 =	sand.u32 $0x1, s1  }
0x8c: {  	s18 =	sshll.u32 s0, $0xA;
	s2 =	sadd.s32 s3, s2  }
0x8d: {  	s2 =	sadd.s32 s2, s18  }
0x8e: {  	[smem:$0x3FC6] =	sst s2  }
0x8f: {  	_ = 	snop  }
0x90: {  	s2 =	sld [smem:$0x3FC9]  }
0x91: {  	s19 =	sld [smem:$0x3FC8]  }
0x92: {  	s4 =	sld [smem:$0x3FD0];
	(tm) =	ssettm $0x1  }
0x93: {  	s5 =	sld [smem:$0x3FFB];
	_ =	sdelay $0x3  }
0x94: {  	_ =	strace s5  }
0x95: {  	s5 =	sld [smem:$0x3FFC];
	_ =	sdelay $0x3  }
0x96: {  	_ =	strace s5  }
0x97: {  	s5 =	sld [smem:$0x3FFD];
	_ =	sdelay $0x3  }
0x98: {  	_ =	strace s5  }
0x99: {  	_ =	strace $0x8FFFFFFF  }
0x9a: {  	s20 =	sld [smem:$0x3FDB];
	_ =	sdelay $0x1  }
0x9b: {  	s6 =	simm.s32 $_scs_section_size  }
0x9c: {  	s7 =	simm.s32 $_size__tile_overlayer_lowered;
	s8 =	simm.s32 $_tile_overlayer_lowered  }
0x9d: {  	s23 =	simm.s32 $0x1BFF;
	s22 =	sshll.u32 s8, $0x1;
	s5 =	sadd.s32 s6, s20  }
0x9e: {  	s9 =	simm.s32 $0x0;
	s21 =	sshll.u32 s7, $0x1;
	s7 =	sadd.s32 s22, s5  }
0x9f: {  	[timem:s9], [sflag:s23] =	dma.local [hbm:s7], s21  }
0xa0: {  	_ =	swait.ge [sflag:s23], s21  }
0xa1: {  	s6 =	ssub.s32 $0x0, s21;
	[sflag:s23] =	ssyncset.done $0x0  }
0xa2: {  	[sflag:s23] =	ssyncadd.s32 s6;
	_ =	sdelay $0x1  }
0xa3: {  	s24 =	simm.s32 $0x1B8B  }
0xa4: {  	_ =	swait.ge [sflag:s24], $0x1  }
0xa5: {  	[sflag:s24] =	ssyncset.done $0x0  }
0xa6: {  	s25 =	simm.s32 $0x1B8E;
	[sflag:s24] =	ssyncadd.s32 $0xFFFFFFFF  }
0xa7: {  	s26 =	simm.s32 $execute0_lowered;
	[smem:$0x3FD2] =	sst s25  }
0xa8: {  	s6 =	sshll.u32 s26, $0x1;
	_ =	strace $0x80000046;
	[dreg:$0x1] =	wrdreg $0xFFFFFFFF  }
0xa9: {  	s28 =	simm.s32 $_size_execute0_lowered;
	s5 =	sadd.s32 s5, s6;
	[dreg:$0x0] =	wrdreg $0x0  }
0xaa: {  	s6 =	sshll.u32 s28, $0x1;
	[dreg:$0x2] =	wrdreg s5  }
0xab: {  	[dreg:$0x3] =	wrdreg s6  }
0xac: {  	[dreg:$0x4] =	wrdreg $0xC0  }
0xad: {  	_ =	task [dreg:s9], $0x5FFFF  }
0xae: {  	[dreg:$0x1] =	wrdreg $0xFFFFFFFF  }
0xaf: {  	[dreg:$0x0] =	wrdreg $0x60  }
0xb0: {  	[dreg:$0x2] =	wrdreg s2  }
0xb1: {  	[dreg:$0x3] =	wrdreg s19  }
0xb2: {  	[dreg:$0x4] =	wrdreg s4  }
0xb3: {  	[dreg:$0x5] =	wrdreg $0x83000  }
0xb4: {  	[dreg:$0x6] =	wrdreg $0x9  }
0xb5: {  	_ =	task.clear_ibuf [dreg:s9], $0x7FFFF;
	_ =	strace $0x90000046  }
0xb6: {  	s29 =	simm.s32 $0x9;
	_ =	strace $0x80000048  }
0xb7: {  	_ =	swait.ge [sflag:s29], $0x1  }
0xb8: {  	[sflag:s29] =	ssyncadd.s32 $0xFFFFFFFF  }
0xb9: {  	_ =	strace $0x90000048  }
0xba: {  	_ =	sfence  }
0xbb: {  	s30 =	sld [smem:$0x0];
	_ =	sdelay $0x2  }
0xbc: {  	s31 =	sshll.u32 s1, $0xD;
	s1 =	sshrl.u32 s1, $0x2  }
0xbd: {  	s3 =	sand.u32 $0x4000, s31;
	s1 =	sadd.s32 s1, s30  }
0xbe: {  	s0 =	sor.u32 s3, s0;
	s1 =	sshll.u32 s1, $0x11  }
0xbf: {  	s0 =	sor.u32 s1, s0  }
0xc0: {  	s0 =	sadd.s32 $0x8F2B, s0  }
0xc1: {  	[sflag:s0] =	ssyncadd.remote.s32 $0x1  }
0xc2: {  	_ =	sfence.sel $0xFFFF  }
0xc3: {  	[dreg:$0x0] =	wrdreg $0xFFFFFFFF;
	(pc) =	sbr.abs _section_cstart, $3  }
0xc4: {  	[dreg:$0x1] =	wrdreg $0xFFFFFFFF  }
0xc5: {  	_ =	task.clear_ibuf [dreg:s9], $0x2FFFF;
	_ =	strace $0x9FFFFFFF  }
0xc6: {  	(tm) =	ssettm $0x7FFFFFFF  }
0xc7: {  	_ =	shalt  }
tec
execute0_lowered:
.L_overlay_start_1:
0x0: {  	(tag) =	ssettag $0x1  }
0x1: {  	s0 =	srdreg.scid;
	s1 =	rddreg [dreg:$0x1]  }
0x2: {  	s2 =	stileid.u32;
	s3 =	rddreg [dreg:$0x2]  }
0x3: {  	s7 =	simm.s32 $0x0;
	s28 =	simm.s32 $0x3;
	s29 =	simm.s32 $0x8200  }
0x4: {  	s30 =	simm.s32 $0x2;
	s31 =	simm.s32 $0x4;
	s19 =	simm.s32 $0x8280  }
0x5: {  	s20 =	simm.s32 $0x9;
	s18 =	simm.s32 $0xA;
	s0 =	sand.u32 $0x1, s0  }
0x6: {  	s4 =	sshll.u32 s2, $0x1;
	[smem:$0x7FF] =	sst s7;
	s10 =	smul.u32 $0xFFFFB000, s2  }
0x7: {  	s11 =	sadd.s32 $0x8, s1;
	p0 =	sne.s32 s2, $0x0;
	s2 =	simm.s32 $0x2200  }
0x8: {  	s6 =	sor.u32 s0, s4;
	s8 =	ssub.s32 $0x2, s0;
	s0 =	smul.u32 $0xFFFFD800, s0  }
0x9: {  	s4 =	rddreg [dreg:$0x3];
	s5 =	smul.u32 $0x2800, s6;
	s9 =	sshrl.u32 s8, $0x1  }
0xa: {  	_ =	strace $0x80000047;
	s6 =	smul.u32 $0x5000, s6;
	s9 =	ssub.s32 s8, s9  }
0xb: {  	s0 =	sadd.s32 s10, s0;
	s10 =	sadd.s32 $0x10, s1;
	s24 =	ssub.s32 $0x4E200, s5  }
0xc: {  	s12 =	sshrl.u32 s6, $0x3;
	s0 =	sadd.s32 $0x4E200, s0;
	s26 =	smax.u32 s9, $0x1  }
0xd: {  	v0 =	vlaneseq.u32;
	s8 =	sshrl.u32 s24, $0x6;
	s13 =	sadd.s32 s1, s12;
	s0 =	sshrl.u32 s0, $0x6  }
0xe: {  	v1 =	vmul.u32 $0x80, v0;
	s14 =	sadd.s32 s12, s10;
	s12 =	sadd.s32 s12, s11;
	[dreg:$0x9] =	wrdreg s26  }
0xf: {  	v2 =	vadd.s32 $0x1, v0;
	v3 =	vadd.s32 $0x2, v0;
	v4 =	vadd.s32 $0x3, v0;
	s24 =	simm.s32 $0x200;
	s26 =	simm.s32 $0x1;
	[dreg:$0x6] =	wrdreg s14  }
0x10: {  	v5 =	vadd.s32 $0x4, v0;
	v6 =	vadd.s32 $0x5, v0;
	v7 =	vadd.s32 $0x6, v0;
	s8 =	smin.u32 s8, $0xA0;
	[dreg:$0x7] =	wrdreg s12;
	s0 =	smin.u32 s0, $0xA0  }
0x11: {  	v8 =	vadd.s32 $0x7, v0;
	v9 =	vadd.s32 $0x8, v0;
	v10 =	vadd.s32 $0x9, v0;
	[dreg:$0x5] =	wrdreg s13;
	s25 =	sadd.s32 $0x18, s13;
	s12 =	simm.s32 $0x0  }
0x12: {  	v11 =	vadd.s32 $0xA, v0;
	v12 =	vadd.s32 $0xB, v0;
	v13 =	vadd.s32 $0xC, v0;
	[dreg:$0x8] =	wrdreg s25;
	s15 =	sshrl.u32 s0, $0x1;
	s0 =	sshrl.u32 @!p0 s4, $0x3  }
0x13: {  	v14 =	vadd.s32 $0xD, v0;
	v15 =	vadd.s32 $0xE, v0;
	v16 =	vadd.s32 $0xF, v0;
	s25 =	simm.s32 $0x4200;
	[dreg:$0xa] =	wrdreg s0;
	s0 =	simm.s32 $0x6200  }
.LBB2_1:
0x14: {  	s13 =	rddreg [dreg:$0x0]  }
0x15: {  	s9 =	simm.s32 @!p0 $0x1C0B;
	s14 =	rddreg [dreg:$0xa]  }
0x16: {  	[spmem:s14], [sflag:s9] =	dma.local @!p0 [hbm:s13], $0x27100  }
0x17: {  	s9 =	simm.s32 @!p0 $0xB  }
0x18: {  	_ =	swait.ge @!p0 [sflag:s9], $0x27100  }
0x19: {  	[sflag:s9] =	ssyncset.done @!p0 $0x0  }
0x1a: {  	s17 =	rddreg [dreg:$0x5];
	[sflag:s9] =	ssyncadd.s32 @!p0 $0xFFFD8F00  }
0x1b: {  	[tilespmem:s7], [sflag:$0x5] =	stream.linear.gather [hbm4b:s17+s7], $0x40, $0x38;
	[tilespmem:$0x1BB80] =	vst v63  }
0x1c: {  	s13 =	simm.s32 $0x100;
	s21 =	rddreg [dreg:$0x6]  }
0x1d: {  	[tilespmem:s13], [sflag:$0x7] =	stream.linear.gather [hbm4b:s21+s7], $0x40, $0x38;
	[tilespmem:$0x1BB80] =	vst v63  }
0x1e: {  	s23 =	simm.s32 $0x80;
	s22 =	rddreg [dreg:$0x7]  }
0x1f: {  	[tilespmem:s23], [sflag:$0x6] =	stream.linear.gather [hbm4b:s22+s7], $0x40, $0x38;
	[tilespmem:$0x1BB80] =	vst v63  }
0x20: {  	s16 =	rddreg [dreg:$0x8];
	s17 =	simm.s32 $0x180  }
0x21: {  	[tilespmem:s17], [sflag:$0x8] =	stream.linear.gather [hbm4b:s16+s7], $0x40, $0x38;
	[tilespmem:$0x1BB80] =	vst v63  }
0x22: {  	s21 =	simm.s32 $0x5;
	[bflag:$0x0] =	sbarrier.arrive $0xFFFF  }
0x23: {  	_ =	swait.ge [sflag:s21], $0x40  }
0x24: {  	[sflag:s21] =	ssyncset.done $0x0  }
0x25: {  	s22 =	simm.s32 $0x7;
	[sflag:s21] =	ssyncadd.s32 $0xFFFFFFC0  }
0x26: {  	_ =	swait.ge [sflag:s22], $0x40  }
0x27: {  	[sflag:s22] =	ssyncset.done $0x0  }
0x28: {  	s23 =	simm.s32 $0x40;
	[sflag:s22] =	ssyncadd.s32 $0xFFFFFFC0  }
0x29: {  	[tilespmem:s24], [sflag:$0x1] =	stream.indirect.gather [spmem:s4], $0x80, s7, s23, $0xb8;
	[tilespmem:$0x1BB80] =	vst v63  }
0x2a: {  	_ = 	snop  }
0x2b: {  	[tilespmem:s25], [sflag:$0x3] =	stream.indirect.gather [spmem:s4], $0x80, s13, s23, $0xb8;
	[tilespmem:$0x1BB80] =	vst v63  }
0x2c: {  	s13 =	simm.s32 $0x0  }
.LBB2_2:
0x2d: {  	s14 =	sshllo.u32 s13, $0x1  }
0x2e: {  	p1 =	sge.u32 s14, s8  }
0x2f: {  	s9 =	simm.s32 @!p1 $0x6  }
0x30: {  	_ =	swait.ge @!p1 [sflag:s9], $0x40  }
0x31: {  	[sflag:s9] =	ssyncset.done @!p1 $0x0  }
0x32: {  	[sflag:s9] =	ssyncadd.s32 @!p1 $0xFFFFFFC0;
	s9 =	simm.s32 @!p1 $0x8  }
0x33: {  	_ =	swait.ge @!p1 [sflag:s9], $0x40  }
0x34: {  	s16 =	simm.s32 @!p1 $0x80;
	[sflag:s9] =	ssyncset.done @!p1 $0x0  }
0x35: {  	s17 =	simm.s32 @!p1 $0x2200;
	[sflag:s9] =	ssyncadd.s32 @!p1 $0xFFFFFFC0;
	s9 =	simm.s32 @!p1 $0x40  }
0x36: {  	[tilespmem:s17], [sflag:$0x2] =	stream.indirect.gather @!p1 [spmem:s4], $0x80, s16, s9, $0xb8;
	[tilespmem:$0x1BB80] =	vst v63  }
0x37: {  	s23 =	sshll.u32 s13, $0x1;
	s16 =	simm.s32 @!p1 $0x180;
	s17 =	simm.s32 @!p1 $0x6200  }
0x38: {  	[tilespmem:s17], [sflag:$0x4] =	stream.indirect.gather @!p1 [spmem:s4], $0x80, s16, s9, $0xb8;
	[tilespmem:$0x1BB80] =	vst v63  }
0x39: {  	s9 =	sadd.s32 $0x2, s23;
	_ =	swait.ge [sflag:s26], $0x2000  }
0x3a: {  	p2 =	sge.u32 s9, s8;
	[sflag:s26] =	ssyncset.done $0x0  }
0x3b: {  	s9 =	sshll.u32 @!p2 s9, $0x7;
	[sflag:s26] =	ssyncadd.s32 $0xFFFFE000  }
0x3c: {  	s9 =	sadd.s32 @!p2 s6, s9;
	_ =	swait.ge [sflag:s28], $0x2000  }
0x3d: {  	s9 =	sshrl.u32 @!p2 s9, $0x3;
	[sflag:s28] =	ssyncset.done $0x0  }
0x3e: {  	s17 =	simm.s32 @!p2 $0x0;
	s16 =	sadd.s32 @!p2 s1, s9;
	[sflag:s28] =	ssyncadd.s32 $0xFFFFE000  }
0x3f: {  	[tilespmem:s17], [sflag:$0x5] =	stream.linear.gather @!p2 [hbm4b:s16+s17], $0x40, $0x38;
	[tilespmem:$0x1BB80] =	vst v63  }
0x40: {  	p1 =	seq.s32 s13, $0x0;
	s9 =	sadd.s32 @!p2 s9, s10;
	s16 =	simm.s32 @!p2 $0x100  }
0x41: {  	[tilespmem:s16], [sflag:$0x7] =	stream.linear.gather @!p2 [hbm4b:s9+s17], $0x40, $0x38;
	[tilespmem:$0x1BB80] =	vst v63  }
0x42: {  	s9 =	simm.s32 @!p1 $0x9  }
0x43: {  	_ =	swait.ge @!p1 [sflag:s9], $0x40  }
0x44: {  	[sflag:s9] =	ssyncset.done @!p1 $0x0  }
0x45: {  	s16 =	simm.s32 $0x0;
	s17 =	simm.s32 $0x0;
	[sflag:s9] =	ssyncadd.s32 @!p1 $0xFFFFFFC0  }
.LBB2_3:
0x46: {  	s9 =	sshll.u32 s17, $0x4  }
0x47: {  	v17 =	vmov s9  }
0x48: {  	v25 =	vadd.s32 s16, v16;
	v17 =	vshll.u32 v17, $0x7  }
0x49: {  	v25 =	vand.u32 $0x7F, v25;
	v17 =	vor.u32 v1, v17  }
0x4a: {  	v26 =	vadd.s32 s16, v12;
	v28 =	vor.u32 v17, v25  }
0x4b: {  	v26 =	vand.u32 $0x7F, v26  }
0x4c: {  	v19 =	vadd.s32 s16, v13;
	v31 =	vor.u32 v17, v26  }
0x4d: {  	v21 =	vadd.s32 s16, v9;
	v19 =	vand.u32 $0x7F, v19;
	v18 =	vor.u32 v0, v17  }
0x4e: {  	v22 =	vor.u32 v17, v19;
	v19 =	vand.u32 $0x7F, v21;
	v20 =	vor.u32 s16, v18  }
0x4f: {  	v23 =	vor.u32 v17, v19;
	v30 =	vld.idx.msk [tilespmem:v28+s24+$0x0], $0xffff  }
0x50: {  	v34 =	vld.idx.msk [tilespmem:v28+s25+$0x0], $0xffff  }
0x51: {  	v21 =	vadd.s32 s16, v5;
	v36 =	vld.idx.msk [tilespmem:v31+s24+$0x0], $0xffff  }
0x52: {  	v21 =	vand.u32 $0x7F, v21;
	v39 =	vld.idx.msk [tilespmem:v31+s25+$0x0], $0xffff  }
0x53: {  	v24 =	vor.u32 v17, v21;
	v19 =	vld.idx.msk [tilespmem:v20+s24+$0x0], $0xffff  }
0x54: {  	v29 =	vadd.s32 s16, v8;
	v25 =	vld.idx.msk [tilespmem:v23+s24+$0x0], $0xffff  }
0x55: {  	v27 =	vld.idx.msk [tilespmem:v23+s25+$0x0], $0xffff;
	v23 =	vand.u32 $0x7F, v29  }
0x56: {  	v28 =	vadd.s32 s16, v11;
	v21 =	vld.idx.msk [tilespmem:v20+s25+$0x0], $0xffff;
	v23 =	vor.u32 v17, v23  }
0x57: {  	v20 =	vld.idx.msk [tilespmem:v22+s24+$0x0], $0xffff;
	v28 =	vand.u32 $0x7F, v28  }
0x58: {  	v29 =	vadd.s32 s16, v4;
	v26 =	vld.idx.msk [tilespmem:v24+s24+$0x0], $0xffff;
	v28 =	vor.u32 v17, v28  }
0x59: {  	v33 =	vld.idx.msk [tilespmem:v24+s25+$0x0], $0xffff;
	v24 =	vand.u32 $0x7F, v29;
	v29 =	vadd.s32 s16, v15  }
0x5a: {  	v22 =	vld.idx.msk [tilespmem:v22+s25+$0x0], $0xffff;
	v24 =	vor.u32 v17, v24;
	v29 =	vand.u32 $0x7F, v29  }
0x5b: {  	v32 =	vor.u32 v17, v29;
	v29 =	vadd.s32 s16, v7;
	v38 =	vld.idx.msk [tilespmem:v23+s24+$0x0], $0xffff  }
0x5c: {  	v35 =	vadd.s32 s16, v2;
	v31 =	vadd.s32 s16, v3;
	v29 =	vand.u32 $0x7F, v29;
	v41 =	vld.idx.msk [tilespmem:v23+s25+$0x0], $0xffff  }
0x5d: {  	v45 =	vor.u32 v17, v29;
	v29 =	vand.u32 $0x7F, v31;
	v31 =	vand.u32 $0x7F, v35;
	v35 =	vld.idx.msk [tilespmem:v28+s24+$0x0], $0xffff  }
0x5e: {  	v37 =	vld.idx.msk [tilespmem:v28+s25+$0x0], $0xffff  }
0x5f: {  	v44 =	vor.u32 v17, v29;
	v40 =	vld.idx.msk [tilespmem:v24+s24+$0x0], $0xffff  }
0x60: {  	v46 =	vadd.s32 s16, v6;
	v23 =	vimm.f32 $0.0e+00;
	v43 =	vor.u32 v17, v31;
	v42 =	vld.idx.msk [tilespmem:v24+s25+$0x0], $0xffff  }
0x61: {  	s22 =	simm.s32 $0x10;
	s21 =	simm.s32 $0x0;
	v31 =	vimm.f32 $0.0e+00;
	v28 =	vimm.f32 $0.0e+00;
	v29 =	vimm.f32 $0.0e+00;
	v24 =	vld.idx.msk [tilespmem:v32+s24+$0x0], $0xffff  }
.LBB2_4:
0x62: {  	p3 =	sne.s32 s22, $0x70;
	v46 =	vand.u32 $0x7F, v46;
	v47 =	vld.idx.msk [tilespmem:v45+s24+$0x0], $0xffff  }
0x63: {  	v48 =	vadd.s32 s21, v10;
	v46 =	vor.u32 v17, v46;
	v45 =	vld.idx.msk [tilespmem:v45+s25+$0x0], $0xffff  }
0x64: {  	v49 =	vadd.s32 s22, v9;
	v50 =	vadd.s32 s22, v13;
	v48 =	vand.u32 $0x7F, v48;
	v51 =	vld.idx.msk [tilespmem:v44+s24+$0x0], $0xffff  }
0x65: {  	v52 =	vor.u32 s22, v18;
	v53 =	vadd.s32 s21, v14;
	s21 =	smov.u32 s22;
	v48 =	vor.u32 v17, v48;
	v44 =	vld.idx.msk [tilespmem:v44+s25+$0x0], $0xffff  }
0x66: {  	v54 =	vadd.s32 s22, v5;
	v50 =	vand.u32 $0x7F, v50;
	v53 =	vand.u32 $0x7F, v53;
	v55 =	vld.idx.msk [tilespmem:v43+s24+$0x0], $0xffff  }
0x67: {  	v54 =	vand.u32 $0x7F, v54;
	v49 =	vand.u32 $0x7F, v49;
	v53 =	vor.u32 v17, v53;
	v43 =	vld.idx.msk [tilespmem:v43+s25+$0x0], $0xffff  }
0x68: {  	v21 =	vmul.f32 v21, v19;
	v49 =	vor.u32 v17, v49;
	v50 =	vor.u32 v17, v50;
	v56 =	vld.idx.msk [tilespmem:v46+s24+$0x0], $0xffff  }
0x69: {  	v27 =	vmul.f32 v27, v25;
	v57 =	vmul.f32 v22, v20;
	v54 =	vor.u32 v17, v54;
	v46 =	vld.idx.msk [tilespmem:v46+s25+$0x0], $0xffff  }
0x6a: {  	v19 =	vadd.s32 s22, v12;
	v20 =	vadd.s32 s22, v16;
	v22 =	vmul.f32 v33, v26;
	v25 =	vld.idx.msk [tilespmem:v48+s24+$0x0], $0xffff  }
0x6b: {  	v58 =	vadd.s32 s22, v4;
	v33 =	vadd.s32 s22, v8;
	v20 =	vand.u32 $0x7F, v20;
	v26 =	vld.idx.msk [tilespmem:v48+s25+$0x0], $0xffff  }
0x6c: {  	v36 =	vmul.f32 v39, v36;
	v30 =	vmul.f32 v34, v30;
	v19 =	vand.u32 $0x7F, v19;
	v39 =	vld.idx.msk [tilespmem:v53+s24+$0x0], $0xffff  }
0x6d: {  	v38 =	vmul.f32 v41, v38;
	v34 =	vor.u32 v17, v20;
	v20 =	vmul.f32 v43, v55;
	v41 =	vld.idx.msk [tilespmem:v53+s25+$0x0], $0xffff  }
0x6e: {  	v40 =	vmul.f32 v42, v40;
	v44 =	vmul.f32 v44, v51;
	v43 =	vor.u32 v17, v19;
	v32 =	vld.idx.msk [tilespmem:v32+s25+$0x0], $0xffff  }
0x6f: {  	v23 =	vadd.f32 v21, v23;
	v31 =	vadd.f32 v20, v31;
	v42 =	vmul.f32 v46, v56;
	v19 =	vld.idx.msk [tilespmem:v52+s24+$0x0], $0xffff  }
0x70: {  	v29 =	vadd.f32 v40, v29;
	v40 =	vmul.f32 v45, v47;
	v28 =	vadd.f32 v44, v28;
	v21 =	vld.idx.msk [tilespmem:v52+s25+$0x0], $0xffff  }
0x71: {  	v23 =	vadd.f32 v22, v23;
	v31 =	vadd.f32 v42, v31;
	v26 =	vmul.f32 v26, v25;
	v20 =	vld.idx.msk [tilespmem:v50+s24+$0x0], $0xffff  }
0x72: {  	v35 =	vmul.f32 v37, v35;
	v29 =	vadd.f32 v38, v29;
	v28 =	vadd.f32 v40, v28;
	v22 =	vld.idx.msk [tilespmem:v50+s25+$0x0], $0xffff  }
0x73: {  	v23 =	vadd.f32 v27, v23;
	v31 =	vadd.f32 v26, v31;
	v37 =	vmul.f32 v41, v39;
	v25 =	vld.idx.msk [tilespmem:v49+s24+$0x0], $0xffff  }
0x74: {  	v29 =	vadd.f32 v36, v29;
	v28 =	vadd.f32 v35, v28;
	v24 =	vmul.f32 v32, v24;
	v27 =	vld.idx.msk [tilespmem:v49+s25+$0x0], $0xffff  }
0x75: {  	v23 =	vadd.f32 v57, v23;
	v32 =	vand.u32 $0x7F, v33;
	v31 =	vadd.f32 v37, v31;
	v26 =	vld.idx.msk [tilespmem:v54+s24+$0x0], $0xffff  }
0x76: {  	v29 =	vadd.f32 v30, v29;
	v35 =	vor.u32 v17, v32;
	v28 =	vadd.f32 v24, v28;
	v33 =	vld.idx.msk [tilespmem:v54+s25+$0x0], $0xffff  }
0x77: {  	v24 =	vand.u32 $0x7F, v58;
	v30 =	vld.idx.msk [tilespmem:v34+s24+$0x0], $0xffff  }
0x78: {  	v32 =	vadd.s32 s22, v15;
	v24 =	vor.u32 v17, v24;
	v34 =	vld.idx.msk [tilespmem:v34+s25+$0x0], $0xffff  }
0x79: {  	v37 =	vadd.s32 s22, v11;
	v32 =	vand.u32 $0x7F, v32;
	v36 =	vld.idx.msk [tilespmem:v43+s24+$0x0], $0xffff  }
0x7a: {  	v37 =	vand.u32 $0x7F, v37;
	v32 =	vor.u32 v17, v32;
	v39 =	vld.idx.msk [tilespmem:v43+s25+$0x0], $0xffff  }
0x7b: {  	v40 =	vadd.s32 s22, v7;
	v37 =	vor.u32 v17, v37;
	v38 =	vld.idx.msk [tilespmem:v35+s24+$0x0], $0xffff  }
0x7c: {  	v42 =	vand.u32 $0x7F, v40;
	v41 =	vld.idx.msk [tilespmem:v35+s25+$0x0], $0xffff  }
.Ltmp0:
0x7d: {  	v45 =	vor.u32 v17, v42;
	v35 =	vadd.s32 s22, v3;
	v40 =	vld.idx.msk [tilespmem:v24+s24+$0x0], $0xffff;
	(pc) =	sbr.rel @p3 .LBB2_4-.Ltmp0, $4  }
0x7e: {  	v35 =	vand.u32 $0x7F, v35;
	v42 =	vld.idx.msk [tilespmem:v24+s25+$0x0], $0xffff  }
0x7f: {  	v43 =	vadd.s32 s22, v2;
	v44 =	vor.u32 v17, v35;
	v24 =	vld.idx.msk [tilespmem:v32+s24+$0x0], $0xffff  }
0x80: {  	v43 =	vand.u32 $0x7F, v43;
	v35 =	vld.idx.msk [tilespmem:v37+s24+$0x0], $0xffff  }
0x81: {  	v46 =	vadd.s32 s21, v6;
	v43 =	vor.u32 v17, v43;
	s22 =	sadd.s32 $0x10, s22;
	v37 =	vld.idx.msk [tilespmem:v37+s25+$0x0], $0xffff  }
0x82: {  	_ =	sdelay $0x3  }
0x83: {  	v18 =	vand.u32 $0x7F, v46;
	v55 =	vld.idx.msk [tilespmem:v45+s24+$0x0], $0xffff  }
0x84: {  	v56 =	vld.idx.msk [tilespmem:v45+s25+$0x0], $0xffff;
	v47 =	vadd.s32 s21, v10;
	v18 =	vor.u32 v17, v18  }
0x85: {  	v48 =	vld.idx.msk [tilespmem:v44+s24+$0x0], $0xffff;
	v47 =	vand.u32 $0x7F, v47  }
0x86: {  	v57 =	vld.idx.msk [tilespmem:v44+s25+$0x0], $0xffff;
	v49 =	vadd.s32 s21, v14;
	v47 =	vor.u32 v17, v47  }
0x87: {  	v50 =	vld.idx.msk [tilespmem:v43+s24+$0x0], $0xffff;
	v49 =	vand.u32 $0x7F, v49  }
0x88: {  	v58 =	vld.idx.msk [tilespmem:v43+s25+$0x0], $0xffff;
	v17 =	vor.u32 v17, v49  }
0x89: {  	v59 =	vld.idx.msk [tilespmem:v18+s24+$0x0], $0xffff  }
0x8a: {  	v19 =	vmul.f32 v21, v19;
	v18 =	vld.idx.msk [tilespmem:v18+s25+$0x0], $0xffff  }
0x8b: {  	v21 =	vmul.f32 v27, v25;
	v20 =	vmul.f32 v22, v20;
	v61 =	vld.idx.msk [tilespmem:v47+s24+$0x0], $0xffff  }
0x8c: {  	v60 =	vmul.f32 v33, v26;
	v63 =	vmul.f32 v39, v36;
	v62 =	vld.idx.msk [tilespmem:v47+s25+$0x0], $0xffff  }
0x8d: {  	v53 =	vmul.f32 v42, v40;
	v52 =	vmul.f32 v57, v48;
	v47 =	vld.idx.msk [tilespmem:v17+s24+$0x0], $0xffff  }
0x8e: {  	v51 =	vmul.f32 v41, v38;
	v19 =	vadd.f32 v19, v23;
	v50 =	vmul.f32 v58, v50;
	v17 =	vld.idx.msk [tilespmem:v17+s25+$0x0], $0xffff  }
0x8f: {  	v32 =	vld.idx.msk [tilespmem:v32+s25+$0x0], $0xffff;
	v29 =	vadd.f32 v53, v29;
	v55 =	vmul.f32 v56, v55;
	v28 =	vadd.f32 v52, v28  }
0x90: {  	v19 =	vadd.f32 v60, v19;
	v54 =	vadd.f32 v50, v31;
	v18 =	vmul.f32 v18, v59  }
0x91: {  	v30 =	vmul.f32 v34, v30;
	v58 =	vadd.f32 v51, v29;
	v57 =	vadd.f32 v55, v28  }
0x92: {  	v59 =	vmul.f32 v37, v35;
	v56 =	vmul.f32 v62, v61;
	v18 =	vadd.f32 v18, v54  }
0x93: {  	v19 =	vadd.f32 v21, v19;
	v17 =	vmul.f32 v17, v47;
	v61 =	vadd.f32 v63, v58  }
0x94: {  	v62 =	vmul.f32 v32, v24;
	v60 =	vadd.f32 v59, v57;
	v18 =	vadd.f32 v56, v18  }
0x95: {  	v19 =	vadd.f32 v20, v19;
	v63 =	vadd.f32 v30, v61  }
0x96: {  	s17 =	sadd.s32 $0x1, s17;
	v17 =	vadd.f32 v17, v18;
	v18 =	vadd.f32 v62, v60  }
0x97: {  	p3 =	sne.s32 s17, $0x4  }
.Ltmp1:
0x98: {  	v17 =	vadd.f32 v17, v19;
	v18 =	vadd.f32 v63, v18;
	(pc) =	sbr.rel @p3 .LBB2_3-.Ltmp1, $3  }
0x99: {  	_ = 	snop  }
0x9a: {  	v17 =	vadd.f32 v18, v17;
	_ =	sdelay $0x1  }
0x9b: {  	[tilespmem:s9+$0x8200] =	vst v17  }
0x9c: {  	s9 =	sshll.u32 s13, $0x7  }
0x9d: {  	s9 =	sadd.s32 s5, s9  }
0x9e: {  	s9 =	sshrl.u32 s9, $0x3  }
0x9f: {  	s9 =	sadd.s32 s3, s9  }
0xa0: {  	[hbm4b:s9+s7] =	stream.linear.scatter [tilespmem:s29], [sflag:$0x9], $0x40, $0x38;
	[tilespmem:$0x1BB80] =	vst v63  }
0xa1: {  	s9 =	simm.s32 @!p2 $0x5  }
0xa2: {  	_ =	swait.ge @!p2 [sflag:s9], $0x40  }
0xa3: {  	[sflag:s9] =	ssyncset.done @!p2 $0x0  }
0xa4: {  	[sflag:s9] =	ssyncadd.s32 @!p2 $0xFFFFFFC0;
	s9 =	simm.s32 @!p2 $0x7  }
0xa5: {  	_ =	swait.ge @!p2 [sflag:s9], $0x40  }
0xa6: {  	s16 =	simm.s32 @!p2 $0x0;
	[sflag:s9] =	ssyncset.done @!p2 $0x0  }
0xa7: {  	s17 =	simm.s32 @!p2 $0x200;
	[sflag:s9] =	ssyncadd.s32 @!p2 $0xFFFFFFC0;
	s9 =	simm.s32 @!p2 $0x40  }
0xa8: {  	[tilespmem:s17], [sflag:$0x1] =	stream.indirect.gather @!p2 [spmem:s4], $0x80, s16, s9, $0xb8;
	[tilespmem:$0x1BB80] =	vst v63  }
0xa9: {  	s16 =	simm.s32 @!p2 $0x100;
	s17 =	simm.s32 @!p2 $0x4200  }
0xaa: {  	[tilespmem:s17], [sflag:$0x3] =	stream.indirect.gather @!p2 [spmem:s4], $0x80, s16, s9, $0xb8;
	[tilespmem:$0x1BB80] =	vst v63  }
0xab: {  	s9 =	sadd.s32 $0x3, s23  }
0xac: {  	_ =	swait.ge [sflag:s30], $0x2000;
	p2 =	sge.u32 s9, s8  }
0xad: {  	[sflag:s30] =	ssyncset.done $0x0;
	s9 =	sshll.u32 @!p2 s9, $0x7  }
0xae: {  	[sflag:s30] =	ssyncadd.s32 $0xFFFFE000;
	s9 =	sadd.s32 @!p2 s6, s9  }
0xaf: {  	_ =	swait.ge [sflag:s31], $0x2000;
	s9 =	sshrl.u32 @!p2 s9, $0x3  }
0xb0: {  	s17 =	simm.s32 @!p2 $0x0;
	[sflag:s31] =	ssyncset.done $0x0;
	s16 =	sand.u32 @!p2 $0xFFFFFE0, s9  }
0xb1: {  	s21 =	simm.s32 @!p2 $0x80;
	[sflag:s31] =	ssyncadd.s32 $0xFFFFE000;
	s16 =	sadd.s32 @!p2 s16, s11  }
0xb2: {  	[tilespmem:s21], [sflag:$0x6] =	stream.linear.gather @!p2 [hbm4b:s16+s17], $0x40, $0x38;
	[tilespmem:$0x1BB80] =	vst v63  }
0xb3: {  	s9 =	sadd.s32 @!p2 s9, s11;
	s16 =	simm.s32 @!p2 $0x180  }
0xb4: {  	[tilespmem:s16], [sflag:$0x8] =	stream.linear.gather @!p2 [hbm4b:s9+s17], $0x40, $0x38;
	[tilespmem:$0x1BB80] =	vst v63  }
0xb5: {  	s9 =	simm.s32 @!p1 $0xA  }
0xb6: {  	_ =	swait.ge @!p1 [sflag:s9], $0x40  }
0xb7: {  	[sflag:s9] =	ssyncset.done @!p1 $0x0  }
0xb8: {  	s16 =	simm.s32 $0x0;
	s17 =	simm.s32 $0x0;
	[sflag:s9] =	ssyncadd.s32 @!p1 $0xFFFFFFC0  }
.LBB2_7:
0xb9: {  	s9 =	sshll.u32 s17, $0x4  }
0xba: {  	v17 =	vmov s9  }
0xbb: {  	v25 =	vadd.s32 s16, v16;
	v17 =	vshll.u32 v17, $0x7  }
0xbc: {  	v25 =	vand.u32 $0x7F, v25;
	v17 =	vor.u32 v1, v17  }
0xbd: {  	v26 =	vadd.s32 s16, v12;
	v28 =	vor.u32 v17, v25  }
0xbe: {  	v26 =	vand.u32 $0x7F, v26  }
0xbf: {  	v19 =	vadd.s32 s16, v13;
	v31 =	vor.u32 v17, v26  }
0xc0: {  	v21 =	vadd.s32 s16, v9;
	v19 =	vand.u32 $0x7F, v19;
	v18 =	vor.u32 v0, v17  }
0xc1: {  	v22 =	vor.u32 v17, v19;
	v19 =	vand.u32 $0x7F, v21;
	v20 =	vor.u32 s16, v18  }
0xc2: {  	v23 =	vor.u32 v17, v19;
	v30 =	vld.idx.msk [tilespmem:v28+s2+$0x0], $0xffff  }
0xc3: {  	v34 =	vld.idx.msk [tilespmem:v28+s0+$0x0], $0xffff  }
0xc4: {  	v21 =	vadd.s32 s16, v5;
	v36 =	vld.idx.msk [tilespmem:v31+s2+$0x0], $0xffff  }
0xc5: {  	v21 =	vand.u32 $0x7F, v21;
	v39 =	vld.idx.msk [tilespmem:v31+s0+$0x0], $0xffff  }
0xc6: {  	v24 =	vor.u32 v17, v21;
	v19 =	vld.idx.msk [tilespmem:v20+s2+$0x0], $0xffff  }
0xc7: {  	v29 =	vadd.s32 s16, v8;
	v25 =	vld.idx.msk [tilespmem:v23+s2+$0x0], $0xffff  }
0xc8: {  	v27 =	vld.idx.msk [tilespmem:v23+s0+$0x0], $0xffff;
	v23 =	vand.u32 $0x7F, v29  }
0xc9: {  	v28 =	vadd.s32 s16, v11;
	v21 =	vld.idx.msk [tilespmem:v20+s0+$0x0], $0xffff;
	v23 =	vor.u32 v17, v23  }
0xca: {  	v20 =	vld.idx.msk [tilespmem:v22+s2+$0x0], $0xffff;
	v28 =	vand.u32 $0x7F, v28  }
0xcb: {  	v29 =	vadd.s32 s16, v4;
	v26 =	vld.idx.msk [tilespmem:v24+s2+$0x0], $0xffff;
	v28 =	vor.u32 v17, v28  }
0xcc: {  	v33 =	vld.idx.msk [tilespmem:v24+s0+$0x0], $0xffff;
	v24 =	vand.u32 $0x7F, v29;
	v29 =	vadd.s32 s16, v15  }
0xcd: {  	v22 =	vld.idx.msk [tilespmem:v22+s0+$0x0], $0xffff;
	v24 =	vor.u32 v17, v24;
	v29 =	vand.u32 $0x7F, v29  }
0xce: {  	v32 =	vor.u32 v17, v29;
	v29 =	vadd.s32 s16, v7;
	v38 =	vld.idx.msk [tilespmem:v23+s2+$0x0], $0xffff  }
0xcf: {  	v35 =	vadd.s32 s16, v2;
	v31 =	vadd.s32 s16, v3;
	v29 =	vand.u32 $0x7F, v29;
	v41 =	vld.idx.msk [tilespmem:v23+s0+$0x0], $0xffff  }
0xd0: {  	v45 =	vor.u32 v17, v29;
	v29 =	vand.u32 $0x7F, v31;
	v31 =	vand.u32 $0x7F, v35;
	v35 =	vld.idx.msk [tilespmem:v28+s2+$0x0], $0xffff  }
0xd1: {  	v37 =	vld.idx.msk [tilespmem:v28+s0+$0x0], $0xffff  }
0xd2: {  	v44 =	vor.u32 v17, v29;
	v40 =	vld.idx.msk [tilespmem:v24+s2+$0x0], $0xffff  }
0xd3: {  	v46 =	vadd.s32 s16, v6;
	v23 =	vimm.f32 $0.0e+00;
	v43 =	vor.u32 v17, v31;
	v42 =	vld.idx.msk [tilespmem:v24+s0+$0x0], $0xffff  }
0xd4: {  	s22 =	simm.s32 $0x10;
	s21 =	simm.s32 $0x0;
	v31 =	vimm.f32 $0.0e+00;
	v28 =	vimm.f32 $0.0e+00;
	v29 =	vimm.f32 $0.0e+00;
	v24 =	vld.idx.msk [tilespmem:v32+s2+$0x0], $0xffff  }
.LBB2_8:
0xd5: {  	p1 =	sne.s32 s22, $0x70;
	v46 =	vand.u32 $0x7F, v46;
	v47 =	vld.idx.msk [tilespmem:v45+s2+$0x0], $0xffff  }
0xd6: {  	v48 =	vadd.s32 s21, v10;
	v46 =	vor.u32 v17, v46;
	v45 =	vld.idx.msk [tilespmem:v45+s0+$0x0], $0xffff  }
0xd7: {  	v49 =	vadd.s32 s22, v9;
	v50 =	vadd.s32 s22, v13;
	v48 =	vand.u32 $0x7F, v48;
	v51 =	vld.idx.msk [tilespmem:v44+s2+$0x0], $0xffff  }
0xd8: {  	v52 =	vor.u32 s22, v18;
	v53 =	vadd.s32 s21, v14;
	s21 =	smov.u32 s22;
	v48 =	vor.u32 v17, v48;
	v44 =	vld.idx.msk [tilespmem:v44+s0+$0x0], $0xffff  }
0xd9: {  	v54 =	vadd.s32 s22, v5;
	v50 =	vand.u32 $0x7F, v50;
	v53 =	vand.u32 $0x7F, v53;
	v55 =	vld.idx.msk [tilespmem:v43+s2+$0x0], $0xffff  }
0xda: {  	v54 =	vand.u32 $0x7F, v54;
	v49 =	vand.u32 $0x7F, v49;
	v53 =	vor.u32 v17, v53;
	v43 =	vld.idx.msk [tilespmem:v43+s0+$0x0], $0xffff  }
0xdb: {  	v21 =	vmul.f32 v21, v19;
	v49 =	vor.u32 v17, v49;
	v50 =	vor.u32 v17, v50;
	v56 =	vld.idx.msk [tilespmem:v46+s2+$0x0], $0xffff  }
0xdc: {  	v27 =	vmul.f32 v27, v25;
	v57 =	vmul.f32 v22, v20;
	v54 =	vor.u32 v17, v54;
	v46 =	vld.idx.msk [tilespmem:v46+s0+$0x0], $0xffff  }
0xdd: {  	v19 =	vadd.s32 s22, v12;
	v20 =	vadd.s32 s22, v16;
	v22 =	vmul.f32 v33, v26;
	v25 =	vld.idx.msk [tilespmem:v48+s2+$0x0], $0xffff  }
0xde: {  	v58 =	vadd.s32 s22, v4;
	v33 =	vadd.s32 s22, v8;
	v20 =	vand.u32 $0x7F, v20;
	v26 =	vld.idx.msk [tilespmem:v48+s0+$0x0], $0xffff  }
0xdf: {  	v36 =	vmul.f32 v39, v36;
	v30 =	vmul.f32 v34, v30;
	v19 =	vand.u32 $0x7F, v19;
	v39 =	vld.idx.msk [tilespmem:v53+s2+$0x0], $0xffff  }
0xe0: {  	v38 =	vmul.f32 v41, v38;
	v34 =	vor.u32 v17, v20;
	v20 =	vmul.f32 v43, v55;
	v41 =	vld.idx.msk [tilespmem:v53+s0+$0x0], $0xffff  }
0xe1: {  	v40 =	vmul.f32 v42, v40;
	v44 =	vmul.f32 v44, v51;
	v43 =	vor.u32 v17, v19;
	v32 =	vld.idx.msk [tilespmem:v32+s0+$0x0], $0xffff  }
0xe2: {  	v23 =	vadd.f32 v21, v23;
	v31 =	vadd.f32 v20, v31;
	v42 =	vmul.f32 v46, v56;
	v19 =	vld.idx.msk [tilespmem:v52+s2+$0x0], $0xffff  }
0xe3: {  	v29 =	vadd.f32 v40, v29;
	v40 =	vmul.f32 v45, v47;
	v28 =	vadd.f32 v44, v28;
	v21 =	vld.idx.msk [tilespmem:v52+s0+$0x0], $0xffff  }
0xe4: {  	v23 =	vadd.f32 v22, v23;
	v31 =	vadd.f32 v42, v31;
	v26 =	vmul.f32 v26, v25;
	v20 =	vld.idx.msk [tilespmem:v50+s2+$0x0], $0xffff  }
0xe5: {  	v35 =	vmul.f32 v37, v35;
	v29 =	vadd.f32 v38, v29;
	v28 =	vadd.f32 v40, v28;
	v22 =	vld.idx.msk [tilespmem:v50+s0+$0x0], $0xffff  }
0xe6: {  	v23 =	vadd.f32 v27, v23;
	v31 =	vadd.f32 v26, v31;
	v37 =	vmul.f32 v41, v39;
	v25 =	vld.idx.msk [tilespmem:v49+s2+$0x0], $0xffff  }
0xe7: {  	v29 =	vadd.f32 v36, v29;
	v28 =	vadd.f32 v35, v28;
	v24 =	vmul.f32 v32, v24;
	v27 =	vld.idx.msk [tilespmem:v49+s0+$0x0], $0xffff  }
0xe8: {  	v23 =	vadd.f32 v57, v23;
	v32 =	vand.u32 $0x7F, v33;
	v31 =	vadd.f32 v37, v31;
	v26 =	vld.idx.msk [tilespmem:v54+s2+$0x0], $0xffff  }
0xe9: {  	v29 =	vadd.f32 v30, v29;
	v35 =	vor.u32 v17, v32;
	v28 =	vadd.f32 v24, v28;
	v33 =	vld.idx.msk [tilespmem:v54+s0+$0x0], $0xffff  }
0xea: {  	v24 =	vand.u32 $0x7F, v58;
	v30 =	vld.idx.msk [tilespmem:v34+s2+$0x0], $0xffff  }
0xeb: {  	v32 =	vadd.s32 s22, v15;
	v24 =	vor.u32 v17, v24;
	v34 =	vld.idx.msk [tilespmem:v34+s0+$0x0], $0xffff  }
0xec: {  	v37 =	vadd.s32 s22, v11;
	v32 =	vand.u32 $0x7F, v32;
	v36 =	vld.idx.msk [tilespmem:v43+s2+$0x0], $0xffff  }
0xed: {  	v37 =	vand.u32 $0x7F, v37;
	v32 =	vor.u32 v17, v32;
	v39 =	vld.idx.msk [tilespmem:v43+s0+$0x0], $0xffff  }
0xee: {  	v40 =	vadd.s32 s22, v7;
	v37 =	vor.u32 v17, v37;
	v38 =	vld.idx.msk [tilespmem:v35+s2+$0x0], $0xffff  }
0xef: {  	v42 =	vand.u32 $0x7F, v40;
	v41 =	vld.idx.msk [tilespmem:v35+s0+$0x0], $0xffff  }
.Ltmp2:
0xf0: {  	v45 =	vor.u32 v17, v42;
	v35 =	vadd.s32 s22, v3;
	v40 =	vld.idx.msk [tilespmem:v24+s2+$0x0], $0xffff;
	(pc) =	sbr.rel @p1 .LBB2_8-.Ltmp2, $4  }
0xf1: {  	v35 =	vand.u32 $0x7F, v35;
	v42 =	vld.idx.msk [tilespmem:v24+s0+$0x0], $0xffff  }
0xf2: {  	v43 =	vadd.s32 s22, v2;
	v44 =	vor.u32 v17, v35;
	v24 =	vld.idx.msk [tilespmem:v32+s2+$0x0], $0xffff  }
0xf3: {  	v43 =	vand.u32 $0x7F, v43;
	v35 =	vld.idx.msk [tilespmem:v37+s2+$0x0], $0xffff  }
0xf4: {  	v46 =	vadd.s32 s21, v6;
	v43 =	vor.u32 v17, v43;
	s22 =	sadd.s32 $0x10, s22;
	v37 =	vld.idx.msk [tilespmem:v37+s0+$0x0], $0xffff  }
0xf5: {  	_ =	sdelay $0x3  }
0xf6: {  	v18 =	vand.u32 $0x7F, v46;
	v55 =	vld.idx.msk [tilespmem:v45+s2+$0x0], $0xffff  }
0xf7: {  	v56 =	vld.idx.msk [tilespmem:v45+s0+$0x0], $0xffff;
	v47 =	vadd.s32 s21, v10;
	v18 =	vor.u32 v17, v18  }
0xf8: {  	v48 =	vld.idx.msk [tilespmem:v44+s2+$0x0], $0xffff;
	v47 =	vand.u32 $0x7F, v47  }
0xf9: {  	v57 =	vld.idx.msk [tilespmem:v44+s0+$0x0], $0xffff;
	v49 =	vadd.s32 s21, v14;
	v47 =	vor.u32 v17, v47  }
0xfa: {  	v50 =	vld.idx.msk [tilespmem:v43+s2+$0x0], $0xffff;
	v49 =	vand.u32 $0x7F, v49  }
0xfb: {  	v58 =	vld.idx.msk [tilespmem:v43+s0+$0x0], $0xffff;
	v17 =	vor.u32 v17, v49  }
0xfc: {  	v59 =	vld.idx.msk [tilespmem:v18+s2+$0x0], $0xffff  }
0xfd: {  	v19 =	vmul.f32 v21, v19;
	v18 =	vld.idx.msk [tilespmem:v18+s0+$0x0], $0xffff  }
0xfe: {  	v21 =	vmul.f32 v27, v25;
	v20 =	vmul.f32 v22, v20;
	v61 =	vld.idx.msk [tilespmem:v47+s2+$0x0], $0xffff  }
0xff: {  	v60 =	vmul.f32 v33, v26;
	v63 =	vmul.f32 v39, v36;
	v62 =	vld.idx.msk [tilespmem:v47+s0+$0x0], $0xffff  }
0x100: {  	v53 =	vmul.f32 v42, v40;
	v52 =	vmul.f32 v57, v48;
	v47 =	vld.idx.msk [tilespmem:v17+s2+$0x0], $0xffff  }
0x101: {  	v51 =	vmul.f32 v41, v38;
	v19 =	vadd.f32 v19, v23;
	v50 =	vmul.f32 v58, v50;
	v17 =	vld.idx.msk [tilespmem:v17+s0+$0x0], $0xffff  }
0x102: {  	v32 =	vld.idx.msk [tilespmem:v32+s0+$0x0], $0xffff;
	v29 =	vadd.f32 v53, v29;
	v55 =	vmul.f32 v56, v55;
	v28 =	vadd.f32 v52, v28  }
0x103: {  	v19 =	vadd.f32 v60, v19;
	v54 =	vadd.f32 v50, v31;
	v18 =	vmul.f32 v18, v59  }
0x104: {  	v30 =	vmul.f32 v34, v30;
	v58 =	vadd.f32 v51, v29;
	v57 =	vadd.f32 v55, v28  }
0x105: {  	v59 =	vmul.f32 v37, v35;
	v56 =	vmul.f32 v62, v61;
	v18 =	vadd.f32 v18, v54  }
0x106: {  	v19 =	vadd.f32 v21, v19;
	v17 =	vmul.f32 v17, v47;
	v61 =	vadd.f32 v63, v58  }
0x107: {  	v62 =	vmul.f32 v32, v24;
	v60 =	vadd.f32 v59, v57;
	v18 =	vadd.f32 v56, v18  }
0x108: {  	v19 =	vadd.f32 v20, v19;
	v63 =	vadd.f32 v30, v61  }
0x109: {  	s17 =	sadd.s32 $0x1, s17;
	v17 =	vadd.f32 v17, v18;
	v18 =	vadd.f32 v62, v60  }
0x10a: {  	p1 =	sne.s32 s17, $0x4  }
.Ltmp3:
0x10b: {  	v17 =	vadd.f32 v17, v19;
	v18 =	vadd.f32 v63, v18;
	(pc) =	sbr.rel @p1 .LBB2_7-.Ltmp3, $3  }
0x10c: {  	_ = 	snop  }
0x10d: {  	v17 =	vadd.f32 v18, v17;
	_ =	sdelay $0x1  }
0x10e: {  	[tilespmem:s9+$0x8280] =	vst v17  }
0x10f: {  	s13 =	sadd.s32 $0x1, s13  }
0x110: {  	p1 =	sne.s32 s13, s15  }
.Ltmp4:
0x111: {  	s9 =	sshll.u32 s14, $0x6;
	(pc) =	sbr.rel @p1 .LBB2_2-.Ltmp4, $4  }
0x112: {  	s9 =	sadd.s32 s5, s9  }
0x113: {  	s9 =	sshrl.u32 s9, $0x3  }
0x114: {  	s9 =	sadd.s32 s3, s9  }
0x115: {  	[hbm4b:s9+s7] =	stream.linear.scatter [tilespmem:s19], [sflag:$0xA], $0x40, $0x38;
	[tilespmem:$0x1BB80] =	vst v63  }
0x116: {  	_ =	swait.ge [sflag:s20], $0x40  }
0x117: {  	[sflag:s20] =	ssyncset.done $0x0  }
0x118: {  	[sflag:s20] =	ssyncadd.s32 $0xFFFFFFC0  }
0x119: {  	_ =	swait.ge [sflag:s18], $0x40  }
0x11a: {  	s12 =	sadd.s32 $0x1, s12;
	s9 =	rddreg [dreg:$0x9]  }
0x11b: {  	p1 =	sne.s32 s12, s9  }
.Ltmp5:
0x11c: {  	_ = 	snop;
	(pc) =	sbr.rel @p1 .LBB2_1-.Ltmp5, $3  }
0x11d: {  	_ =	sdelay $0x1  }
0x11e: {  	[sflag:s18] =	ssyncset.done $0x0  }
0x11f: {  	[sflag:s18] =	ssyncadd.s32 $0xFFFFFFC0  }
0x120: {  	_ =	sfence.sel $0x180000  }
0x121: {  	[bflag:$0x0] =	sbarrier.arrive $0xFFFF  }
0x122: {  	_ =	strace $0x90000047  }
0x123: {  	[bflag:$0x2] =	sbarrier.arrive $0xFFFF  }
0x124: {  	s0 =	rddreg [dreg:$0x4]  }
0x125: {  	s0 =	sadd.s32 @!p0 $0x100000, s0  }
0x126: {  	[sflag:s0] =	ssyncadd.tile.s32 @!p0 $0x1;
	_ =	shalt  }
.Lfunc_end2:
_tile_overlayer_lowered:
.L_overlay_start_2:
0x127: {  	(tag) =	ssettag $0x2  }
0x128: {  	s0 =	rddreg [dreg:$0x0];
	s2 =	stileid.u32  }
0x129: {  	s1 =	rddreg [dreg:$0x1];
	p0 =	sne.s32 s2, $0x0  }
0x12a: {  	s3 =	rddreg [dreg:$0x2];
	[bflag:$0x3] =	sbarrier.arrive $0xFFFF;
	s2 =	simm.s32 @!p0 $0x1C0B  }
0x12b: {  	[timem:s3], [sflag:s2] =	dma.local @!p0 [hbm:s0], s1  }
0x12c: {  	s0 =	simm.s32 @!p0 $0xB  }
0x12d: {  	_ =	swait.ge @!p0 [sflag:s0], s1  }
0x12e: {  	s1 =	ssub.s32 @!p0 $0x0, s1;
	[sflag:s0] =	ssyncset.done @!p0 $0x0  }
0x12f: {  	[sflag:s0] =	ssyncadd.s32 @!p0 s1  }
0x130: {  	[bflag:$0x3] =	sbarrier.arrive $0xFFFF  }
0x131: {  	_ =	shalt  }

</sc_bundles>
